<compile_context>
chip_gen: v7x
topology: tpu7x:2x2x1
jax: 0.10.2.dev20260603
libtpu: 0.0.44.dev20260713+nightly
codegen_flags: <defaults>
</compile_context>

<pallas_src>
import dataclasses
import functools
import jax
import jax.numpy as jnp
from jax import lax
from jax.experimental import pallas as pl
from jax.experimental.pallas import tpu as pltpu
from jax.experimental.pallas import tpu_sc as plsc

DIM = 768
NUM_CODES = 1024
HEADS = 8
CODE_DIM = DIM // HEADS
BATCH = 8
SEQ = 1024
JT = 128
NJT = NUM_CODES // JT

WIN = 128
NWIN_N = SEQ * HEADS // WIN
NWIN = BATCH * NWIN_N
WN = WIN // HEADS


def _argmax_tiles(q, kh, row):
    mval = None
    for t in range(NJT):
        kt = kh[t * JT:(t + 1) * JT, :]
        lt = lax.dot_general(
            kt, q, (((1,), (1,)), ((), ())),
            preferred_element_type=jnp.float32,
        )
        if mval is None:
            mval = lt
            tmin = jnp.zeros((JT, SEQ), jnp.float32)
        else:
            gt = lt > mval
            mval = jnp.maximum(mval, lt)
            tmin = jnp.where(gt, jnp.float32(t), tmin)
    m = jnp.max(mval, axis=0, keepdims=True)
    jcand = tmin * jnp.float32(JT) + row
    masked = jnp.where(mval == m, jcand, jnp.float32(NUM_CODES))
    return jnp.min(masked, axis=0).astype(jnp.int32)


def _tc_body(x_ref, codes_ref, wk_ref, wv_ref, idx_ref, k_ref, v_ref):
    b = pl.program_id(0)
    scale = CODE_DIM ** -0.5
    row = lax.broadcasted_iota(jnp.int32, (JT, SEQ), 0).astype(jnp.float32)

    @pl.when(b == 0)
    def _():
        for h in range(HEADS):
            k_ref[h] = jnp.dot(
                codes_ref[h], wk_ref[h], preferred_element_type=jnp.float32)
            v_ref[h] = jnp.dot(
                codes_ref[h], wv_ref[h], preferred_element_type=jnp.float32)

    for h in range(HEADS):
        q = x_ref[0][:, h * CODE_DIM:(h + 1) * CODE_DIM] * scale
        idx_ref[0, h] = _argmax_tiles(q, k_ref[h], row)


_KV_SPEC = pl.BlockSpec((HEADS, NUM_CODES, CODE_DIM), lambda b: (0, 0, 0))
_KV_SHAPE = jax.ShapeDtypeStruct((HEADS, NUM_CODES, CODE_DIM), jnp.float32)


def _tc_argmax(x, codes, Wk, Wv):
    wspec = pl.BlockSpec((HEADS, CODE_DIM, CODE_DIM), lambda b: (0, 0, 0))
    return pl.pallas_call(
        _tc_body,
        grid=(BATCH,),
        in_specs=[
            pl.BlockSpec((1, SEQ, DIM), lambda b: (b, 0, 0)),
            _KV_SPEC, wspec, wspec,
        ],
        out_specs=[
            pl.BlockSpec((1, HEADS, SEQ), lambda b: (b, 0, 0)),
            _KV_SPEC, _KV_SPEC,
        ],
        out_shape=[
            jax.ShapeDtypeStruct((BATCH, HEADS, SEQ), jnp.int32),
            _KV_SHAPE, _KV_SHAPE,
        ],
    )(x, codes, Wk, Wv)


def _sc_compiler_params():
    cp = pltpu.CompilerParams(use_tc_tiling_on_sc=False)
    if "needs_layout_passes" in pltpu.CompilerParams.__dataclass_fields__:
        cp = dataclasses.replace(cp, needs_layout_passes=False)
    return cp


def _sc_gather(v_flat, idx):
    mesh = plsc.VectorSubcoreMesh(core_axis_name="core", subcore_axis_name="subcore")

    @functools.partial(
        pl.kernel,
        out_type=jax.ShapeDtypeStruct((BATCH * SEQ * HEADS, CODE_DIM), jnp.float32),
        mesh=mesh,
        compiler_params=_sc_compiler_params(),
        scratch_types=[pltpu.VMEM((WIN,), jnp.int32)],
    )
    def k(table_hbm, idx_hbm, out_hbm, glist):
        lanes = lax.iota(jnp.int32, 16)

        def body(i_vmem, o_vmem):
            for g in range(WIN // 16):
                p = g * 16 + lanes
                hv = lax.rem(p, jnp.int32(HEADS))
                nv = lax.div(p, jnp.int32(HEADS))
                vals = plsc.load_gather(i_vmem.at[0], [hv, nv])
                glist[pl.ds(g * 16, 16)] = vals + hv * jnp.int32(NUM_CODES)
            pltpu.sync_copy(table_hbm.at[glist], o_vmem)

        pltpu.emit_pipeline(
            body,
            grid=(NWIN,),
            in_specs=[pl.BlockSpec((1, HEADS, WN),
                                   index_map=lambda i: (i // NWIN_N, 0, i % NWIN_N))],
            out_specs=[pl.BlockSpec((WIN, CODE_DIM), index_map=lambda i: (i, 0))],
            core_axis_name=("core", "subcore"),
            dimension_semantics=(pltpu.PARALLEL,),
        )(idx_hbm, out_hbm)

    return k(v_flat, idx)


@jax.jit
def kernel(x, codes, Wk, Wv):
    idx, _, v = _tc_argmax(x, codes, Wk, Wv)
    v_flat = v.reshape(HEADS * NUM_CODES, CODE_DIM)
    out = _sc_gather(v_flat, idx)
    return out.reshape(BATCH, SEQ, DIM), idx

# --- scband reference (transcript-rebuilt; emitter-appended) ---
"""Pipeline reference for scband-memcodes-40235253629346 (READ-ONLY COPY).

The authoritative reference and input builder live on the scoring server;
editing this copy changes nothing except your own understanding.
"""

import jax, jax.numpy as jnp
import numpy as np

DIM = 768
NUM_CODES = 1024
HEADS = 8
CODE_DIM = DIM // HEADS
BATCH = 8
SEQ = 1024


def setup_inputs(seed: int = 0) -> dict:
    key = jax.random.key(seed)
    k1, k2, k3, k4 = jax.random.split(key, 4)
    x = jax.random.normal(k1, (BATCH, SEQ, DIM), dtype=jnp.float32)
    codes = jax.random.normal(k2, (HEADS, NUM_CODES, CODE_DIM), dtype=jnp.float32)
    Wk = jax.random.normal(k3, (HEADS, CODE_DIM, CODE_DIM), dtype=jnp.float32) * (CODE_DIM ** -0.5)
    Wv = jax.random.normal(k4, (HEADS, CODE_DIM, CODE_DIM), dtype=jnp.float32) * (CODE_DIM ** -0.5)
    return {"x": x, "codes": codes, "Wk": Wk, "Wv": Wv}


def reference(x, codes, Wk, Wv):
    scale = CODE_DIM ** -0.5
    b, n, _ = x.shape
    # b n (h d) -> b h n d
    q = x.reshape(b, n, HEADS, CODE_DIM).transpose(0, 2, 1, 3)
    q = q * scale
    # EinMix: 'h n d -> h n c' with weight 'h d c'
    k = jnp.einsum('hnd,hdc->hnc', codes, Wk)
    v = jnp.einsum('hnd,hdc->hnc', codes, Wv)
    # logits: b h i j
    logits = jnp.einsum('bhid,hjd->bhij', q, k)
    codebook_indices = jnp.argmax(logits, axis=-1)
    attn = jax.nn.one_hot(codebook_indices, NUM_CODES, dtype=jnp.float32)
    out = jnp.einsum('bhij,hjd->bhid', attn, v)
    # b h n d -> b n (h d)
    out = out.transpose(0, 2, 1, 3).reshape(b, n, HEADS * CODE_DIM)
    return (out, codebook_indices)

if __name__ == "__main__":
    import jax
    _d = setup_inputs()
    print(jax.jit(kernel)(*tuple(_d.values())))

</pallas_src>

<mosaic_0001>
#map = affine_map<(d0, d1) -> (0, 0)>
#map1 = affine_map<(d0, d1) -> (0, 0, 0)>
module attributes {stable_mosaic.version = 14 : i64} {
  func.func @k(%arg0: i32, %arg1: i32, %arg2: memref<8192x96xf32, #tpu.memory_space<hbm>>, %arg3: memref<8x8x1024xi32, #tpu.memory_space<hbm>>, %arg4: memref<65536x96xf32, #tpu.memory_space<hbm>>, %arg5: memref<128xi32, #tpu.memory_space<vmem>>) attributes {dimension_semantics = [#tpu.dimension_semantics<core_parallel>, #tpu.dimension_semantics<subcore_parallel>], iteration_bounds = array<i64: 2, 16>, scalar_prefetch = 0 : i64, scratch_operands = 1 : i64, tpu.core_type = #tpu.core_type<sc_vector_subcore>, window_params = [{transform_indices = #map}, {transform_indices = #map1}, {transform_indices = #map}]} {
    %iota3A = tpu.iota {dimensions = array<i32: 0>} : vector<16xi32>
    %mul3A = arith.constant 1 : i32
    %mul3A_0 = arith.muli %arg1, %mul3A : i32
    %add3A = arith.constant 0 : i32
    %add3A_1 = arith.addi %add3A, %mul3A_0 : i32
    %mul3A_2 = arith.constant 16 : i32
    %mul3A_3 = arith.muli %arg0, %mul3A_2 : i32
    %add3A_4 = arith.addi %add3A_1, %mul3A_3 : i32
    %mul3A_5 = arith.constant 16 : i32
    %mul3A_6 = arith.muli %add3A_4, %mul3A_5 : i32
    "tpu.region"() ({
      %run_scoped3A = memref.alloca() : memref<2x1x8x16xi32, #tpu.memory_space<vmem>>
      %run_scoped3A_7 = tpu.sem_alloc : memref<2x!tpu.dma_semaphore, #tpu.memory_space<semaphore_mem>>
      %run_scoped3A_8 = memref.alloca() : memref<2x128x96xf32, #tpu.memory_space<vmem>>
      %run_scoped3A_9 = tpu.sem_alloc : memref<2x!tpu.dma_semaphore, #tpu.memory_space<semaphore_mem>>
      %add3A_10 = arith.constant 0 : i32
      %add3A_11 = arith.addi %add3A_10, %mul3A_6 : i32
      %select_n3A = arith.constant true
      %select_n3A_12 = arith.constant 0 : i32
      %select_n3A_13 = arith.constant -1 : i32
      %select_n3A_14 = arith.select %select_n3A, %select_n3A_13, %select_n3A_12 : i32
      %eq3A = arith.constant -1 : i32
      %eq3A_15 = arith.cmpi eq, %select_n3A_14, %eq3A : i32
      %select_n3A_16 = arith.constant 15 : i32
      %select_n3A_17 = arith.select %eq3A_15, %select_n3A_16, %select_n3A_14 : i32
      %add3A_18 = arith.addi %select_n3A_17, %mul3A_6 : i32
      %select_n3A_19 = arith.constant true
      %select_n3A_20 = arith.constant 0 : i32
      %select_n3A_21 = arith.constant 1 : i32
      %select_n3A_22 = arith.select %select_n3A_19, %select_n3A_21, %select_n3A_20 : i32
      %eq3A_23 = arith.constant 16 : i32
      %eq3A_24 = arith.cmpi eq, %select_n3A_22, %eq3A_23 : i32
      %select_n3A_25 = arith.constant 0 : i32
      %select_n3A_26 = arith.select %eq3A_24, %select_n3A_25, %select_n3A_22 : i32
      %add3A_27 = arith.addi %select_n3A_26, %mul3A_6 : i32
      %add3A_28 = arith.constant 1 : i32
      %add3A_29 = arith.addi %select_n3A_26, %add3A_28 : i32
      %select_n3A_30 = arith.constant true
      %select_n3A_31 = arith.select %select_n3A_30, %add3A_29, %select_n3A_26 : i32
      %eq3A_32 = arith.constant 16 : i32
      %eq3A_33 = arith.cmpi eq, %select_n3A_31, %eq3A_32 : i32
      %select_n3A_34 = arith.constant 0 : i32
      %select_n3A_35 = arith.select %eq3A_33, %select_n3A_34, %select_n3A_31 : i32
      %add3A_36 = arith.addi %select_n3A_35, %mul3A_6 : i32
      "tpu.trace_start"() <{level = 10 : i32, message = "ep_initialize_0"}> : () -> ()
      %rem3A = arith.constant 0 : i32
      %rem3A_37 = arith.constant 2 : i32
      %rem3A_38 = arith.remui %rem3A, %rem3A_37 : i32
      %jit3A = arith.constant 64 : i32
      %div3A = arith.divsi %add3A_11, %jit3A : i32
      %sign3A = arith.constant 0 : i32
      %sign3A_39 = arith.cmpi sgt, %add3A_11, %sign3A : i32
      %sign3A_40 = arith.extui %sign3A_39 : i1 to i32
      %sign3A_41 = arith.constant 0 : i32
      %sign3A_42 = arith.cmpi slt, %add3A_11, %sign3A_41 : i32
      %sign3A_43 = arith.extui %sign3A_42 : i1 to i32
      %sign3A_44 = arith.subi %sign3A_40, %sign3A_43 : i32
      %sign3A_45 = arith.constant 0 : i32
      %sign3A_46 = arith.cmpi sgt, %jit3A, %sign3A_45 : i32
      %sign3A_47 = arith.extui %sign3A_46 : i1 to i32
      %sign3A_48 = arith.constant 0 : i32
      %sign3A_49 = arith.cmpi slt, %jit3A, %sign3A_48 : i32
      %sign3A_50 = arith.extui %sign3A_49 : i1 to i32
      %sign3A_51 = arith.subi %sign3A_47, %sign3A_50 : i32
      %ne3A = arith.cmpi ne, %sign3A_44, %sign3A_51 : i32
      %rem3A_52 = arith.remsi %add3A_11, %jit3A : i32
      %ne3A_53 = arith.constant 0 : i32
      %ne3A_54 = arith.cmpi ne, %rem3A_52, %ne3A_53 : i32
      %and3A = arith.andi %ne3A, %ne3A_54 : i1
      %sub3A = arith.constant 1 : i32
      %sub3A_55 = arith.subi %div3A, %sub3A : i32
      %select_n3A_56 = arith.select %and3A, %sub3A_55, %div3A : i32
      %jit3A_57 = arith.constant 64 : i32
      %eq3A_58 = arith.constant 0 : i32
      %eq3A_59 = arith.cmpi eq, %jit3A_57, %eq3A_58 : i32
      %jit3A_60 = arith.constant 1 : i32
      %select_n3A_61 = arith.select %eq3A_59, %jit3A_60, %jit3A_57 : i32
      %rem3A_62 = arith.remsi %add3A_11, %select_n3A_61 : i32
      %ne3A_63 = arith.constant 0 : i32
      %ne3A_64 = arith.cmpi ne, %rem3A_62, %ne3A_63 : i32
      %lt3A = arith.constant 0 : i32
      %lt3A_65 = arith.cmpi slt, %rem3A_62, %lt3A : i32
      %lt3A_66 = arith.constant 0 : i32
      %lt3A_67 = arith.cmpi slt, %select_n3A_61, %lt3A_66 : i32
      %ne3A_68 = arith.xori %lt3A_65, %lt3A_67 : i1
      %and3A_69 = arith.andi %ne3A_68, %ne3A_64 : i1
      %add3A_70 = arith.addi %rem3A_62, %select_n3A_61 : i32
      %select_n3A_71 = arith.select %and3A_69, %add3A_70, %rem3A_62 : i32
      %mul3A_72 = arith.constant 1 : i32
      %mul3A_73 = arith.muli %mul3A_72, %select_n3A_56 : i32
      %mul3A_74 = arith.constant 16 : i32
      %mul3A_75 = arith.muli %mul3A_74, %select_n3A_71 : i32
      %dma_start3A = arith.constant 0 : i32
      %dma_start3A_76 = arith.constant 0 : i32
      %dma_start3A_77 = arith.constant 0 : i32
      %dma_start3A_78 = tpu.memref_slice %run_scoped3A[%rem3A_38, %dma_start3A, %dma_start3A_76, %dma_start3A_77] : memref<2x1x8x16xi32, #tpu.memory_space<vmem>> -> memref<1x1x8x16xi32, #tpu.memory_space<vmem>>
      %dma_start3A_79 = tpu.memref_squeeze %dma_start3A_78 : memref<1x1x8x16xi32, #tpu.memory_space<vmem>> -> memref<1x8x16xi32, #tpu.memory_space<vmem>>
      %dma_start3A_80 = arith.constant 0 : i32
      %dma_start3A_81 = tpu.memref_slice %arg3[%mul3A_73, %dma_start3A_80, %mul3A_75] : memref<8x8x1024xi32, #tpu.memory_space<hbm>> -> memref<1x8x16xi32, #tpu.memory_space<hbm>>
      %dma_start3A_82 = tpu.memref_slice %run_scoped3A_7[%rem3A_38] : memref<2x!tpu.dma_semaphore, #tpu.memory_space<semaphore_mem>> -> memref<1x!tpu.dma_semaphore, #tpu.memory_space<semaphore_mem>>
      %dma_start3A_83 = tpu.memref_squeeze %dma_start3A_82 : memref<1x!tpu.dma_semaphore, #tpu.memory_space<semaphore_mem>> -> memref<!tpu.dma_semaphore, #tpu.memory_space<semaphore_mem>>
      %dma_start3A_84 = arith.constant 0 : i32
      %dma_start3A_85 = arith.constant 0 : i32
      %dma_start3A_86 = arith.constant 0 : i32
      %dma_start3A_87 = tpu.memref_slice %run_scoped3A[%rem3A_38, %dma_start3A_84, %dma_start3A_85, %dma_start3A_86] : memref<2x1x8x16xi32, #tpu.memory_space<vmem>> -> memref<1x1x8x16xi32, #tpu.memory_space<vmem>>
      %dma_start3A_88 = tpu.memref_squeeze %dma_start3A_87 : memref<1x1x8x16xi32, #tpu.memory_space<vmem>> -> memref<1x8x16xi32, #tpu.memory_space<vmem>>
      %dma_start3A_89 = arith.constant 0 : i32
      %dma_start3A_90 = tpu.memref_slice %arg3[%mul3A_73, %dma_start3A_89, %mul3A_75] : memref<8x8x1024xi32, #tpu.memory_space<hbm>> -> memref<1x8x16xi32, #tpu.memory_space<hbm>>
      tpu.enqueue_dma source(%dma_start3A_90 : memref<1x8x16xi32, #tpu.memory_space<hbm>>) target(%dma_start3A_88 : memref<1x8x16xi32, #tpu.memory_space<vmem>>) target_semaphore(%dma_start3A_83 : memref<!tpu.dma_semaphore, #tpu.memory_space<semaphore_mem>>)
      %add3A_91 = arith.constant 0 : i32
      %add3A_92 = arith.constant 1 : i32
      %add3A_93 = arith.addi %add3A_91, %add3A_92 : i32
      %select_n3A_94 = arith.constant true
      %select_n3A_95 = arith.constant 0 : i32
      %select_n3A_96 = arith.select %select_n3A_94, %add3A_93, %select_n3A_95 : i32
      "tpu.trace_stop"() : () -> ()
      %scan3A = arith.constant 0 : i32
      %scan3A_97 = arith.constant 0 : i32
      %scan3A_98 = arith.constant 0 : i32
      %scan3A_99 = arith.constant 0 : i32
      %scan3A_100 = arith.constant 0 : i32
      %scan3A_101 = arith.constant 16 : i32
      %scan3A_102 = arith.addi %scan3A_100, %scan3A_101 : i32
      %scan3A_103 = arith.constant 1 : i32
      %scan3A_104:5 = scf.for %scan3A_159 = %scan3A_100 to %scan3A_102 step %scan3A_103 iter_args(%scan3A_160 = %select_n3A_96, %scan3A_161 = %scan3A, %scan3A_162 = %scan3A_97, %scan3A_163 = %scan3A_98, %scan3A_164 = %scan3A_99) -> (i32, i32, i32, i32, i32)  : i32 {
        %eq3A_165 = arith.constant 0 : i32
        %eq3A_166 = arith.cmpi eq, %scan3A_159, %eq3A_165 : i32
        %eq3A_167 = arith.constant 15 : i32
        %eq3A_168 = arith.cmpi eq, %scan3A_159, %eq3A_167 : i32
        %add3A_169 = arith.addi %scan3A_164, %mul3A_6 : i32
        %sub3A_170 = arith.constant 1 : i32
        %sub3A_171 = arith.subi %scan3A_164, %sub3A_170 : i32
        %select_n3A_172 = arith.constant true
        %select_n3A_173 = arith.select %select_n3A_172, %sub3A_171, %scan3A_164 : i32
        %eq3A_174 = arith.constant -1 : i32
        %eq3A_175 = arith.cmpi eq, %select_n3A_173, %eq3A_174 : i32
        %select_n3A_176 = arith.constant 15 : i32
        %select_n3A_177 = arith.select %eq3A_175, %select_n3A_176, %select_n3A_173 : i32
        %add3A_178 = arith.addi %select_n3A_177, %mul3A_6 : i32
        %add3A_179 = arith.constant 1 : i32
        %add3A_180 = arith.addi %scan3A_164, %add3A_179 : i32
        %select_n3A_181 = arith.constant true
        %select_n3A_182 = arith.select %select_n3A_181, %add3A_180, %scan3A_164 : i32
        %eq3A_183 = arith.constant 16 : i32
        %eq3A_184 = arith.cmpi eq, %select_n3A_182, %eq3A_183 : i32
        %select_n3A_185 = arith.constant 0 : i32
        %select_n3A_186 = arith.select %eq3A_184, %select_n3A_185, %select_n3A_182 : i32
        %add3A_187 = arith.addi %select_n3A_186, %mul3A_6 : i32
        %add3A_188 = arith.constant 1 : i32
        %add3A_189 = arith.addi %select_n3A_186, %add3A_188 : i32
        %select_n3A_190 = arith.constant true
        %select_n3A_191 = arith.select %select_n3A_190, %add3A_189, %select_n3A_186 : i32
        %eq3A_192 = arith.constant 16 : i32
        %eq3A_193 = arith.cmpi eq, %select_n3A_191, %eq3A_192 : i32
        %select_n3A_194 = arith.constant 0 : i32
        %select_n3A_195 = arith.select %eq3A_193, %select_n3A_194, %select_n3A_191 : i32
        %add3A_196 = arith.addi %select_n3A_195, %mul3A_6 : i32
        %jit3A_197 = arith.constant 64 : i32
        %div3A_198 = arith.divsi %add3A_169, %jit3A_197 : i32
        %sign3A_199 = arith.constant 0 : i32
        %sign3A_200 = arith.cmpi sgt, %add3A_169, %sign3A_199 : i32
        %sign3A_201 = arith.extui %sign3A_200 : i1 to i32
        %sign3A_202 = arith.constant 0 : i32
        %sign3A_203 = arith.cmpi slt, %add3A_169, %sign3A_202 : i32
        %sign3A_204 = arith.extui %sign3A_203 : i1 to i32
        %sign3A_205 = arith.subi %sign3A_201, %sign3A_204 : i32
        %sign3A_206 = arith.constant 0 : i32
        %sign3A_207 = arith.cmpi sgt, %jit3A_197, %sign3A_206 : i32
        %sign3A_208 = arith.extui %sign3A_207 : i1 to i32
        %sign3A_209 = arith.constant 0 : i32
        %sign3A_210 = arith.cmpi slt, %jit3A_197, %sign3A_209 : i32
        %sign3A_211 = arith.extui %sign3A_210 : i1 to i32
        %sign3A_212 = arith.subi %sign3A_208, %sign3A_211 : i32
        %ne3A_213 = arith.cmpi ne, %sign3A_205, %sign3A_212 : i32
        %rem3A_214 = arith.remsi %add3A_169, %jit3A_197 : i32
        %ne3A_215 = arith.constant 0 : i32
        %ne3A_216 = arith.cmpi ne, %rem3A_214, %ne3A_215 : i32
        %and3A_217 = arith.andi %ne3A_213, %ne3A_216 : i1
        %sub3A_218 = arith.constant 1 : i32
        %sub3A_219 = arith.subi %div3A_198, %sub3A_218 : i32
        %select_n3A_220 = arith.select %and3A_217, %sub3A_219, %div3A_198 : i32
        %jit3A_221 = arith.constant 64 : i32
        %eq3A_222 = arith.constant 0 : i32
        %eq3A_223 = arith.cmpi eq, %jit3A_221, %eq3A_222 : i32
        %jit3A_224 = arith.constant 1 : i32
        %select_n3A_225 = arith.select %eq3A_223, %jit3A_224, %jit3A_221 : i32
        %rem3A_226 = arith.remsi %add3A_169, %select_n3A_225 : i32
        %ne3A_227 = arith.constant 0 : i32
        %ne3A_228 = arith.cmpi ne, %rem3A_226, %ne3A_227 : i32
        %lt3A_229 = arith.constant 0 : i32
        %lt3A_230 = arith.cmpi slt, %rem3A_226, %lt3A_229 : i32
        %lt3A_231 = arith.constant 0 : i32
        %lt3A_232 = arith.cmpi slt, %select_n3A_225, %lt3A_231 : i32
        %ne3A_233 = arith.xori %lt3A_230, %lt3A_232 : i1
        %and3A_234 = arith.andi %ne3A_233, %ne3A_228 : i1
        %add3A_235 = arith.addi %rem3A_226, %select_n3A_225 : i32
        %select_n3A_236 = arith.select %and3A_234, %add3A_235, %rem3A_226 : i32
        %jit3A_237 = arith.constant 64 : i32
        %div3A_238 = arith.divsi %add3A_187, %jit3A_237 : i32
        %sign3A_239 = arith.constant 0 : i32
        %sign3A_240 = arith.cmpi sgt, %add3A_187, %sign3A_239 : i32
        %sign3A_241 = arith.extui %sign3A_240 : i1 to i32
        %sign3A_242 = arith.constant 0 : i32
        %sign3A_243 = arith.cmpi slt, %add3A_187, %sign3A_242 : i32
        %sign3A_244 = arith.extui %sign3A_243 : i1 to i32
        %sign3A_245 = arith.subi %sign3A_241, %sign3A_244 : i32
        %sign3A_246 = arith.constant 0 : i32
        %sign3A_247 = arith.cmpi sgt, %jit3A_237, %sign3A_246 : i32
        %sign3A_248 = arith.extui %sign3A_247 : i1 to i32
        %sign3A_249 = arith.constant 0 : i32
        %sign3A_250 = arith.cmpi slt, %jit3A_237, %sign3A_249 : i32
        %sign3A_251 = arith.extui %sign3A_250 : i1 to i32
        %sign3A_252 = arith.subi %sign3A_248, %sign3A_251 : i32
        %ne3A_253 = arith.cmpi ne, %sign3A_245, %sign3A_252 : i32
        %rem3A_254 = arith.remsi %add3A_187, %jit3A_237 : i32
        %ne3A_255 = arith.constant 0 : i32
        %ne3A_256 = arith.cmpi ne, %rem3A_254, %ne3A_255 : i32
        %and3A_257 = arith.andi %ne3A_253, %ne3A_256 : i1
        %sub3A_258 = arith.constant 1 : i32
        %sub3A_259 = arith.subi %div3A_238, %sub3A_258 : i32
        %select_n3A_260 = arith.select %and3A_257, %sub3A_259, %div3A_238 : i32
        %jit3A_261 = arith.constant 64 : i32
        %eq3A_262 = arith.constant 0 : i32
        %eq3A_263 = arith.cmpi eq, %jit3A_261, %eq3A_262 : i32
        %jit3A_264 = arith.constant 1 : i32
        %select_n3A_265 = arith.select %eq3A_263, %jit3A_264, %jit3A_261 : i32
        %rem3A_266 = arith.remsi %add3A_187, %select_n3A_265 : i32
        %ne3A_267 = arith.constant 0 : i32
        %ne3A_268 = arith.cmpi ne, %rem3A_266, %ne3A_267 : i32
        %lt3A_269 = arith.constant 0 : i32
        %lt3A_270 = arith.cmpi slt, %rem3A_266, %lt3A_269 : i32
        %lt3A_271 = arith.constant 0 : i32
        %lt3A_272 = arith.cmpi slt, %select_n3A_265, %lt3A_271 : i32
        %ne3A_273 = arith.xori %lt3A_270, %lt3A_272 : i1
        %and3A_274 = arith.andi %ne3A_273, %ne3A_268 : i1
        %add3A_275 = arith.addi %rem3A_266, %select_n3A_265 : i32
        %select_n3A_276 = arith.select %and3A_274, %add3A_275, %rem3A_266 : i32
        %ne3A_277 = arith.cmpi ne, %select_n3A_220, %select_n3A_260 : i32
        %ne3A_278 = arith.cmpi ne, %select_n3A_236, %select_n3A_276 : i32
        %or3A = arith.constant false
        %or3A_279 = arith.ori %or3A, %ne3A_277 : i1
        %or3A_280 = arith.constant false
        %or3A_281 = arith.ori %or3A_279, %or3A_280 : i1
        %or3A_282 = arith.ori %or3A_281, %ne3A_278 : i1
        %ge3A = arith.constant 15 : i32
        %ge3A_283 = arith.cmpi sge, %scan3A_159, %ge3A : i32
        %not3A = arith.constant true
        %not3A_284 = arith.xori %ge3A_283, %not3A : i1
        %and3A_285 = arith.andi %or3A_282, %not3A_284 : i1
        %convert_element_type3A = arith.extui %and3A_285 : i1 to i32
        %cond3A = arith.constant 0 : i32
        %cond3A_286 = arith.cmpi ne, %convert_element_type3A, %cond3A : i32
        scf.if %cond3A_286 {
          "tpu.trace_start"() <{level = 10 : i32, message = "ep_copy_in"}> : () -> ()
          %rem3A_929 = arith.constant 2 : i32
          %rem3A_930 = arith.remui %scan3A_160, %rem3A_929 : i32
          %jit3A_931 = arith.constant 64 : i32
          %div3A_932 = arith.divsi %add3A_187, %jit3A_931 : i32
          %sign3A_933 = arith.constant 0 : i32
          %sign3A_934 = arith.cmpi sgt, %add3A_187, %sign3A_933 : i32
          %sign3A_935 = arith.extui %sign3A_934 : i1 to i32
          %sign3A_936 = arith.constant 0 : i32
          %sign3A_937 = arith.cmpi slt, %add3A_187, %sign3A_936 : i32
          %sign3A_938 = arith.extui %sign3A_937 : i1 to i32
          %sign3A_939 = arith.subi %sign3A_935, %sign3A_938 : i32
          %sign3A_940 = arith.constant 0 : i32
          %sign3A_941 = arith.cmpi sgt, %jit3A_931, %sign3A_940 : i32
          %sign3A_942 = arith.extui %sign3A_941 : i1 to i32
          %sign3A_943 = arith.constant 0 : i32
          %sign3A_944 = arith.cmpi slt, %jit3A_931, %sign3A_943 : i32
          %sign3A_945 = arith.extui %sign3A_944 : i1 to i32
          %sign3A_946 = arith.subi %sign3A_942, %sign3A_945 : i32
          %ne3A_947 = arith.cmpi ne, %sign3A_939, %sign3A_946 : i32
          %rem3A_948 = arith.remsi %add3A_187, %jit3A_931 : i32
          %ne3A_949 = arith.constant 0 : i32
          %ne3A_950 = arith.cmpi ne, %rem3A_948, %ne3A_949 : i32
          %and3A_951 = arith.andi %ne3A_947, %ne3A_950 : i1
          %sub3A_952 = arith.constant 1 : i32
          %sub3A_953 = arith.subi %div3A_932, %sub3A_952 : i32
          %select_n3A_954 = arith.select %and3A_951, %sub3A_953, %div3A_932 : i32
          %jit3A_955 = arith.constant 64 : i32
          %eq3A_956 = arith.constant 0 : i32
          %eq3A_957 = arith.cmpi eq, %jit3A_955, %eq3A_956 : i32
          %jit3A_958 = arith.constant 1 : i32
          %select_n3A_959 = arith.select %eq3A_957, %jit3A_958, %jit3A_955 : i32
          %rem3A_960 = arith.remsi %add3A_187, %select_n3A_959 : i32
          %ne3A_961 = arith.constant 0 : i32
          %ne3A_962 = arith.cmpi ne, %rem3A_960, %ne3A_961 : i32
          %lt3A_963 = arith.constant 0 : i32
          %lt3A_964 = arith.cmpi slt, %rem3A_960, %lt3A_963 : i32
          %lt3A_965 = arith.constant 0 : i32
          %lt3A_966 = arith.cmpi slt, %select_n3A_959, %lt3A_965 : i32
          %ne3A_967 = arith.xori %lt3A_964, %lt3A_966 : i1
          %and3A_968 = arith.andi %ne3A_967, %ne3A_962 : i1
          %add3A_969 = arith.addi %rem3A_960, %select_n3A_959 : i32
          %select_n3A_970 = arith.select %and3A_968, %add3A_969, %rem3A_960 : i32
          %mul3A_971 = arith.constant 1 : i32
          %mul3A_972 = arith.muli %mul3A_971, %select_n3A_954 : i32
          %mul3A_973 = arith.constant 16 : i32
          %mul3A_974 = arith.muli %mul3A_973, %select_n3A_970 : i32
          %dma_start3A_975 = arith.constant 0 : i32
          %dma_start3A_976 = arith.constant 0 : i32
          %dma_start3A_977 = arith.constant 0 : i32
          %dma_start3A_978 = tpu.memref_slice %run_scoped3A[%rem3A_930, %dma_start3A_975, %dma_start3A_976, %dma_start3A_977] : memref<2x1x8x16xi32, #tpu.memory_space<vmem>> -> memref<1x1x8x16xi32, #tpu.memory_space<vmem>>
          %dma_start3A_979 = tpu.memref_squeeze %dma_start3A_978 : memref<1x1x8x16xi32, #tpu.memory_space<vmem>> -> memref<1x8x16xi32, #tpu.memory_space<vmem>>
          %dma_start3A_980 = arith.constant 0 : i32
          %dma_start3A_981 = tpu.memref_slice %arg3[%mul3A_972, %dma_start3A_980, %mul3A_974] : memref<8x8x1024xi32, #tpu.memory_space<hbm>> -> memref<1x8x16xi32, #tpu.memory_space<hbm>>
          %dma_start3A_982 = tpu.memref_slice %run_scoped3A_7[%rem3A_930] : memref<2x!tpu.dma_semaphore, #tpu.memory_space<semaphore_mem>> -> memref<1x!tpu.dma_semaphore, #tpu.memory_space<semaphore_mem>>
          %dma_start3A_983 = tpu.memref_squeeze %dma_start3A_982 : memref<1x!tpu.dma_semaphore, #tpu.memory_space<semaphore_mem>> -> memref<!tpu.dma_semaphore, #tpu.memory_space<semaphore_mem>>
          %dma_start3A_984 = arith.constant 0 : i32
          %dma_start3A_985 = arith.constant 0 : i32
          %dma_start3A_986 = arith.constant 0 : i32
          %dma_start3A_987 = tpu.memref_slice %run_scoped3A[%rem3A_930, %dma_start3A_984, %dma_start3A_985, %dma_start3A_986] : memref<2x1x8x16xi32, #tpu.memory_space<vmem>> -> memref<1x1x8x16xi32, #tpu.memory_space<vmem>>
          %dma_start3A_988 = tpu.memref_squeeze %dma_start3A_987 : memref<1x1x8x16xi32, #tpu.memory_space<vmem>> -> memref<1x8x16xi32, #tpu.memory_space<vmem>>
          %dma_start3A_989 = arith.constant 0 : i32
          %dma_start3A_990 = tpu.memref_slice %arg3[%mul3A_972, %dma_start3A_989, %mul3A_974] : memref<8x8x1024xi32, #tpu.memory_space<hbm>> -> memref<1x8x16xi32, #tpu.memory_space<hbm>>
          tpu.enqueue_dma source(%dma_start3A_990 : memref<1x8x16xi32, #tpu.memory_space<hbm>>) target(%dma_start3A_988 : memref<1x8x16xi32, #tpu.memory_space<vmem>>) target_semaphore(%dma_start3A_983 : memref<!tpu.dma_semaphore, #tpu.memory_space<semaphore_mem>>)
          "tpu.trace_stop"() : () -> ()
        } else {
        }
        %and3A_287 = arith.constant true
        %and3A_288 = arith.andi %and3A_285, %and3A_287 : i1
        %add3A_289 = arith.constant 1 : i32
        %add3A_290 = arith.addi %scan3A_160, %add3A_289 : i32
        %select_n3A_291 = arith.select %and3A_288, %add3A_290, %scan3A_160 : i32
        %ne3A_292 = arith.cmpi ne, %add3A_169, %add3A_187 : i32
        %or3A_293 = arith.constant false
        %or3A_294 = arith.ori %or3A_293, %ne3A_292 : i1
        %or3A_295 = arith.constant false
        %or3A_296 = arith.ori %or3A_294, %or3A_295 : i1
        %ge3A_297 = arith.constant 15 : i32
        %ge3A_298 = arith.cmpi sge, %scan3A_159, %ge3A_297 : i32
        %not3A_299 = arith.constant true
        %not3A_300 = arith.xori %ge3A_298, %not3A_299 : i1
        %and3A_301 = arith.andi %or3A_296, %not3A_300 : i1
        %jit3A_302 = arith.constant 64 : i32
        %div3A_303 = arith.divsi %add3A_169, %jit3A_302 : i32
        %sign3A_304 = arith.constant 0 : i32
        %sign3A_305 = arith.cmpi sgt, %add3A_169, %sign3A_304 : i32
        %sign3A_306 = arith.extui %sign3A_305 : i1 to i32
        %sign3A_307 = arith.constant 0 : i32
        %sign3A_308 = arith.cmpi slt, %add3A_169, %sign3A_307 : i32
        %sign3A_309 = arith.extui %sign3A_308 : i1 to i32
        %sign3A_310 = arith.subi %sign3A_306, %sign3A_309 : i32
        %sign3A_311 = arith.constant 0 : i32
        %sign3A_312 = arith.cmpi sgt, %jit3A_302, %sign3A_311 : i32
        %sign3A_313 = arith.extui %sign3A_312 : i1 to i32
        %sign3A_314 = arith.constant 0 : i32
        %sign3A_315 = arith.cmpi slt, %jit3A_302, %sign3A_314 : i32
        %sign3A_316 = arith.extui %sign3A_315 : i1 to i32
        %sign3A_317 = arith.subi %sign3A_313, %sign3A_316 : i32
        %ne3A_318 = arith.cmpi ne, %sign3A_310, %sign3A_317 : i32
        %rem3A_319 = arith.remsi %add3A_169, %jit3A_302 : i32
        %ne3A_320 = arith.constant 0 : i32
        %ne3A_321 = arith.cmpi ne, %rem3A_319, %ne3A_320 : i32
        %and3A_322 = arith.andi %ne3A_318, %ne3A_321 : i1
        %sub3A_323 = arith.constant 1 : i32
        %sub3A_324 = arith.subi %div3A_303, %sub3A_323 : i32
        %select_n3A_325 = arith.select %and3A_322, %sub3A_324, %div3A_303 : i32
        %jit3A_326 = arith.constant 64 : i32
        %eq3A_327 = arith.constant 0 : i32
        %eq3A_328 = arith.cmpi eq, %jit3A_326, %eq3A_327 : i32
        %jit3A_329 = arith.constant 1 : i32
        %select_n3A_330 = arith.select %eq3A_328, %jit3A_329, %jit3A_326 : i32
        %rem3A_331 = arith.remsi %add3A_169, %select_n3A_330 : i32
        %ne3A_332 = arith.constant 0 : i32
        %ne3A_333 = arith.cmpi ne, %rem3A_331, %ne3A_332 : i32
        %lt3A_334 = arith.constant 0 : i32
        %lt3A_335 = arith.cmpi slt, %rem3A_331, %lt3A_334 : i32
        %lt3A_336 = arith.constant 0 : i32
        %lt3A_337 = arith.cmpi slt, %select_n3A_330, %lt3A_336 : i32
        %ne3A_338 = arith.xori %lt3A_335, %lt3A_337 : i1
        %and3A_339 = arith.andi %ne3A_338, %ne3A_333 : i1
        %add3A_340 = arith.addi %rem3A_331, %select_n3A_330 : i32
        %select_n3A_341 = arith.select %and3A_339, %add3A_340, %rem3A_331 : i32
        %jit3A_342 = arith.constant 64 : i32
        %div3A_343 = arith.divsi %add3A_178, %jit3A_342 : i32
        %sign3A_344 = arith.constant 0 : i32
        %sign3A_345 = arith.cmpi sgt, %add3A_178, %sign3A_344 : i32
        %sign3A_346 = arith.extui %sign3A_345 : i1 to i32
        %sign3A_347 = arith.constant 0 : i32
        %sign3A_348 = arith.cmpi slt, %add3A_178, %sign3A_347 : i32
        %sign3A_349 = arith.extui %sign3A_348 : i1 to i32
        %sign3A_350 = arith.subi %sign3A_346, %sign3A_349 : i32
        %sign3A_351 = arith.constant 0 : i32
        %sign3A_352 = arith.cmpi sgt, %jit3A_342, %sign3A_351 : i32
        %sign3A_353 = arith.extui %sign3A_352 : i1 to i32
        %sign3A_354 = arith.constant 0 : i32
        %sign3A_355 = arith.cmpi slt, %jit3A_342, %sign3A_354 : i32
        %sign3A_356 = arith.extui %sign3A_355 : i1 to i32
        %sign3A_357 = arith.subi %sign3A_353, %sign3A_356 : i32
        %ne3A_358 = arith.cmpi ne, %sign3A_350, %sign3A_357 : i32
        %rem3A_359 = arith.remsi %add3A_178, %jit3A_342 : i32
        %ne3A_360 = arith.constant 0 : i32
        %ne3A_361 = arith.cmpi ne, %rem3A_359, %ne3A_360 : i32
        %and3A_362 = arith.andi %ne3A_358, %ne3A_361 : i1
        %sub3A_363 = arith.constant 1 : i32
        %sub3A_364 = arith.subi %div3A_343, %sub3A_363 : i32
        %select_n3A_365 = arith.select %and3A_362, %sub3A_364, %div3A_343 : i32
        %jit3A_366 = arith.constant 64 : i32
        %eq3A_367 = arith.constant 0 : i32
        %eq3A_368 = arith.cmpi eq, %jit3A_366, %eq3A_367 : i32
        %jit3A_369 = arith.constant 1 : i32
        %select_n3A_370 = arith.select %eq3A_368, %jit3A_369, %jit3A_366 : i32
        %rem3A_371 = arith.remsi %add3A_178, %select_n3A_370 : i32
        %ne3A_372 = arith.constant 0 : i32
        %ne3A_373 = arith.cmpi ne, %rem3A_371, %ne3A_372 : i32
        %lt3A_374 = arith.constant 0 : i32
        %lt3A_375 = arith.cmpi slt, %rem3A_371, %lt3A_374 : i32
        %lt3A_376 = arith.constant 0 : i32
        %lt3A_377 = arith.cmpi slt, %select_n3A_370, %lt3A_376 : i32
        %ne3A_378 = arith.xori %lt3A_375, %lt3A_377 : i1
        %and3A_379 = arith.andi %ne3A_378, %ne3A_373 : i1
        %add3A_380 = arith.addi %rem3A_371, %select_n3A_370 : i32
        %select_n3A_381 = arith.select %and3A_379, %add3A_380, %rem3A_371 : i32
        %ne3A_382 = arith.cmpi ne, %select_n3A_325, %select_n3A_365 : i32
        %ne3A_383 = arith.cmpi ne, %select_n3A_341, %select_n3A_381 : i32
        %or3A_384 = arith.constant false
        %or3A_385 = arith.ori %or3A_384, %ne3A_382 : i1
        %or3A_386 = arith.constant false
        %or3A_387 = arith.ori %or3A_385, %or3A_386 : i1
        %or3A_388 = arith.ori %or3A_387, %ne3A_383 : i1
        %or3A_389 = arith.ori %or3A_388, %eq3A_166 : i1
        %convert_element_type3A_390 = arith.extui %or3A_389 : i1 to i32
        %cond3A_391 = arith.constant 0 : i32
        %cond3A_392 = arith.cmpi ne, %convert_element_type3A_390, %cond3A_391 : i32
        scf.if %cond3A_392 {
          %jit3A_929 = arith.constant 64 : i32
          "tpu.trace_start"() <{level = 10 : i32, message = "ep_wait_in"}> : () -> ()
          %div3A_930 = arith.divsi %add3A_169, %jit3A_929 : i32
          %sign3A_931 = arith.constant 0 : i32
          %sign3A_932 = arith.cmpi sgt, %add3A_169, %sign3A_931 : i32
          %sign3A_933 = arith.extui %sign3A_932 : i1 to i32
          %sign3A_934 = arith.constant 0 : i32
          %sign3A_935 = arith.cmpi slt, %add3A_169, %sign3A_934 : i32
          %sign3A_936 = arith.extui %sign3A_935 : i1 to i32
          %sign3A_937 = arith.subi %sign3A_933, %sign3A_936 : i32
          %sign3A_938 = arith.constant 0 : i32
          %sign3A_939 = arith.cmpi sgt, %jit3A_929, %sign3A_938 : i32
          %sign3A_940 = arith.extui %sign3A_939 : i1 to i32
          %sign3A_941 = arith.constant 0 : i32
          %sign3A_942 = arith.cmpi slt, %jit3A_929, %sign3A_941 : i32
          %sign3A_943 = arith.extui %sign3A_942 : i1 to i32
          %sign3A_944 = arith.subi %sign3A_940, %sign3A_943 : i32
          %ne3A_945 = arith.cmpi ne, %sign3A_937, %sign3A_944 : i32
          %rem3A_946 = arith.remsi %add3A_169, %jit3A_929 : i32
          %ne3A_947 = arith.constant 0 : i32
          %ne3A_948 = arith.cmpi ne, %rem3A_946, %ne3A_947 : i32
          %and3A_949 = arith.andi %ne3A_945, %ne3A_948 : i1
          %sub3A_950 = arith.constant 1 : i32
          %sub3A_951 = arith.subi %div3A_930, %sub3A_950 : i32
          %select_n3A_952 = arith.select %and3A_949, %sub3A_951, %div3A_930 : i32
          %jit3A_953 = arith.constant 64 : i32
          %eq3A_954 = arith.constant 0 : i32
          %eq3A_955 = arith.cmpi eq, %jit3A_953, %eq3A_954 : i32
          %jit3A_956 = arith.constant 1 : i32
          %select_n3A_957 = arith.select %eq3A_955, %jit3A_956, %jit3A_953 : i32
          %rem3A_958 = arith.remsi %add3A_169, %select_n3A_957 : i32
          %ne3A_959 = arith.constant 0 : i32
          %ne3A_960 = arith.cmpi ne, %rem3A_958, %ne3A_959 : i32
          %lt3A_961 = arith.constant 0 : i32
          %lt3A_962 = arith.cmpi slt, %rem3A_958, %lt3A_961 : i32
          %lt3A_963 = arith.constant 0 : i32
          %lt3A_964 = arith.cmpi slt, %select_n3A_957, %lt3A_963 : i32
          %ne3A_965 = arith.xori %lt3A_962, %lt3A_964 : i1
          %and3A_966 = arith.andi %ne3A_965, %ne3A_960 : i1
          %add3A_967 = arith.addi %rem3A_958, %select_n3A_957 : i32
          %select_n3A_968 = arith.select %and3A_966, %add3A_967, %rem3A_958 : i32
          %mul3A_969 = arith.constant 1 : i32
          %mul3A_970 = arith.muli %mul3A_969, %select_n3A_952 : i32
          %mul3A_971 = arith.constant 16 : i32
          %mul3A_972 = arith.muli %mul3A_971, %select_n3A_968 : i32
          %rem3A_973 = arith.constant 2 : i32
          %rem3A_974 = arith.remui %scan3A_161, %rem3A_973 : i32
          %dma_wait3A_975 = arith.constant 0 : i32
          %dma_wait3A_976 = arith.constant 0 : i32
          %dma_wait3A_977 = arith.constant 0 : i32
          %dma_wait3A_978 = tpu.memref_slice %run_scoped3A[%rem3A_974, %dma_wait3A_975, %dma_wait3A_976, %dma_wait3A_977] : memref<2x1x8x16xi32, #tpu.memory_space<vmem>> -> memref<1x1x8x16xi32, #tpu.memory_space<vmem>>
          %dma_wait3A_979 = tpu.memref_squeeze %dma_wait3A_978 : memref<1x1x8x16xi32, #tpu.memory_space<vmem>> -> memref<1x8x16xi32, #tpu.memory_space<vmem>>
          %dma_wait3A_980 = arith.constant 0 : i32
          %dma_wait3A_981 = tpu.memref_slice %arg3[%mul3A_970, %dma_wait3A_980, %mul3A_972] : memref<8x8x1024xi32, #tpu.memory_space<hbm>> -> memref<1x8x16xi32, #tpu.memory_space<hbm>>
          %dma_wait3A_982 = tpu.memref_slice %run_scoped3A_7[%rem3A_974] : memref<2x!tpu.dma_semaphore, #tpu.memory_space<semaphore_mem>> -> memref<1x!tpu.dma_semaphore, #tpu.memory_space<semaphore_mem>>
          %dma_wait3A_983 = tpu.memref_squeeze %dma_wait3A_982 : memref<1x!tpu.dma_semaphore, #tpu.memory_space<semaphore_mem>> -> memref<!tpu.dma_semaphore, #tpu.memory_space<semaphore_mem>>
          %dma_wait3A_984 = arith.constant 0 : i32
          %dma_wait3A_985 = arith.constant 0 : i32
          %dma_wait3A_986 = arith.constant 0 : i32
          %dma_wait3A_987 = tpu.memref_slice %run_scoped3A[%rem3A_974, %dma_wait3A_984, %dma_wait3A_985, %dma_wait3A_986] : memref<2x1x8x16xi32, #tpu.memory_space<vmem>> -> memref<1x1x8x16xi32, #tpu.memory_space<vmem>>
          %dma_wait3A_988 = tpu.memref_squeeze %dma_wait3A_987 : memref<1x1x8x16xi32, #tpu.memory_space<vmem>> -> memref<1x8x16xi32, #tpu.memory_space<vmem>>
          %dma_wait3A_989 = arith.constant 0 : i32
          %dma_wait3A_990 = tpu.memref_slice %arg3[%mul3A_970, %dma_wait3A_989, %mul3A_972] : memref<8x8x1024xi32, #tpu.memory_space<hbm>> -> memref<1x8x16xi32, #tpu.memory_space<hbm>>
          tpu.wait_dma2 semaphore(%dma_wait3A_983 : memref<!tpu.dma_semaphore, #tpu.memory_space<semaphore_mem>>) src(%dma_wait3A_990 : memref<1x8x16xi32, #tpu.memory_space<hbm>>) dst(%dma_wait3A_988 : memref<1x8x16xi32, #tpu.memory_space<vmem>>)
          "tpu.trace_stop"() : () -> ()
        } else {
        }
        %ne3A_393 = arith.cmpi ne, %add3A_169, %add3A_178 : i32
        %or3A_394 = arith.constant false
        %or3A_395 = arith.ori %or3A_394, %ne3A_393 : i1
        %or3A_396 = arith.constant false
        %or3A_397 = arith.ori %or3A_395, %or3A_396 : i1
        %or3A_398 = arith.ori %or3A_397, %eq3A_166 : i1
        %convert_element_type3A_399 = arith.extui %or3A_398 : i1 to i32
        %cond3A_400 = arith.constant 0 : i32
        %cond3A_401 = arith.cmpi ne, %convert_element_type3A_399, %cond3A_400 : i32
        scf.if %cond3A_401 {
        } else {
        }
        %rem3A_402 = arith.constant 2 : i32
        %rem3A_403 = arith.remui %scan3A_161, %rem3A_402 : i32
        %rem3A_404 = arith.constant 2 : i32
        %rem3A_405 = arith.remui %scan3A_162, %rem3A_404 : i32
        "tpu.trace_start"() <{level = 10 : i32, message = "ep_run_kernel"}> : () -> ()
        %add3A_406 = arith.constant 0 : i32
        %add3A_407 = vector.broadcast %add3A_406 : i32 to vector<16xi32>
        %add3A_408 = arith.addi %add3A_407, %iota3A : vector<16xi32>
        %rem3A_409 = arith.constant 8 : i32
        %rem3A_410 = vector.broadcast %rem3A_409 : i32 to vector<16xi32>
        %rem3A_411 = arith.remsi %add3A_408, %rem3A_410 : vector<16xi32>
        %div3A_412 = arith.constant 8 : i32
        %div3A_413 = vector.broadcast %div3A_412 : i32 to vector<16xi32>
        %div3A_414 = arith.divsi %add3A_408, %div3A_413 : vector<16xi32>
        %gather3A = arith.constant 0 : i32
        %gather3A_415 = arith.constant 0 : i32
        %gather3A_416 = arith.constant 0 : i32
        %gather3A_417 = arith.constant 0 : i32
        %gather3A_418 = tpu.memref_slice %run_scoped3A[%rem3A_403, %gather3A_415, %gather3A_416, %gather3A_417] : memref<2x1x8x16xi32, #tpu.memory_space<vmem>> -> memref<1x1x8x16xi32, #tpu.memory_space<vmem>>
        %gather3A_419 = tpu.memref_squeeze %gather3A_418 : memref<1x1x8x16xi32, #tpu.memory_space<vmem>> -> memref<1x8x16xi32, #tpu.memory_space<vmem>>
        %gather3A_420 = arith.constant 0 : i32
        %gather3A_421 = arith.constant 0 : i32
        %gather3A_422 = tpu.memref_slice %gather3A_419[%gather3A, %gather3A_420, %gather3A_421] : memref<1x8x16xi32, #tpu.memory_space<vmem>> -> memref<1x8x16xi32, #tpu.memory_space<vmem>>
        %gather3A_423 = tpu.memref_squeeze %gather3A_422 : memref<1x8x16xi32, #tpu.memory_space<vmem>> -> memref<8x16xi32, #tpu.memory_space<vmem>>
        %gather3A_424 = tpu.vector_load_idx %gather3A_423[%rem3A_411, %div3A_414] : memref<8x16xi32, #tpu.memory_space<vmem>>[vector<16xi32>, vector<16xi32>], vector<16xi32>,
        %mul3A_425 = arith.constant 1024 : i32
        %mul3A_426 = vector.broadcast %mul3A_425 : i32 to vector<16xi32>
        %mul3A_427 = arith.muli %rem3A_411, %mul3A_426 : vector<16xi32>
        %add3A_428 = arith.addi %gather3A_424, %mul3A_427 : vector<16xi32>
        %swap3A = arith.constant 0 : index
        %swap3A_429 = tpu.vector_load %arg5[%swap3A] {strides = array<i32>} : memref<128xi32, #tpu.memory_space<vmem>>, vector<16xi32>,
        tpu.vector_store %arg5[%swap3A], %add3A_428 {strides = array<i32>} : memref<128xi32, #tpu.memory_space<vmem>>, vector<16xi32>,
        %add3A_430 = arith.constant 16 : i32
        %add3A_431 = vector.broadcast %add3A_430 : i32 to vector<16xi32>
        %add3A_432 = arith.addi %add3A_431, %iota3A : vector<16xi32>
        %rem3A_433 = arith.constant 8 : i32
        %rem3A_434 = vector.broadcast %rem3A_433 : i32 to vector<16xi32>
        %rem3A_435 = arith.remsi %add3A_432, %rem3A_434 : vector<16xi32>
        %div3A_436 = arith.constant 8 : i32
        %div3A_437 = vector.broadcast %div3A_436 : i32 to vector<16xi32>
        %div3A_438 = arith.divsi %add3A_432, %div3A_437 : vector<16xi32>
        %gather3A_439 = arith.constant 0 : i32
        %gather3A_440 = arith.constant 0 : i32
        %gather3A_441 = arith.constant 0 : i32
        %gather3A_442 = arith.constant 0 : i32
        %gather3A_443 = tpu.memref_slice %run_scoped3A[%rem3A_403, %gather3A_440, %gather3A_441, %gather3A_442] : memref<2x1x8x16xi32, #tpu.memory_space<vmem>> -> memref<1x1x8x16xi32, #tpu.memory_space<vmem>>
        %gather3A_444 = tpu.memref_squeeze %gather3A_443 : memref<1x1x8x16xi32, #tpu.memory_space<vmem>> -> memref<1x8x16xi32, #tpu.memory_space<vmem>>
        %gather3A_445 = arith.constant 0 : i32
        %gather3A_446 = arith.constant 0 : i32
        %gather3A_447 = tpu.memref_slice %gather3A_444[%gather3A_439, %gather3A_445, %gather3A_446] : memref<1x8x16xi32, #tpu.memory_space<vmem>> -> memref<1x8x16xi32, #tpu.memory_space<vmem>>
        %gather3A_448 = tpu.memref_squeeze %gather3A_447 : memref<1x8x16xi32, #tpu.memory_space<vmem>> -> memref<8x16xi32, #tpu.memory_space<vmem>>
        %gather3A_449 = tpu.vector_load_idx %gather3A_448[%rem3A_435, %div3A_438] : memref<8x16xi32, #tpu.memory_space<vmem>>[vector<16xi32>, vector<16xi32>], vector<16xi32>,
        %mul3A_450 = arith.constant 1024 : i32
        %mul3A_451 = vector.broadcast %mul3A_450 : i32 to vector<16xi32>
        %mul3A_452 = arith.muli %rem3A_435, %mul3A_451 : vector<16xi32>
        %add3A_453 = arith.addi %gather3A_449, %mul3A_452 : vector<16xi32>
        %swap3A_454 = arith.constant 16 : index
        %swap3A_455 = tpu.vector_load %arg5[%swap3A_454] {strides = array<i32>} : memref<128xi32, #tpu.memory_space<vmem>>, vector<16xi32>,
        tpu.vector_store %arg5[%swap3A_454], %add3A_453 {strides = array<i32>} : memref<128xi32, #tpu.memory_space<vmem>>, vector<16xi32>,
        %add3A_456 = arith.constant 32 : i32
        %add3A_457 = vector.broadcast %add3A_456 : i32 to vector<16xi32>
        %add3A_458 = arith.addi %add3A_457, %iota3A : vector<16xi32>
        %rem3A_459 = arith.constant 8 : i32
        %rem3A_460 = vector.broadcast %rem3A_459 : i32 to vector<16xi32>
        %rem3A_461 = arith.remsi %add3A_458, %rem3A_460 : vector<16xi32>
        %div3A_462 = arith.constant 8 : i32
        %div3A_463 = vector.broadcast %div3A_462 : i32 to vector<16xi32>
        %div3A_464 = arith.divsi %add3A_458, %div3A_463 : vector<16xi32>
        %gather3A_465 = arith.constant 0 : i32
        %gather3A_466 = arith.constant 0 : i32
        %gather3A_467 = arith.constant 0 : i32
        %gather3A_468 = arith.constant 0 : i32
        %gather3A_469 = tpu.memref_slice %run_scoped3A[%rem3A_403, %gather3A_466, %gather3A_467, %gather3A_468] : memref<2x1x8x16xi32, #tpu.memory_space<vmem>> -> memref<1x1x8x16xi32, #tpu.memory_space<vmem>>
        %gather3A_470 = tpu.memref_squeeze %gather3A_469 : memref<1x1x8x16xi32, #tpu.memory_space<vmem>> -> memref<1x8x16xi32, #tpu.memory_space<vmem>>
        %gather3A_471 = arith.constant 0 : i32
        %gather3A_472 = arith.constant 0 : i32
        %gather3A_473 = tpu.memref_slice %gather3A_470[%gather3A_465, %gather3A_471, %gather3A_472] : memref<1x8x16xi32, #tpu.memory_space<vmem>> -> memref<1x8x16xi32, #tpu.memory_space<vmem>>
        %gather3A_474 = tpu.memref_squeeze %gather3A_473 : memref<1x8x16xi32, #tpu.memory_space<vmem>> -> memref<8x16xi32, #tpu.memory_space<vmem>>
        %gather3A_475 = tpu.vector_load_idx %gather3A_474[%rem3A_461, %div3A_464] : memref<8x16xi32, #tpu.memory_space<vmem>>[vector<16xi32>, vector<16xi32>], vector<16xi32>,
        %mul3A_476 = arith.constant 1024 : i32
        %mul3A_477 = vector.broadcast %mul3A_476 : i32 to vector<16xi32>
        %mul3A_478 = arith.muli %rem3A_461, %mul3A_477 : vector<16xi32>
        %add3A_479 = arith.addi %gather3A_475, %mul3A_478 : vector<16xi32>
        %swap3A_480 = arith.constant 32 : index
        %swap3A_481 = tpu.vector_load %arg5[%swap3A_480] {strides = array<i32>} : memref<128xi32, #tpu.memory_space<vmem>>, vector<16xi32>,
        tpu.vector_store %arg5[%swap3A_480], %add3A_479 {strides = array<i32>} : memref<128xi32, #tpu.memory_space<vmem>>, vector<16xi32>,
        %add3A_482 = arith.constant 48 : i32
        %add3A_483 = vector.broadcast %add3A_482 : i32 to vector<16xi32>
        %add3A_484 = arith.addi %add3A_483, %iota3A : vector<16xi32>
        %rem3A_485 = arith.constant 8 : i32
        %rem3A_486 = vector.broadcast %rem3A_485 : i32 to vector<16xi32>
        %rem3A_487 = arith.remsi %add3A_484, %rem3A_486 : vector<16xi32>
        %div3A_488 = arith.constant 8 : i32
        %div3A_489 = vector.broadcast %div3A_488 : i32 to vector<16xi32>
        %div3A_490 = arith.divsi %add3A_484, %div3A_489 : vector<16xi32>
        %gather3A_491 = arith.constant 0 : i32
        %gather3A_492 = arith.constant 0 : i32
        %gather3A_493 = arith.constant 0 : i32
        %gather3A_494 = arith.constant 0 : i32
        %gather3A_495 = tpu.memref_slice %run_scoped3A[%rem3A_403, %gather3A_492, %gather3A_493, %gather3A_494] : memref<2x1x8x16xi32, #tpu.memory_space<vmem>> -> memref<1x1x8x16xi32, #tpu.memory_space<vmem>>
        %gather3A_496 = tpu.memref_squeeze %gather3A_495 : memref<1x1x8x16xi32, #tpu.memory_space<vmem>> -> memref<1x8x16xi32, #tpu.memory_space<vmem>>
        %gather3A_497 = arith.constant 0 : i32
        %gather3A_498 = arith.constant 0 : i32
        %gather3A_499 = tpu.memref_slice %gather3A_496[%gather3A_491, %gather3A_497, %gather3A_498] : memref<1x8x16xi32, #tpu.memory_space<vmem>> -> memref<1x8x16xi32, #tpu.memory_space<vmem>>
        %gather3A_500 = tpu.memref_squeeze %gather3A_499 : memref<1x8x16xi32, #tpu.memory_space<vmem>> -> memref<8x16xi32, #tpu.memory_space<vmem>>
        %gather3A_501 = tpu.vector_load_idx %gather3A_500[%rem3A_487, %div3A_490] : memref<8x16xi32, #tpu.memory_space<vmem>>[vector<16xi32>, vector<16xi32>], vector<16xi32>,
        %mul3A_502 = arith.constant 1024 : i32
        %mul3A_503 = vector.broadcast %mul3A_502 : i32 to vector<16xi32>
        %mul3A_504 = arith.muli %rem3A_487, %mul3A_503 : vector<16xi32>
        %add3A_505 = arith.addi %gather3A_501, %mul3A_504 : vector<16xi32>
        %swap3A_506 = arith.constant 48 : index
        %swap3A_507 = tpu.vector_load %arg5[%swap3A_506] {strides = array<i32>} : memref<128xi32, #tpu.memory_space<vmem>>, vector<16xi32>,
        tpu.vector_store %arg5[%swap3A_506], %add3A_505 {strides = array<i32>} : memref<128xi32, #tpu.memory_space<vmem>>, vector<16xi32>,
        %add3A_508 = arith.constant 64 : i32
        %add3A_509 = vector.broadcast %add3A_508 : i32 to vector<16xi32>
        %add3A_510 = arith.addi %add3A_509, %iota3A : vector<16xi32>
        %rem3A_511 = arith.constant 8 : i32
        %rem3A_512 = vector.broadcast %rem3A_511 : i32 to vector<16xi32>
        %rem3A_513 = arith.remsi %add3A_510, %rem3A_512 : vector<16xi32>
        %div3A_514 = arith.constant 8 : i32
        %div3A_515 = vector.broadcast %div3A_514 : i32 to vector<16xi32>
        %div3A_516 = arith.divsi %add3A_510, %div3A_515 : vector<16xi32>
        %gather3A_517 = arith.constant 0 : i32
        %gather3A_518 = arith.constant 0 : i32
        %gather3A_519 = arith.constant 0 : i32
        %gather3A_520 = arith.constant 0 : i32
        %gather3A_521 = tpu.memref_slice %run_scoped3A[%rem3A_403, %gather3A_518, %gather3A_519, %gather3A_520] : memref<2x1x8x16xi32, #tpu.memory_space<vmem>> -> memref<1x1x8x16xi32, #tpu.memory_space<vmem>>
        %gather3A_522 = tpu.memref_squeeze %gather3A_521 : memref<1x1x8x16xi32, #tpu.memory_space<vmem>> -> memref<1x8x16xi32, #tpu.memory_space<vmem>>
        %gather3A_523 = arith.constant 0 : i32
        %gather3A_524 = arith.constant 0 : i32
        %gather3A_525 = tpu.memref_slice %gather3A_522[%gather3A_517, %gather3A_523, %gather3A_524] : memref<1x8x16xi32, #tpu.memory_space<vmem>> -> memref<1x8x16xi32, #tpu.memory_space<vmem>>
        %gather3A_526 = tpu.memref_squeeze %gather3A_525 : memref<1x8x16xi32, #tpu.memory_space<vmem>> -> memref<8x16xi32, #tpu.memory_space<vmem>>
        %gather3A_527 = tpu.vector_load_idx %gather3A_526[%rem3A_513, %div3A_516] : memref<8x16xi32, #tpu.memory_space<vmem>>[vector<16xi32>, vector<16xi32>], vector<16xi32>,
        %mul3A_528 = arith.constant 1024 : i32
        %mul3A_529 = vector.broadcast %mul3A_528 : i32 to vector<16xi32>
        %mul3A_530 = arith.muli %rem3A_513, %mul3A_529 : vector<16xi32>
        %add3A_531 = arith.addi %gather3A_527, %mul3A_530 : vector<16xi32>
        %swap3A_532 = arith.constant 64 : index
        %swap3A_533 = tpu.vector_load %arg5[%swap3A_532] {strides = array<i32>} : memref<128xi32, #tpu.memory_space<vmem>>, vector<16xi32>,
        tpu.vector_store %arg5[%swap3A_532], %add3A_531 {strides = array<i32>} : memref<128xi32, #tpu.memory_space<vmem>>, vector<16xi32>,
        %add3A_534 = arith.constant 80 : i32
        %add3A_535 = vector.broadcast %add3A_534 : i32 to vector<16xi32>
        %add3A_536 = arith.addi %add3A_535, %iota3A : vector<16xi32>
        %rem3A_537 = arith.constant 8 : i32
        %rem3A_538 = vector.broadcast %rem3A_537 : i32 to vector<16xi32>
        %rem3A_539 = arith.remsi %add3A_536, %rem3A_538 : vector<16xi32>
        %div3A_540 = arith.constant 8 : i32
        %div3A_541 = vector.broadcast %div3A_540 : i32 to vector<16xi32>
        %div3A_542 = arith.divsi %add3A_536, %div3A_541 : vector<16xi32>
        %gather3A_543 = arith.constant 0 : i32
        %gather3A_544 = arith.constant 0 : i32
        %gather3A_545 = arith.constant 0 : i32
        %gather3A_546 = arith.constant 0 : i32
        %gather3A_547 = tpu.memref_slice %run_scoped3A[%rem3A_403, %gather3A_544, %gather3A_545, %gather3A_546] : memref<2x1x8x16xi32, #tpu.memory_space<vmem>> -> memref<1x1x8x16xi32, #tpu.memory_space<vmem>>
        %gather3A_548 = tpu.memref_squeeze %gather3A_547 : memref<1x1x8x16xi32, #tpu.memory_space<vmem>> -> memref<1x8x16xi32, #tpu.memory_space<vmem>>
        %gather3A_549 = arith.constant 0 : i32
        %gather3A_550 = arith.constant 0 : i32
        %gather3A_551 = tpu.memref_slice %gather3A_548[%gather3A_543, %gather3A_549, %gather3A_550] : memref<1x8x16xi32, #tpu.memory_space<vmem>> -> memref<1x8x16xi32, #tpu.memory_space<vmem>>
        %gather3A_552 = tpu.memref_squeeze %gather3A_551 : memref<1x8x16xi32, #tpu.memory_space<vmem>> -> memref<8x16xi32, #tpu.memory_space<vmem>>
        %gather3A_553 = tpu.vector_load_idx %gather3A_552[%rem3A_539, %div3A_542] : memref<8x16xi32, #tpu.memory_space<vmem>>[vector<16xi32>, vector<16xi32>], vector<16xi32>,
        %mul3A_554 = arith.constant 1024 : i32
        %mul3A_555 = vector.broadcast %mul3A_554 : i32 to vector<16xi32>
        %mul3A_556 = arith.muli %rem3A_539, %mul3A_555 : vector<16xi32>
        %add3A_557 = arith.addi %gather3A_553, %mul3A_556 : vector<16xi32>
        %swap3A_558 = arith.constant 80 : index
        %swap3A_559 = tpu.vector_load %arg5[%swap3A_558] {strides = array<i32>} : memref<128xi32, #tpu.memory_space<vmem>>, vector<16xi32>,
        tpu.vector_store %arg5[%swap3A_558], %add3A_557 {strides = array<i32>} : memref<128xi32, #tpu.memory_space<vmem>>, vector<16xi32>,
        %add3A_560 = arith.constant 96 : i32
        %add3A_561 = vector.broadcast %add3A_560 : i32 to vector<16xi32>
        %add3A_562 = arith.addi %add3A_561, %iota3A : vector<16xi32>
        %rem3A_563 = arith.constant 8 : i32
        %rem3A_564 = vector.broadcast %rem3A_563 : i32 to vector<16xi32>
        %rem3A_565 = arith.remsi %add3A_562, %rem3A_564 : vector<16xi32>
        %div3A_566 = arith.constant 8 : i32
        %div3A_567 = vector.broadcast %div3A_566 : i32 to vector<16xi32>
        %div3A_568 = arith.divsi %add3A_562, %div3A_567 : vector<16xi32>
        %gather3A_569 = arith.constant 0 : i32
        %gather3A_570 = arith.constant 0 : i32
        %gather3A_571 = arith.constant 0 : i32
        %gather3A_572 = arith.constant 0 : i32
        %gather3A_573 = tpu.memref_slice %run_scoped3A[%rem3A_403, %gather3A_570, %gather3A_571, %gather3A_572] : memref<2x1x8x16xi32, #tpu.memory_space<vmem>> -> memref<1x1x8x16xi32, #tpu.memory_space<vmem>>
        %gather3A_574 = tpu.memref_squeeze %gather3A_573 : memref<1x1x8x16xi32, #tpu.memory_space<vmem>> -> memref<1x8x16xi32, #tpu.memory_space<vmem>>
        %gather3A_575 = arith.constant 0 : i32
        %gather3A_576 = arith.constant 0 : i32
        %gather3A_577 = tpu.memref_slice %gather3A_574[%gather3A_569, %gather3A_575, %gather3A_576] : memref<1x8x16xi32, #tpu.memory_space<vmem>> -> memref<1x8x16xi32, #tpu.memory_space<vmem>>
        %gather3A_578 = tpu.memref_squeeze %gather3A_577 : memref<1x8x16xi32, #tpu.memory_space<vmem>> -> memref<8x16xi32, #tpu.memory_space<vmem>>
        %gather3A_579 = tpu.vector_load_idx %gather3A_578[%rem3A_565, %div3A_568] : memref<8x16xi32, #tpu.memory_space<vmem>>[vector<16xi32>, vector<16xi32>], vector<16xi32>,
        %mul3A_580 = arith.constant 1024 : i32
        %mul3A_581 = vector.broadcast %mul3A_580 : i32 to vector<16xi32>
        %mul3A_582 = arith.muli %rem3A_565, %mul3A_581 : vector<16xi32>
        %add3A_583 = arith.addi %gather3A_579, %mul3A_582 : vector<16xi32>
        %swap3A_584 = arith.constant 96 : index
        %swap3A_585 = tpu.vector_load %arg5[%swap3A_584] {strides = array<i32>} : memref<128xi32, #tpu.memory_space<vmem>>, vector<16xi32>,
        tpu.vector_store %arg5[%swap3A_584], %add3A_583 {strides = array<i32>} : memref<128xi32, #tpu.memory_space<vmem>>, vector<16xi32>,
        %add3A_586 = arith.constant 112 : i32
        %add3A_587 = vector.broadcast %add3A_586 : i32 to vector<16xi32>
        %add3A_588 = arith.addi %add3A_587, %iota3A : vector<16xi32>
        %rem3A_589 = arith.constant 8 : i32
        %rem3A_590 = vector.broadcast %rem3A_589 : i32 to vector<16xi32>
        %rem3A_591 = arith.remsi %add3A_588, %rem3A_590 : vector<16xi32>
        %div3A_592 = arith.constant 8 : i32
        %div3A_593 = vector.broadcast %div3A_592 : i32 to vector<16xi32>
        %div3A_594 = arith.divsi %add3A_588, %div3A_593 : vector<16xi32>
        %gather3A_595 = arith.constant 0 : i32
        %gather3A_596 = arith.constant 0 : i32
        %gather3A_597 = arith.constant 0 : i32
        %gather3A_598 = arith.constant 0 : i32
        %gather3A_599 = tpu.memref_slice %run_scoped3A[%rem3A_403, %gather3A_596, %gather3A_597, %gather3A_598] : memref<2x1x8x16xi32, #tpu.memory_space<vmem>> -> memref<1x1x8x16xi32, #tpu.memory_space<vmem>>
        %gather3A_600 = tpu.memref_squeeze %gather3A_599 : memref<1x1x8x16xi32, #tpu.memory_space<vmem>> -> memref<1x8x16xi32, #tpu.memory_space<vmem>>
        %gather3A_601 = arith.constant 0 : i32
        %gather3A_602 = arith.constant 0 : i32
        %gather3A_603 = tpu.memref_slice %gather3A_600[%gather3A_595, %gather3A_601, %gather3A_602] : memref<1x8x16xi32, #tpu.memory_space<vmem>> -> memref<1x8x16xi32, #tpu.memory_space<vmem>>
        %gather3A_604 = tpu.memref_squeeze %gather3A_603 : memref<1x8x16xi32, #tpu.memory_space<vmem>> -> memref<8x16xi32, #tpu.memory_space<vmem>>
        %gather3A_605 = tpu.vector_load_idx %gather3A_604[%rem3A_591, %div3A_594] : memref<8x16xi32, #tpu.memory_space<vmem>>[vector<16xi32>, vector<16xi32>], vector<16xi32>,
        %mul3A_606 = arith.constant 1024 : i32
        %mul3A_607 = vector.broadcast %mul3A_606 : i32 to vector<16xi32>
        %mul3A_608 = arith.muli %rem3A_591, %mul3A_607 : vector<16xi32>
        %add3A_609 = arith.addi %gather3A_605, %mul3A_608 : vector<16xi32>
        %swap3A_610 = arith.constant 112 : index
        %swap3A_611 = tpu.vector_load %arg5[%swap3A_610] {strides = array<i32>} : memref<128xi32, #tpu.memory_space<vmem>>, vector<16xi32>,
        tpu.vector_store %arg5[%swap3A_610], %add3A_609 {strides = array<i32>} : memref<128xi32, #tpu.memory_space<vmem>>, vector<16xi32>,
        "tpu.region"() ({
          %run_scoped3A_929 = tpu.sem_alloc : memref<!tpu.dma_semaphore, #tpu.memory_space<semaphore_mem>>
          %dma_start3A_930 = arith.constant 0 : i32
          %dma_start3A_931 = arith.constant 0 : i32
          %dma_start3A_932 = tpu.memref_slice %run_scoped3A_8[%rem3A_405, %dma_start3A_930, %dma_start3A_931] : memref<2x128x96xf32, #tpu.memory_space<vmem>> -> memref<1x128x96xf32, #tpu.memory_space<vmem>>
          %dma_start3A_933 = tpu.memref_squeeze %dma_start3A_932 : memref<1x128x96xf32, #tpu.memory_space<vmem>> -> memref<128x96xf32, #tpu.memory_space<vmem>>
          %dma_start3A_934 = arith.constant 0 : i32
          %dma_start3A_935 = arith.constant 0 : i32
          %dma_start3A_936 = tpu.memref_slice %arg2[%dma_start3A_934, %dma_start3A_935] : memref<8192x96xf32, #tpu.memory_space<hbm>> -> memref<8192x96xf32, #tpu.memory_space<hbm>>
          tpu.enqueue_indirect_dma source(%dma_start3A_936 : memref<8192x96xf32, #tpu.memory_space<hbm>>) target(%dma_start3A_933 : memref<128x96xf32, #tpu.memory_space<vmem>>) offsets(%arg5 : memref<128xi32, #tpu.memory_space<vmem>>) semaphore(%run_scoped3A_929 : memref<!tpu.dma_semaphore, #tpu.memory_space<semaphore_mem>>)
          %dma_wait3A_937 = arith.constant 0 : i32
          %dma_wait3A_938 = arith.constant 0 : i32
          %dma_wait3A_939 = tpu.memref_slice %run_scoped3A_8[%rem3A_405, %dma_wait3A_937, %dma_wait3A_938] : memref<2x128x96xf32, #tpu.memory_space<vmem>> -> memref<1x128x96xf32, #tpu.memory_space<vmem>>
          %dma_wait3A_940 = tpu.memref_squeeze %dma_wait3A_939 : memref<1x128x96xf32, #tpu.memory_space<vmem>> -> memref<128x96xf32, #tpu.memory_space<vmem>>
          %dma_wait3A_941 = arith.constant 0 : i32
          %dma_wait3A_942 = arith.constant 0 : i32
          %dma_wait3A_943 = tpu.memref_slice %arg2[%dma_wait3A_941, %dma_wait3A_942] : memref<8192x96xf32, #tpu.memory_space<hbm>> -> memref<8192x96xf32, #tpu.memory_space<hbm>>
          tpu.wait_indirect_dma semaphore(%run_scoped3A_929 : memref<!tpu.dma_semaphore, #tpu.memory_space<semaphore_mem>>) src(%dma_wait3A_943 : memref<8192x96xf32, #tpu.memory_space<hbm>>) dst(%dma_wait3A_940 : memref<128x96xf32, #tpu.memory_space<vmem>>)
          tpu.yield
        }) : () -> ()
        %jit3A_612 = arith.constant 64 : i32
        "tpu.trace_stop"() : () -> ()
        %div3A_613 = arith.divsi %add3A_169, %jit3A_612 : i32
        %sign3A_614 = arith.constant 0 : i32
        %sign3A_615 = arith.cmpi sgt, %add3A_169, %sign3A_614 : i32
        %sign3A_616 = arith.extui %sign3A_615 : i1 to i32
        %sign3A_617 = arith.constant 0 : i32
        %sign3A_618 = arith.cmpi slt, %add3A_169, %sign3A_617 : i32
        %sign3A_619 = arith.extui %sign3A_618 : i1 to i32
        %sign3A_620 = arith.subi %sign3A_616, %sign3A_619 : i32
        %sign3A_621 = arith.constant 0 : i32
        %sign3A_622 = arith.cmpi sgt, %jit3A_612, %sign3A_621 : i32
        %sign3A_623 = arith.extui %sign3A_622 : i1 to i32
        %sign3A_624 = arith.constant 0 : i32
        %sign3A_625 = arith.cmpi slt, %jit3A_612, %sign3A_624 : i32
        %sign3A_626 = arith.extui %sign3A_625 : i1 to i32
        %sign3A_627 = arith.subi %sign3A_623, %sign3A_626 : i32
        %ne3A_628 = arith.cmpi ne, %sign3A_620, %sign3A_627 : i32
        %rem3A_629 = arith.remsi %add3A_169, %jit3A_612 : i32
        %ne3A_630 = arith.constant 0 : i32
        %ne3A_631 = arith.cmpi ne, %rem3A_629, %ne3A_630 : i32
        %and3A_632 = arith.andi %ne3A_628, %ne3A_631 : i1
        %sub3A_633 = arith.constant 1 : i32
        %sub3A_634 = arith.subi %div3A_613, %sub3A_633 : i32
        %select_n3A_635 = arith.select %and3A_632, %sub3A_634, %div3A_613 : i32
        %jit3A_636 = arith.constant 64 : i32
        %eq3A_637 = arith.constant 0 : i32
        %eq3A_638 = arith.cmpi eq, %jit3A_636, %eq3A_637 : i32
        %jit3A_639 = arith.constant 1 : i32
        %select_n3A_640 = arith.select %eq3A_638, %jit3A_639, %jit3A_636 : i32
        %rem3A_641 = arith.remsi %add3A_169, %select_n3A_640 : i32
        %ne3A_642 = arith.constant 0 : i32
        %ne3A_643 = arith.cmpi ne, %rem3A_641, %ne3A_642 : i32
        %lt3A_644 = arith.constant 0 : i32
        %lt3A_645 = arith.cmpi slt, %rem3A_641, %lt3A_644 : i32
        %lt3A_646 = arith.constant 0 : i32
        %lt3A_647 = arith.cmpi slt, %select_n3A_640, %lt3A_646 : i32
        %ne3A_648 = arith.xori %lt3A_645, %lt3A_647 : i1
        %and3A_649 = arith.andi %ne3A_648, %ne3A_643 : i1
        %add3A_650 = arith.addi %rem3A_641, %select_n3A_640 : i32
        %select_n3A_651 = arith.select %and3A_649, %add3A_650, %rem3A_641 : i32
        %jit3A_652 = arith.constant 64 : i32
        %div3A_653 = arith.divsi %add3A_187, %jit3A_652 : i32
        %sign3A_654 = arith.constant 0 : i32
        %sign3A_655 = arith.cmpi sgt, %add3A_187, %sign3A_654 : i32
        %sign3A_656 = arith.extui %sign3A_655 : i1 to i32
        %sign3A_657 = arith.constant 0 : i32
        %sign3A_658 = arith.cmpi slt, %add3A_187, %sign3A_657 : i32
        %sign3A_659 = arith.extui %sign3A_658 : i1 to i32
        %sign3A_660 = arith.subi %sign3A_656, %sign3A_659 : i32
        %sign3A_661 = arith.constant 0 : i32
        %sign3A_662 = arith.cmpi sgt, %jit3A_652, %sign3A_661 : i32
        %sign3A_663 = arith.extui %sign3A_662 : i1 to i32
        %sign3A_664 = arith.constant 0 : i32
        %sign3A_665 = arith.cmpi slt, %jit3A_652, %sign3A_664 : i32
        %sign3A_666 = arith.extui %sign3A_665 : i1 to i32
        %sign3A_667 = arith.subi %sign3A_663, %sign3A_666 : i32
        %ne3A_668 = arith.cmpi ne, %sign3A_660, %sign3A_667 : i32
        %rem3A_669 = arith.remsi %add3A_187, %jit3A_652 : i32
        %ne3A_670 = arith.constant 0 : i32
        %ne3A_671 = arith.cmpi ne, %rem3A_669, %ne3A_670 : i32
        %and3A_672 = arith.andi %ne3A_668, %ne3A_671 : i1
        %sub3A_673 = arith.constant 1 : i32
        %sub3A_674 = arith.subi %div3A_653, %sub3A_673 : i32
        %select_n3A_675 = arith.select %and3A_672, %sub3A_674, %div3A_653 : i32
        %jit3A_676 = arith.constant 64 : i32
        %eq3A_677 = arith.constant 0 : i32
        %eq3A_678 = arith.cmpi eq, %jit3A_676, %eq3A_677 : i32
        %jit3A_679 = arith.constant 1 : i32
        %select_n3A_680 = arith.select %eq3A_678, %jit3A_679, %jit3A_676 : i32
        %rem3A_681 = arith.remsi %add3A_187, %select_n3A_680 : i32
        %ne3A_682 = arith.constant 0 : i32
        %ne3A_683 = arith.cmpi ne, %rem3A_681, %ne3A_682 : i32
        %lt3A_684 = arith.constant 0 : i32
        %lt3A_685 = arith.cmpi slt, %rem3A_681, %lt3A_684 : i32
        %lt3A_686 = arith.constant 0 : i32
        %lt3A_687 = arith.cmpi slt, %select_n3A_680, %lt3A_686 : i32
        %ne3A_688 = arith.xori %lt3A_685, %lt3A_687 : i1
        %and3A_689 = arith.andi %ne3A_688, %ne3A_683 : i1
        %add3A_690 = arith.addi %rem3A_681, %select_n3A_680 : i32
        %select_n3A_691 = arith.select %and3A_689, %add3A_690, %rem3A_681 : i32
        %ne3A_692 = arith.cmpi ne, %select_n3A_635, %select_n3A_675 : i32
        %ne3A_693 = arith.cmpi ne, %select_n3A_651, %select_n3A_691 : i32
        %or3A_694 = arith.constant false
        %or3A_695 = arith.ori %or3A_694, %ne3A_692 : i1
        %or3A_696 = arith.constant false
        %or3A_697 = arith.ori %or3A_695, %or3A_696 : i1
        %or3A_698 = arith.ori %or3A_697, %ne3A_693 : i1
        %or3A_699 = arith.ori %or3A_698, %eq3A_168 : i1
        %convert_element_type3A_700 = arith.extui %or3A_699 : i1 to i32
        %cond3A_701 = arith.constant 0 : i32
        %cond3A_702 = arith.cmpi ne, %convert_element_type3A_700, %cond3A_701 : i32
        scf.if %cond3A_702 {
        } else {
        }
        %and3A_703 = arith.constant false
        %and3A_704 = arith.andi %or3A_699, %and3A_703 : i1
        %ne3A_705 = arith.cmpi ne, %add3A_169, %add3A_187 : i32
        %or3A_706 = arith.constant false
        %or3A_707 = arith.ori %or3A_706, %ne3A_705 : i1
        %or3A_708 = arith.constant false
        %or3A_709 = arith.ori %or3A_707, %or3A_708 : i1
        %or3A_710 = arith.ori %or3A_709, %eq3A_168 : i1
        %convert_element_type3A_711 = arith.extui %or3A_710 : i1 to i32
        %cond3A_712 = arith.constant 0 : i32
        %cond3A_713 = arith.cmpi ne, %convert_element_type3A_711, %cond3A_712 : i32
        scf.if %cond3A_713 {
          "tpu.trace_start"() <{level = 10 : i32, message = "ep_copy_out"}> : () -> ()
          %rem3A_929 = arith.constant 2 : i32
          %rem3A_930 = arith.remui %scan3A_162, %rem3A_929 : i32
          %mul3A_931 = arith.constant 128 : i32
          %mul3A_932 = arith.muli %mul3A_931, %add3A_169 : i32
          %dma_start3A_933 = arith.constant 0 : i32
          %dma_start3A_934 = arith.constant 0 : i32
          %dma_start3A_935 = tpu.memref_slice %run_scoped3A_8[%rem3A_930, %dma_start3A_933, %dma_start3A_934] : memref<2x128x96xf32, #tpu.memory_space<vmem>> -> memref<1x128x96xf32, #tpu.memory_space<vmem>>
          %dma_start3A_936 = tpu.memref_squeeze %dma_start3A_935 : memref<1x128x96xf32, #tpu.memory_space<vmem>> -> memref<128x96xf32, #tpu.memory_space<vmem>>
          %dma_start3A_937 = arith.constant 0 : i32
          %dma_start3A_938 = tpu.memref_slice %arg4[%mul3A_932, %dma_start3A_937] : memref<65536x96xf32, #tpu.memory_space<hbm>> -> memref<128x96xf32, #tpu.memory_space<hbm>>
          %dma_start3A_939 = tpu.memref_slice %run_scoped3A_9[%rem3A_930] : memref<2x!tpu.dma_semaphore, #tpu.memory_space<semaphore_mem>> -> memref<1x!tpu.dma_semaphore, #tpu.memory_space<semaphore_mem>>
          %dma_start3A_940 = tpu.memref_squeeze %dma_start3A_939 : memref<1x!tpu.dma_semaphore, #tpu.memory_space<semaphore_mem>> -> memref<!tpu.dma_semaphore, #tpu.memory_space<semaphore_mem>>
          %dma_start3A_941 = arith.constant 0 : i32
          %dma_start3A_942 = tpu.memref_slice %arg4[%mul3A_932, %dma_start3A_941] : memref<65536x96xf32, #tpu.memory_space<hbm>> -> memref<128x96xf32, #tpu.memory_space<hbm>>
          %dma_start3A_943 = arith.constant 0 : i32
          %dma_start3A_944 = arith.constant 0 : i32
          %dma_start3A_945 = tpu.memref_slice %run_scoped3A_8[%rem3A_930, %dma_start3A_943, %dma_start3A_944] : memref<2x128x96xf32, #tpu.memory_space<vmem>> -> memref<1x128x96xf32, #tpu.memory_space<vmem>>
          %dma_start3A_946 = tpu.memref_squeeze %dma_start3A_945 : memref<1x128x96xf32, #tpu.memory_space<vmem>> -> memref<128x96xf32, #tpu.memory_space<vmem>>
          tpu.enqueue_dma source(%dma_start3A_946 : memref<128x96xf32, #tpu.memory_space<vmem>>) target(%dma_start3A_942 : memref<128x96xf32, #tpu.memory_space<hbm>>) target_semaphore(%dma_start3A_940 : memref<!tpu.dma_semaphore, #tpu.memory_space<semaphore_mem>>)
          "tpu.trace_stop"() : () -> ()
        } else {
        }
        %and3A_714 = arith.constant true
        %and3A_715 = arith.andi %or3A_710, %and3A_714 : i1
        %add3A_716 = arith.constant 1 : i32
        %add3A_717 = arith.addi %scan3A_162, %add3A_716 : i32
        %select_n3A_718 = arith.select %and3A_715, %add3A_717, %scan3A_162 : i32
        %jit3A_719 = arith.constant 64 : i32
        %div3A_720 = arith.divsi %add3A_169, %jit3A_719 : i32
        %sign3A_721 = arith.constant 0 : i32
        %sign3A_722 = arith.cmpi sgt, %add3A_169, %sign3A_721 : i32
        %sign3A_723 = arith.extui %sign3A_722 : i1 to i32
        %sign3A_724 = arith.constant 0 : i32
        %sign3A_725 = arith.cmpi slt, %add3A_169, %sign3A_724 : i32
        %sign3A_726 = arith.extui %sign3A_725 : i1 to i32
        %sign3A_727 = arith.subi %sign3A_723, %sign3A_726 : i32
        %sign3A_728 = arith.constant 0 : i32
        %sign3A_729 = arith.cmpi sgt, %jit3A_719, %sign3A_728 : i32
        %sign3A_730 = arith.extui %sign3A_729 : i1 to i32
        %sign3A_731 = arith.constant 0 : i32
        %sign3A_732 = arith.cmpi slt, %jit3A_719, %sign3A_731 : i32
        %sign3A_733 = arith.extui %sign3A_732 : i1 to i32
        %sign3A_734 = arith.subi %sign3A_730, %sign3A_733 : i32
        %ne3A_735 = arith.cmpi ne, %sign3A_727, %sign3A_734 : i32
        %rem3A_736 = arith.remsi %add3A_169, %jit3A_719 : i32
        %ne3A_737 = arith.constant 0 : i32
        %ne3A_738 = arith.cmpi ne, %rem3A_736, %ne3A_737 : i32
        %and3A_739 = arith.andi %ne3A_735, %ne3A_738 : i1
        %sub3A_740 = arith.constant 1 : i32
        %sub3A_741 = arith.subi %div3A_720, %sub3A_740 : i32
        %select_n3A_742 = arith.select %and3A_739, %sub3A_741, %div3A_720 : i32
        %jit3A_743 = arith.constant 64 : i32
        %eq3A_744 = arith.constant 0 : i32
        %eq3A_745 = arith.cmpi eq, %jit3A_743, %eq3A_744 : i32
        %jit3A_746 = arith.constant 1 : i32
        %select_n3A_747 = arith.select %eq3A_745, %jit3A_746, %jit3A_743 : i32
        %rem3A_748 = arith.remsi %add3A_169, %select_n3A_747 : i32
        %ne3A_749 = arith.constant 0 : i32
        %ne3A_750 = arith.cmpi ne, %rem3A_748, %ne3A_749 : i32
        %lt3A_751 = arith.constant 0 : i32
        %lt3A_752 = arith.cmpi slt, %rem3A_748, %lt3A_751 : i32
        %lt3A_753 = arith.constant 0 : i32
        %lt3A_754 = arith.cmpi slt, %select_n3A_747, %lt3A_753 : i32
        %ne3A_755 = arith.xori %lt3A_752, %lt3A_754 : i1
        %and3A_756 = arith.andi %ne3A_755, %ne3A_750 : i1
        %add3A_757 = arith.addi %rem3A_748, %select_n3A_747 : i32
        %select_n3A_758 = arith.select %and3A_756, %add3A_757, %rem3A_748 : i32
        %jit3A_759 = arith.constant 64 : i32
        %div3A_760 = arith.divsi %add3A_178, %jit3A_759 : i32
        %sign3A_761 = arith.constant 0 : i32
        %sign3A_762 = arith.cmpi sgt, %add3A_178, %sign3A_761 : i32
        %sign3A_763 = arith.extui %sign3A_762 : i1 to i32
        %sign3A_764 = arith.constant 0 : i32
        %sign3A_765 = arith.cmpi slt, %add3A_178, %sign3A_764 : i32
        %sign3A_766 = arith.extui %sign3A_765 : i1 to i32
        %sign3A_767 = arith.subi %sign3A_763, %sign3A_766 : i32
        %sign3A_768 = arith.constant 0 : i32
        %sign3A_769 = arith.cmpi sgt, %jit3A_759, %sign3A_768 : i32
        %sign3A_770 = arith.extui %sign3A_769 : i1 to i32
        %sign3A_771 = arith.constant 0 : i32
        %sign3A_772 = arith.cmpi slt, %jit3A_759, %sign3A_771 : i32
        %sign3A_773 = arith.extui %sign3A_772 : i1 to i32
        %sign3A_774 = arith.subi %sign3A_770, %sign3A_773 : i32
        %ne3A_775 = arith.cmpi ne, %sign3A_767, %sign3A_774 : i32
        %rem3A_776 = arith.remsi %add3A_178, %jit3A_759 : i32
        %ne3A_777 = arith.constant 0 : i32
        %ne3A_778 = arith.cmpi ne, %rem3A_776, %ne3A_777 : i32
        %and3A_779 = arith.andi %ne3A_775, %ne3A_778 : i1
        %sub3A_780 = arith.constant 1 : i32
        %sub3A_781 = arith.subi %div3A_760, %sub3A_780 : i32
        %select_n3A_782 = arith.select %and3A_779, %sub3A_781, %div3A_760 : i32
        %jit3A_783 = arith.constant 64 : i32
        %eq3A_784 = arith.constant 0 : i32
        %eq3A_785 = arith.cmpi eq, %jit3A_783, %eq3A_784 : i32
        %jit3A_786 = arith.constant 1 : i32
        %select_n3A_787 = arith.select %eq3A_785, %jit3A_786, %jit3A_783 : i32
        %rem3A_788 = arith.remsi %add3A_178, %select_n3A_787 : i32
        %ne3A_789 = arith.constant 0 : i32
        %ne3A_790 = arith.cmpi ne, %rem3A_788, %ne3A_789 : i32
        %lt3A_791 = arith.constant 0 : i32
        %lt3A_792 = arith.cmpi slt, %rem3A_788, %lt3A_791 : i32
        %lt3A_793 = arith.constant 0 : i32
        %lt3A_794 = arith.cmpi slt, %select_n3A_787, %lt3A_793 : i32
        %ne3A_795 = arith.xori %lt3A_792, %lt3A_794 : i1
        %and3A_796 = arith.andi %ne3A_795, %ne3A_790 : i1
        %add3A_797 = arith.addi %rem3A_788, %select_n3A_787 : i32
        %select_n3A_798 = arith.select %and3A_796, %add3A_797, %rem3A_788 : i32
        %ne3A_799 = arith.cmpi ne, %select_n3A_742, %select_n3A_782 : i32
        %ne3A_800 = arith.cmpi ne, %select_n3A_758, %select_n3A_798 : i32
        %or3A_801 = arith.constant false
        %or3A_802 = arith.ori %or3A_801, %ne3A_799 : i1
        %or3A_803 = arith.constant false
        %or3A_804 = arith.ori %or3A_802, %or3A_803 : i1
        %or3A_805 = arith.ori %or3A_804, %ne3A_800 : i1
        %not3A_806 = arith.constant true
        %not3A_807 = arith.xori %eq3A_166, %not3A_806 : i1
        %and3A_808 = arith.andi %or3A_805, %not3A_807 : i1
        %convert_element_type3A_809 = arith.extui %and3A_808 : i1 to i32
        %cond3A_810 = arith.constant 0 : i32
        %cond3A_811 = arith.cmpi ne, %convert_element_type3A_809, %cond3A_810 : i32
        scf.if %cond3A_811 {
        } else {
        }
        %and3A_812 = arith.constant false
        %and3A_813 = arith.andi %and3A_808, %and3A_812 : i1
        %ne3A_814 = arith.cmpi ne, %add3A_169, %add3A_178 : i32
        %or3A_815 = arith.constant false
        %or3A_816 = arith.ori %or3A_815, %ne3A_814 : i1
        %or3A_817 = arith.constant false
        %or3A_818 = arith.ori %or3A_816, %or3A_817 : i1
        %not3A_819 = arith.constant true
        %not3A_820 = arith.xori %eq3A_166, %not3A_819 : i1
        %and3A_821 = arith.andi %or3A_818, %not3A_820 : i1
        %convert_element_type3A_822 = arith.extui %and3A_821 : i1 to i32
        %cond3A_823 = arith.constant 0 : i32
        %cond3A_824 = arith.cmpi ne, %convert_element_type3A_822, %cond3A_823 : i32
        scf.if %cond3A_824 {
          "tpu.trace_start"() <{level = 10 : i32, message = "ep_wait_out"}> : () -> ()
          %rem3A_929 = arith.constant 2 : i32
          %rem3A_930 = arith.remui %scan3A_163, %rem3A_929 : i32
          %mul3A_931 = arith.constant 128 : i32
          %mul3A_932 = arith.muli %mul3A_931, %add3A_178 : i32
          %dma_wait3A_933 = arith.constant 0 : i32
          %dma_wait3A_934 = arith.constant 0 : i32
          %dma_wait3A_935 = tpu.memref_slice %run_scoped3A_8[%rem3A_930, %dma_wait3A_933, %dma_wait3A_934] : memref<2x128x96xf32, #tpu.memory_space<vmem>> -> memref<1x128x96xf32, #tpu.memory_space<vmem>>
          %dma_wait3A_936 = tpu.memref_squeeze %dma_wait3A_935 : memref<1x128x96xf32, #tpu.memory_space<vmem>> -> memref<128x96xf32, #tpu.memory_space<vmem>>
          %dma_wait3A_937 = arith.constant 0 : i32
          %dma_wait3A_938 = tpu.memref_slice %arg4[%mul3A_932, %dma_wait3A_937] : memref<65536x96xf32, #tpu.memory_space<hbm>> -> memref<128x96xf32, #tpu.memory_space<hbm>>
          %dma_wait3A_939 = tpu.memref_slice %run_scoped3A_9[%rem3A_930] : memref<2x!tpu.dma_semaphore, #tpu.memory_space<semaphore_mem>> -> memref<1x!tpu.dma_semaphore, #tpu.memory_space<semaphore_mem>>
          %dma_wait3A_940 = tpu.memref_squeeze %dma_wait3A_939 : memref<1x!tpu.dma_semaphore, #tpu.memory_space<semaphore_mem>> -> memref<!tpu.dma_semaphore, #tpu.memory_space<semaphore_mem>>
          %dma_wait3A_941 = arith.constant 0 : i32
          %dma_wait3A_942 = tpu.memref_slice %arg4[%mul3A_932, %dma_wait3A_941] : memref<65536x96xf32, #tpu.memory_space<hbm>> -> memref<128x96xf32, #tpu.memory_space<hbm>>
          %dma_wait3A_943 = arith.constant 0 : i32
          %dma_wait3A_944 = arith.constant 0 : i32
          %dma_wait3A_945 = tpu.memref_slice %run_scoped3A_8[%rem3A_930, %dma_wait3A_943, %dma_wait3A_944] : memref<2x128x96xf32, #tpu.memory_space<vmem>> -> memref<1x128x96xf32, #tpu.memory_space<vmem>>
          %dma_wait3A_946 = tpu.memref_squeeze %dma_wait3A_945 : memref<1x128x96xf32, #tpu.memory_space<vmem>> -> memref<128x96xf32, #tpu.memory_space<vmem>>
          tpu.wait_dma2 semaphore(%dma_wait3A_940 : memref<!tpu.dma_semaphore, #tpu.memory_space<semaphore_mem>>) src(%dma_wait3A_946 : memref<128x96xf32, #tpu.memory_space<vmem>>) dst(%dma_wait3A_942 : memref<128x96xf32, #tpu.memory_space<hbm>>)
          "tpu.trace_stop"() : () -> ()
        } else {
        }
        %and3A_825 = arith.constant true
        %and3A_826 = arith.andi %and3A_821, %and3A_825 : i1
        %add3A_827 = arith.constant 1 : i32
        %add3A_828 = arith.addi %scan3A_163, %add3A_827 : i32
        %select_n3A_829 = arith.select %and3A_826, %add3A_828, %scan3A_163 : i32
        %jit3A_830 = arith.constant 64 : i32
        %div3A_831 = arith.divsi %add3A_169, %jit3A_830 : i32
        %sign3A_832 = arith.constant 0 : i32
        %sign3A_833 = arith.cmpi sgt, %add3A_169, %sign3A_832 : i32
        %sign3A_834 = arith.extui %sign3A_833 : i1 to i32
        %sign3A_835 = arith.constant 0 : i32
        %sign3A_836 = arith.cmpi slt, %add3A_169, %sign3A_835 : i32
        %sign3A_837 = arith.extui %sign3A_836 : i1 to i32
        %sign3A_838 = arith.subi %sign3A_834, %sign3A_837 : i32
        %sign3A_839 = arith.constant 0 : i32
        %sign3A_840 = arith.cmpi sgt, %jit3A_830, %sign3A_839 : i32
        %sign3A_841 = arith.extui %sign3A_840 : i1 to i32
        %sign3A_842 = arith.constant 0 : i32
        %sign3A_843 = arith.cmpi slt, %jit3A_830, %sign3A_842 : i32
        %sign3A_844 = arith.extui %sign3A_843 : i1 to i32
        %sign3A_845 = arith.subi %sign3A_841, %sign3A_844 : i32
        %ne3A_846 = arith.cmpi ne, %sign3A_838, %sign3A_845 : i32
        %rem3A_847 = arith.remsi %add3A_169, %jit3A_830 : i32
        %ne3A_848 = arith.constant 0 : i32
        %ne3A_849 = arith.cmpi ne, %rem3A_847, %ne3A_848 : i32
        %and3A_850 = arith.andi %ne3A_846, %ne3A_849 : i1
        %sub3A_851 = arith.constant 1 : i32
        %sub3A_852 = arith.subi %div3A_831, %sub3A_851 : i32
        %select_n3A_853 = arith.select %and3A_850, %sub3A_852, %div3A_831 : i32
        %jit3A_854 = arith.constant 64 : i32
        %eq3A_855 = arith.constant 0 : i32
        %eq3A_856 = arith.cmpi eq, %jit3A_854, %eq3A_855 : i32
        %jit3A_857 = arith.constant 1 : i32
        %select_n3A_858 = arith.select %eq3A_856, %jit3A_857, %jit3A_854 : i32
        %rem3A_859 = arith.remsi %add3A_169, %select_n3A_858 : i32
        %ne3A_860 = arith.constant 0 : i32
        %ne3A_861 = arith.cmpi ne, %rem3A_859, %ne3A_860 : i32
        %lt3A_862 = arith.constant 0 : i32
        %lt3A_863 = arith.cmpi slt, %rem3A_859, %lt3A_862 : i32
        %lt3A_864 = arith.constant 0 : i32
        %lt3A_865 = arith.cmpi slt, %select_n3A_858, %lt3A_864 : i32
        %ne3A_866 = arith.xori %lt3A_863, %lt3A_865 : i1
        %and3A_867 = arith.andi %ne3A_866, %ne3A_861 : i1
        %add3A_868 = arith.addi %rem3A_859, %select_n3A_858 : i32
        %select_n3A_869 = arith.select %and3A_867, %add3A_868, %rem3A_859 : i32
        %jit3A_870 = arith.constant 64 : i32
        %div3A_871 = arith.divsi %add3A_187, %jit3A_870 : i32
        %sign3A_872 = arith.constant 0 : i32
        %sign3A_873 = arith.cmpi sgt, %add3A_187, %sign3A_872 : i32
        %sign3A_874 = arith.extui %sign3A_873 : i1 to i32
        %sign3A_875 = arith.constant 0 : i32
        %sign3A_876 = arith.cmpi slt, %add3A_187, %sign3A_875 : i32
        %sign3A_877 = arith.extui %sign3A_876 : i1 to i32
        %sign3A_878 = arith.subi %sign3A_874, %sign3A_877 : i32
        %sign3A_879 = arith.constant 0 : i32
        %sign3A_880 = arith.cmpi sgt, %jit3A_870, %sign3A_879 : i32
        %sign3A_881 = arith.extui %sign3A_880 : i1 to i32
        %sign3A_882 = arith.constant 0 : i32
        %sign3A_883 = arith.cmpi slt, %jit3A_870, %sign3A_882 : i32
        %sign3A_884 = arith.extui %sign3A_883 : i1 to i32
        %sign3A_885 = arith.subi %sign3A_881, %sign3A_884 : i32
        %ne3A_886 = arith.cmpi ne, %sign3A_878, %sign3A_885 : i32
        %rem3A_887 = arith.remsi %add3A_187, %jit3A_870 : i32
        %ne3A_888 = arith.constant 0 : i32
        %ne3A_889 = arith.cmpi ne, %rem3A_887, %ne3A_888 : i32
        %and3A_890 = arith.andi %ne3A_886, %ne3A_889 : i1
        %sub3A_891 = arith.constant 1 : i32
        %sub3A_892 = arith.subi %div3A_871, %sub3A_891 : i32
        %select_n3A_893 = arith.select %and3A_890, %sub3A_892, %div3A_871 : i32
        %jit3A_894 = arith.constant 64 : i32
        %eq3A_895 = arith.constant 0 : i32
        %eq3A_896 = arith.cmpi eq, %jit3A_894, %eq3A_895 : i32
        %jit3A_897 = arith.constant 1 : i32
        %select_n3A_898 = arith.select %eq3A_896, %jit3A_897, %jit3A_894 : i32
        %rem3A_899 = arith.remsi %add3A_187, %select_n3A_898 : i32
        %ne3A_900 = arith.constant 0 : i32
        %ne3A_901 = arith.cmpi ne, %rem3A_899, %ne3A_900 : i32
        %lt3A_902 = arith.constant 0 : i32
        %lt3A_903 = arith.cmpi slt, %rem3A_899, %lt3A_902 : i32
        %lt3A_904 = arith.constant 0 : i32
        %lt3A_905 = arith.cmpi slt, %select_n3A_898, %lt3A_904 : i32
        %ne3A_906 = arith.xori %lt3A_903, %lt3A_905 : i1
        %and3A_907 = arith.andi %ne3A_906, %ne3A_901 : i1
        %add3A_908 = arith.addi %rem3A_899, %select_n3A_898 : i32
        %select_n3A_909 = arith.select %and3A_907, %add3A_908, %rem3A_899 : i32
        %ne3A_910 = arith.cmpi ne, %select_n3A_853, %select_n3A_893 : i32
        %ne3A_911 = arith.cmpi ne, %select_n3A_869, %select_n3A_909 : i32
        %or3A_912 = arith.constant false
        %or3A_913 = arith.ori %or3A_912, %ne3A_910 : i1
        %or3A_914 = arith.constant false
        %or3A_915 = arith.ori %or3A_913, %or3A_914 : i1
        %or3A_916 = arith.ori %or3A_915, %ne3A_911 : i1
        %or3A_917 = arith.ori %or3A_916, %eq3A_168 : i1
        %add3A_918 = arith.constant 1 : i32
        %add3A_919 = arith.addi %scan3A_161, %add3A_918 : i32
        %select_n3A_920 = arith.select %or3A_917, %add3A_919, %scan3A_161 : i32
        %add3A_921 = arith.constant 1 : i32
        %add3A_922 = arith.addi %scan3A_164, %add3A_921 : i32
        %select_n3A_923 = arith.constant true
        %select_n3A_924 = arith.select %select_n3A_923, %add3A_922, %scan3A_164 : i32
        %eq3A_925 = arith.constant 16 : i32
        %eq3A_926 = arith.cmpi eq, %select_n3A_924, %eq3A_925 : i32
        %select_n3A_927 = arith.constant 0 : i32
        %select_n3A_928 = arith.select %eq3A_926, %select_n3A_927, %select_n3A_924 : i32
        scf.yield %select_n3A_291, %select_n3A_920, %select_n3A_718, %select_n3A_829, %select_n3A_928 : i32, i32, i32, i32, i32
      }
      %scan3A_105 = arith.constant 16 : i32
      %sub3A_106 = arith.constant 1 : i32
      %sub3A_107 = arith.subi %scan3A_104#4, %sub3A_106 : i32
      %select_n3A_108 = arith.constant true
      %select_n3A_109 = arith.select %select_n3A_108, %sub3A_107, %scan3A_104#4 : i32
      %eq3A_110 = arith.constant -1 : i32
      %eq3A_111 = arith.cmpi eq, %select_n3A_109, %eq3A_110 : i32
      %select_n3A_112 = arith.constant 15 : i32
      %select_n3A_113 = arith.select %eq3A_111, %select_n3A_112, %select_n3A_109 : i32
      %add3A_114 = arith.addi %select_n3A_113, %mul3A_6 : i32
      %sub3A_115 = arith.constant 1 : i32
      %sub3A_116 = arith.subi %select_n3A_113, %sub3A_115 : i32
      %select_n3A_117 = arith.constant true
      %select_n3A_118 = arith.select %select_n3A_117, %sub3A_116, %select_n3A_113 : i32
      %eq3A_119 = arith.constant -1 : i32
      %eq3A_120 = arith.cmpi eq, %select_n3A_118, %eq3A_119 : i32
      %select_n3A_121 = arith.constant 15 : i32
      %select_n3A_122 = arith.select %eq3A_120, %select_n3A_121, %select_n3A_118 : i32
      %add3A_123 = arith.addi %select_n3A_122, %mul3A_6 : i32
      %add3A_124 = arith.constant 1 : i32
      %add3A_125 = arith.addi %select_n3A_113, %add3A_124 : i32
      %select_n3A_126 = arith.constant true
      %select_n3A_127 = arith.select %select_n3A_126, %add3A_125, %select_n3A_113 : i32
      %eq3A_128 = arith.constant 16 : i32
      %eq3A_129 = arith.cmpi eq, %select_n3A_127, %eq3A_128 : i32
      %select_n3A_130 = arith.constant 0 : i32
      %select_n3A_131 = arith.select %eq3A_129, %select_n3A_130, %select_n3A_127 : i32
      %add3A_132 = arith.addi %select_n3A_131, %mul3A_6 : i32
      %add3A_133 = arith.constant 1 : i32
      %add3A_134 = arith.addi %select_n3A_131, %add3A_133 : i32
      %select_n3A_135 = arith.constant true
      %select_n3A_136 = arith.select %select_n3A_135, %add3A_134, %select_n3A_131 : i32
      %eq3A_137 = arith.constant 16 : i32
      %eq3A_138 = arith.cmpi eq, %select_n3A_136, %eq3A_137 : i32
      %select_n3A_139 = arith.constant 0 : i32
      %select_n3A_140 = arith.select %eq3A_138, %select_n3A_139, %select_n3A_136 : i32
      %add3A_141 = arith.addi %select_n3A_140, %mul3A_6 : i32
      "tpu.trace_start"() <{level = 10 : i32, message = "ep_finalize"}> : () -> ()
      %rem3A_142 = arith.constant 2 : i32
      %rem3A_143 = arith.remui %scan3A_104#3, %rem3A_142 : i32
      %mul3A_144 = arith.constant 128 : i32
      %mul3A_145 = arith.muli %mul3A_144, %add3A_114 : i32
      %dma_wait3A = arith.constant 0 : i32
      %dma_wait3A_146 = arith.constant 0 : i32
      %dma_wait3A_147 = tpu.memref_slice %run_scoped3A_8[%rem3A_143, %dma_wait3A, %dma_wait3A_146] : memref<2x128x96xf32, #tpu.memory_space<vmem>> -> memref<1x128x96xf32, #tpu.memory_space<vmem>>
      %dma_wait3A_148 = tpu.memref_squeeze %dma_wait3A_147 : memref<1x128x96xf32, #tpu.memory_space<vmem>> -> memref<128x96xf32, #tpu.memory_space<vmem>>
      %dma_wait3A_149 = arith.constant 0 : i32
      %dma_wait3A_150 = tpu.memref_slice %arg4[%mul3A_145, %dma_wait3A_149] : memref<65536x96xf32, #tpu.memory_space<hbm>> -> memref<128x96xf32, #tpu.memory_space<hbm>>
      %dma_wait3A_151 = tpu.memref_slice %run_scoped3A_9[%rem3A_143] : memref<2x!tpu.dma_semaphore, #tpu.memory_space<semaphore_mem>> -> memref<1x!tpu.dma_semaphore, #tpu.memory_space<semaphore_mem>>
      %dma_wait3A_152 = tpu.memref_squeeze %dma_wait3A_151 : memref<1x!tpu.dma_semaphore, #tpu.memory_space<semaphore_mem>> -> memref<!tpu.dma_semaphore, #tpu.memory_space<semaphore_mem>>
      %dma_wait3A_153 = arith.constant 0 : i32
      %dma_wait3A_154 = tpu.memref_slice %arg4[%mul3A_145, %dma_wait3A_153] : memref<65536x96xf32, #tpu.memory_space<hbm>> -> memref<128x96xf32, #tpu.memory_space<hbm>>
      %dma_wait3A_155 = arith.constant 0 : i32
      %dma_wait3A_156 = arith.constant 0 : i32
      %dma_wait3A_157 = tpu.memref_slice %run_scoped3A_8[%rem3A_143, %dma_wait3A_155, %dma_wait3A_156] : memref<2x128x96xf32, #tpu.memory_space<vmem>> -> memref<1x128x96xf32, #tpu.memory_space<vmem>>
      %dma_wait3A_158 = tpu.memref_squeeze %dma_wait3A_157 : memref<1x128x96xf32, #tpu.memory_space<vmem>> -> memref<128x96xf32, #tpu.memory_space<vmem>>
      tpu.wait_dma2 semaphore(%dma_wait3A_152 : memref<!tpu.dma_semaphore, #tpu.memory_space<semaphore_mem>>) src(%dma_wait3A_158 : memref<128x96xf32, #tpu.memory_space<vmem>>) dst(%dma_wait3A_154 : memref<128x96xf32, #tpu.memory_space<hbm>>)
      "tpu.trace_stop"() : () -> ()
      tpu.yield
    }) : () -> ()
    return
  }
}

module attributes {stable_mosaic.version = 14 : i64} {
  func.func @_tc_body(%arg0: i32, %arg1: memref<1x1024x768xf32, #tpu.memory_space<vmem>>, %arg2: memref<8x1024x96xf32, #tpu.memory_space<vmem>>, %arg3: memref<8x96x96xf32, #tpu.memory_space<vmem>>, %arg4: memref<8x96x96xf32, #tpu.memory_space<vmem>>, %arg5: memref<1x8x1024xi32, #tpu.memory_space<vmem>>, %arg6: memref<8x1024x96xf32, #tpu.memory_space<vmem>>, %arg7: memref<8x1024x96xf32, #tpu.memory_space<vmem>>) attributes {dimension_semantics = [#tpu.dimension_semantics<arbitrary>], iteration_bounds = array<i64: 8>, scalar_prefetch = 0 : i64, scratch_operands = 0 : i64, tpu.core_type = #tpu.core_type<tc>, window_params = [{transform_indices = @transform_0, window_bounds = array<i64: 1, 1024, 768>}, {pipeline_mode = #tpu.pipeline_mode<synchronous>, transform_indices = @transform_1, window_bounds = array<i64: 8, 1024, 96>}, {pipeline_mode = #tpu.pipeline_mode<synchronous>, transform_indices = @transform_2, window_bounds = array<i64: 8, 96, 96>}, {pipeline_mode = #tpu.pipeline_mode<synchronous>, transform_indices = @transform_3, window_bounds = array<i64: 8, 96, 96>}, {transform_indices = @transform_4, window_bounds = array<i64: 1, 8, 1024>}, {pipeline_mode = #tpu.pipeline_mode<synchronous>, transform_indices = @transform_5, window_bounds = array<i64: 8, 1024, 96>}, {pipeline_mode = #tpu.pipeline_mode<synchronous>, transform_indices = @transform_6, window_bounds = array<i64: 8, 1024, 96>}]} {
    %iota3A = tpu.iota {dimensions = array<i32: 0>} : vector<128x1024xi32>
    %convert_element_type3A = arith.sitofp %iota3A : vector<128x1024xi32> to vector<128x1024xf32>
    %eq3A = arith.constant 0 : i32
    %eq3A_0 = arith.cmpi eq, %arg0, %eq3A : i32
    %convert_element_type3A_1 = arith.extui %eq3A_0 : i1 to i32
    %cond3A = arith.constant 0 : i32
    %cond3A_2 = arith.cmpi ne, %convert_element_type3A_1, %cond3A : i32
    scf.if %cond3A_2 {
      %get3A_758 = arith.constant 0 : index
      %get3A_759 = arith.constant 0 : index
      %get3A_760 = arith.constant 0 : index
      %get3A_761 = vector.load %arg2[%get3A_758, %get3A_759, %get3A_760] : memref<8x1024x96xf32, #tpu.memory_space<vmem>>, vector<1x1024x96xf32>
      %get3A_762 = vector.shape_cast %get3A_761 : vector<1x1024x96xf32> to vector<1024x96xf32>
      %get3A_763 = arith.constant 0 : index
      %get3A_764 = arith.constant 0 : index
      %get3A_765 = arith.constant 0 : index
      %get3A_766 = vector.load %arg3[%get3A_763, %get3A_764, %get3A_765] : memref<8x96x96xf32, #tpu.memory_space<vmem>>, vector<1x96x96xf32>
      %get3A_767 = vector.shape_cast %get3A_766 : vector<1x96x96xf32> to vector<96x96xf32>
      %dot_general3A_768 = arith.constant dense<0.000000e+00> : vector<1024x96xf32>
      %dot_general3A_769 = tpu.matmul %get3A_762, %get3A_767, %dot_general3A_768 {dimension_numbers = #tpu.dot_dimension_numbers<[1], [0], [0], [1], [0, 0, 1, 1], [], []>, transpose_lhs_hint = false} : vector<1024x96xf32>, vector<96x96xf32>, vector<1024x96xf32> -> vector<1024x96xf32>
      %swap3A_770 = arith.constant 0 : index
      %swap3A_771 = arith.constant 0 : index
      %swap3A_772 = arith.constant 0 : index
      %swap3A_773 = vector.load %arg6[%swap3A_770, %swap3A_771, %swap3A_772] : memref<8x1024x96xf32, #tpu.memory_space<vmem>>, vector<1x1024x96xf32>
      %swap3A_774 = vector.shape_cast %swap3A_773 : vector<1x1024x96xf32> to vector<1024x96xf32>
      %swap3A_775 = vector.shape_cast %dot_general3A_769 : vector<1024x96xf32> to vector<1x1024x96xf32>
      tpu.vector_store %arg6[%swap3A_770, %swap3A_771, %swap3A_772], %swap3A_775 {strides = array<i32>} : memref<8x1024x96xf32, #tpu.memory_space<vmem>>, vector<1x1024x96xf32>,
      %get3A_776 = arith.constant 0 : index
      %get3A_777 = arith.constant 0 : index
      %get3A_778 = arith.constant 0 : index
      %get3A_779 = vector.load %arg2[%get3A_776, %get3A_777, %get3A_778] : memref<8x1024x96xf32, #tpu.memory_space<vmem>>, vector<1x1024x96xf32>
      %get3A_780 = vector.shape_cast %get3A_779 : vector<1x1024x96xf32> to vector<1024x96xf32>
      %get3A_781 = arith.constant 0 : index
      %get3A_782 = arith.constant 0 : index
      %get3A_783 = arith.constant 0 : index
      %get3A_784 = vector.load %arg4[%get3A_781, %get3A_782, %get3A_783] : memref<8x96x96xf32, #tpu.memory_space<vmem>>, vector<1x96x96xf32>
      %get3A_785 = vector.shape_cast %get3A_784 : vector<1x96x96xf32> to vector<96x96xf32>
      %dot_general3A_786 = arith.constant dense<0.000000e+00> : vector<1024x96xf32>
      %dot_general3A_787 = tpu.matmul %get3A_780, %get3A_785, %dot_general3A_786 {dimension_numbers = #tpu.dot_dimension_numbers<[1], [0], [0], [1], [0, 0, 1, 1], [], []>, transpose_lhs_hint = false} : vector<1024x96xf32>, vector<96x96xf32>, vector<1024x96xf32> -> vector<1024x96xf32>
      %swap3A_788 = arith.constant 0 : index
      %swap3A_789 = arith.constant 0 : index
      %swap3A_790 = arith.constant 0 : index
      %swap3A_791 = vector.load %arg7[%swap3A_788, %swap3A_789, %swap3A_790] : memref<8x1024x96xf32, #tpu.memory_space<vmem>>, vector<1x1024x96xf32>
      %swap3A_792 = vector.shape_cast %swap3A_791 : vector<1x1024x96xf32> to vector<1024x96xf32>
      %swap3A_793 = vector.shape_cast %dot_general3A_787 : vector<1024x96xf32> to vector<1x1024x96xf32>
      tpu.vector_store %arg7[%swap3A_788, %swap3A_789, %swap3A_790], %swap3A_793 {strides = array<i32>} : memref<8x1024x96xf32, #tpu.memory_space<vmem>>, vector<1x1024x96xf32>,
      %get3A_794 = arith.constant 1 : index
      %get3A_795 = arith.constant 0 : index
      %get3A_796 = arith.constant 0 : index
      %get3A_797 = vector.load %arg2[%get3A_794, %get3A_795, %get3A_796] : memref<8x1024x96xf32, #tpu.memory_space<vmem>>, vector<1x1024x96xf32>
      %get3A_798 = vector.shape_cast %get3A_797 : vector<1x1024x96xf32> to vector<1024x96xf32>
      %get3A_799 = arith.constant 1 : index
      %get3A_800 = arith.constant 0 : index
      %get3A_801 = arith.constant 0 : index
      %get3A_802 = vector.load %arg3[%get3A_799, %get3A_800, %get3A_801] : memref<8x96x96xf32, #tpu.memory_space<vmem>>, vector<1x96x96xf32>
      %get3A_803 = vector.shape_cast %get3A_802 : vector<1x96x96xf32> to vector<96x96xf32>
      %dot_general3A_804 = arith.constant dense<0.000000e+00> : vector<1024x96xf32>
      %dot_general3A_805 = tpu.matmul %get3A_798, %get3A_803, %dot_general3A_804 {dimension_numbers = #tpu.dot_dimension_numbers<[1], [0], [0], [1], [0, 0, 1, 1], [], []>, transpose_lhs_hint = false} : vector<1024x96xf32>, vector<96x96xf32>, vector<1024x96xf32> -> vector<1024x96xf32>
      %swap3A_806 = arith.constant 1 : index
      %swap3A_807 = arith.constant 0 : index
      %swap3A_808 = arith.constant 0 : index
      %swap3A_809 = vector.load %arg6[%swap3A_806, %swap3A_807, %swap3A_808] : memref<8x1024x96xf32, #tpu.memory_space<vmem>>, vector<1x1024x96xf32>
      %swap3A_810 = vector.shape_cast %swap3A_809 : vector<1x1024x96xf32> to vector<1024x96xf32>
      %swap3A_811 = vector.shape_cast %dot_general3A_805 : vector<1024x96xf32> to vector<1x1024x96xf32>
      tpu.vector_store %arg6[%swap3A_806, %swap3A_807, %swap3A_808], %swap3A_811 {strides = array<i32>} : memref<8x1024x96xf32, #tpu.memory_space<vmem>>, vector<1x1024x96xf32>,
      %get3A_812 = arith.constant 1 : index
      %get3A_813 = arith.constant 0 : index
      %get3A_814 = arith.constant 0 : index
      %get3A_815 = vector.load %arg2[%get3A_812, %get3A_813, %get3A_814] : memref<8x1024x96xf32, #tpu.memory_space<vmem>>, vector<1x1024x96xf32>
      %get3A_816 = vector.shape_cast %get3A_815 : vector<1x1024x96xf32> to vector<1024x96xf32>
      %get3A_817 = arith.constant 1 : index
      %get3A_818 = arith.constant 0 : index
      %get3A_819 = arith.constant 0 : index
      %get3A_820 = vector.load %arg4[%get3A_817, %get3A_818, %get3A_819] : memref<8x96x96xf32, #tpu.memory_space<vmem>>, vector<1x96x96xf32>
      %get3A_821 = vector.shape_cast %get3A_820 : vector<1x96x96xf32> to vector<96x96xf32>
      %dot_general3A_822 = arith.constant dense<0.000000e+00> : vector<1024x96xf32>
      %dot_general3A_823 = tpu.matmul %get3A_816, %get3A_821, %dot_general3A_822 {dimension_numbers = #tpu.dot_dimension_numbers<[1], [0], [0], [1], [0, 0, 1, 1], [], []>, transpose_lhs_hint = false} : vector<1024x96xf32>, vector<96x96xf32>, vector<1024x96xf32> -> vector<1024x96xf32>
      %swap3A_824 = arith.constant 1 : index
      %swap3A_825 = arith.constant 0 : index
      %swap3A_826 = arith.constant 0 : index
      %swap3A_827 = vector.load %arg7[%swap3A_824, %swap3A_825, %swap3A_826] : memref<8x1024x96xf32, #tpu.memory_space<vmem>>, vector<1x1024x96xf32>
      %swap3A_828 = vector.shape_cast %swap3A_827 : vector<1x1024x96xf32> to vector<1024x96xf32>
      %swap3A_829 = vector.shape_cast %dot_general3A_823 : vector<1024x96xf32> to vector<1x1024x96xf32>
      tpu.vector_store %arg7[%swap3A_824, %swap3A_825, %swap3A_826], %swap3A_829 {strides = array<i32>} : memref<8x1024x96xf32, #tpu.memory_space<vmem>>, vector<1x1024x96xf32>,
      %get3A_830 = arith.constant 2 : index
      %get3A_831 = arith.constant 0 : index
      %get3A_832 = arith.constant 0 : index
      %get3A_833 = vector.load %arg2[%get3A_830, %get3A_831, %get3A_832] : memref<8x1024x96xf32, #tpu.memory_space<vmem>>, vector<1x1024x96xf32>
      %get3A_834 = vector.shape_cast %get3A_833 : vector<1x1024x96xf32> to vector<1024x96xf32>
      %get3A_835 = arith.constant 2 : index
      %get3A_836 = arith.constant 0 : index
      %get3A_837 = arith.constant 0 : index
      %get3A_838 = vector.load %arg3[%get3A_835, %get3A_836, %get3A_837] : memref<8x96x96xf32, #tpu.memory_space<vmem>>, vector<1x96x96xf32>
      %get3A_839 = vector.shape_cast %get3A_838 : vector<1x96x96xf32> to vector<96x96xf32>
      %dot_general3A_840 = arith.constant dense<0.000000e+00> : vector<1024x96xf32>
      %dot_general3A_841 = tpu.matmul %get3A_834, %get3A_839, %dot_general3A_840 {dimension_numbers = #tpu.dot_dimension_numbers<[1], [0], [0], [1], [0, 0, 1, 1], [], []>, transpose_lhs_hint = false} : vector<1024x96xf32>, vector<96x96xf32>, vector<1024x96xf32> -> vector<1024x96xf32>
      %swap3A_842 = arith.constant 2 : index
      %swap3A_843 = arith.constant 0 : index
      %swap3A_844 = arith.constant 0 : index
      %swap3A_845 = vector.load %arg6[%swap3A_842, %swap3A_843, %swap3A_844] : memref<8x1024x96xf32, #tpu.memory_space<vmem>>, vector<1x1024x96xf32>
      %swap3A_846 = vector.shape_cast %swap3A_845 : vector<1x1024x96xf32> to vector<1024x96xf32>
      %swap3A_847 = vector.shape_cast %dot_general3A_841 : vector<1024x96xf32> to vector<1x1024x96xf32>
      tpu.vector_store %arg6[%swap3A_842, %swap3A_843, %swap3A_844], %swap3A_847 {strides = array<i32>} : memref<8x1024x96xf32, #tpu.memory_space<vmem>>, vector<1x1024x96xf32>,
      %get3A_848 = arith.constant 2 : index
      %get3A_849 = arith.constant 0 : index
      %get3A_850 = arith.constant 0 : index
      %get3A_851 = vector.load %arg2[%get3A_848, %get3A_849, %get3A_850] : memref<8x1024x96xf32, #tpu.memory_space<vmem>>, vector<1x1024x96xf32>
      %get3A_852 = vector.shape_cast %get3A_851 : vector<1x1024x96xf32> to vector<1024x96xf32>
      %get3A_853 = arith.constant 2 : index
      %get3A_854 = arith.constant 0 : index
      %get3A_855 = arith.constant 0 : index
      %get3A_856 = vector.load %arg4[%get3A_853, %get3A_854, %get3A_855] : memref<8x96x96xf32, #tpu.memory_space<vmem>>, vector<1x96x96xf32>
      %get3A_857 = vector.shape_cast %get3A_856 : vector<1x96x96xf32> to vector<96x96xf32>
      %dot_general3A_858 = arith.constant dense<0.000000e+00> : vector<1024x96xf32>
      %dot_general3A_859 = tpu.matmul %get3A_852, %get3A_857, %dot_general3A_858 {dimension_numbers = #tpu.dot_dimension_numbers<[1], [0], [0], [1], [0, 0, 1, 1], [], []>, transpose_lhs_hint = false} : vector<1024x96xf32>, vector<96x96xf32>, vector<1024x96xf32> -> vector<1024x96xf32>
      %swap3A_860 = arith.constant 2 : index
      %swap3A_861 = arith.constant 0 : index
      %swap3A_862 = arith.constant 0 : index
      %swap3A_863 = vector.load %arg7[%swap3A_860, %swap3A_861, %swap3A_862] : memref<8x1024x96xf32, #tpu.memory_space<vmem>>, vector<1x1024x96xf32>
      %swap3A_864 = vector.shape_cast %swap3A_863 : vector<1x1024x96xf32> to vector<1024x96xf32>
      %swap3A_865 = vector.shape_cast %dot_general3A_859 : vector<1024x96xf32> to vector<1x1024x96xf32>
      tpu.vector_store %arg7[%swap3A_860, %swap3A_861, %swap3A_862], %swap3A_865 {strides = array<i32>} : memref<8x1024x96xf32, #tpu.memory_space<vmem>>, vector<1x1024x96xf32>,
      %get3A_866 = arith.constant 3 : index
      %get3A_867 = arith.constant 0 : index
      %get3A_868 = arith.constant 0 : index
      %get3A_869 = vector.load %arg2[%get3A_866, %get3A_867, %get3A_868] : memref<8x1024x96xf32, #tpu.memory_space<vmem>>, vector<1x1024x96xf32>
      %get3A_870 = vector.shape_cast %get3A_869 : vector<1x1024x96xf32> to vector<1024x96xf32>
      %get3A_871 = arith.constant 3 : index
      %get3A_872 = arith.constant 0 : index
      %get3A_873 = arith.constant 0 : index
      %get3A_874 = vector.load %arg3[%get3A_871, %get3A_872, %get3A_873] : memref<8x96x96xf32, #tpu.memory_space<vmem>>, vector<1x96x96xf32>
      %get3A_875 = vector.shape_cast %get3A_874 : vector<1x96x96xf32> to vector<96x96xf32>
      %dot_general3A_876 = arith.constant dense<0.000000e+00> : vector<1024x96xf32>
      %dot_general3A_877 = tpu.matmul %get3A_870, %get3A_875, %dot_general3A_876 {dimension_numbers = #tpu.dot_dimension_numbers<[1], [0], [0], [1], [0, 0, 1, 1], [], []>, transpose_lhs_hint = false} : vector<1024x96xf32>, vector<96x96xf32>, vector<1024x96xf32> -> vector<1024x96xf32>
      %swap3A_878 = arith.constant 3 : index
      %swap3A_879 = arith.constant 0 : index
      %swap3A_880 = arith.constant 0 : index
      %swap3A_881 = vector.load %arg6[%swap3A_878, %swap3A_879, %swap3A_880] : memref<8x1024x96xf32, #tpu.memory_space<vmem>>, vector<1x1024x96xf32>
      %swap3A_882 = vector.shape_cast %swap3A_881 : vector<1x1024x96xf32> to vector<1024x96xf32>
      %swap3A_883 = vector.shape_cast %dot_general3A_877 : vector<1024x96xf32> to vector<1x1024x96xf32>
      tpu.vector_store %arg6[%swap3A_878, %swap3A_879, %swap3A_880], %swap3A_883 {strides = array<i32>} : memref<8x1024x96xf32, #tpu.memory_space<vmem>>, vector<1x1024x96xf32>,
      %get3A_884 = arith.constant 3 : index
      %get3A_885 = arith.constant 0 : index
      %get3A_886 = arith.constant 0 : index
      %get3A_887 = vector.load %arg2[%get3A_884, %get3A_885, %get3A_886] : memref<8x1024x96xf32, #tpu.memory_space<vmem>>, vector<1x1024x96xf32>
      %get3A_888 = vector.shape_cast %get3A_887 : vector<1x1024x96xf32> to vector<1024x96xf32>
      %get3A_889 = arith.constant 3 : index
      %get3A_890 = arith.constant 0 : index
      %get3A_891 = arith.constant 0 : index
      %get3A_892 = vector.load %arg4[%get3A_889, %get3A_890, %get3A_891] : memref<8x96x96xf32, #tpu.memory_space<vmem>>, vector<1x96x96xf32>
      %get3A_893 = vector.shape_cast %get3A_892 : vector<1x96x96xf32> to vector<96x96xf32>
      %dot_general3A_894 = arith.constant dense<0.000000e+00> : vector<1024x96xf32>
      %dot_general3A_895 = tpu.matmul %get3A_888, %get3A_893, %dot_general3A_894 {dimension_numbers = #tpu.dot_dimension_numbers<[1], [0], [0], [1], [0, 0, 1, 1], [], []>, transpose_lhs_hint = false} : vector<1024x96xf32>, vector<96x96xf32>, vector<1024x96xf32> -> vector<1024x96xf32>
      %swap3A_896 = arith.constant 3 : index
      %swap3A_897 = arith.constant 0 : index
      %swap3A_898 = arith.constant 0 : index
      %swap3A_899 = vector.load %arg7[%swap3A_896, %swap3A_897, %swap3A_898] : memref<8x1024x96xf32, #tpu.memory_space<vmem>>, vector<1x1024x96xf32>
      %swap3A_900 = vector.shape_cast %swap3A_899 : vector<1x1024x96xf32> to vector<1024x96xf32>
      %swap3A_901 = vector.shape_cast %dot_general3A_895 : vector<1024x96xf32> to vector<1x1024x96xf32>
      tpu.vector_store %arg7[%swap3A_896, %swap3A_897, %swap3A_898], %swap3A_901 {strides = array<i32>} : memref<8x1024x96xf32, #tpu.memory_space<vmem>>, vector<1x1024x96xf32>,
      %get3A_902 = arith.constant 4 : index
      %get3A_903 = arith.constant 0 : index
      %get3A_904 = arith.constant 0 : index
      %get3A_905 = vector.load %arg2[%get3A_902, %get3A_903, %get3A_904] : memref<8x1024x96xf32, #tpu.memory_space<vmem>>, vector<1x1024x96xf32>
      %get3A_906 = vector.shape_cast %get3A_905 : vector<1x1024x96xf32> to vector<1024x96xf32>
      %get3A_907 = arith.constant 4 : index
      %get3A_908 = arith.constant 0 : index
      %get3A_909 = arith.constant 0 : index
      %get3A_910 = vector.load %arg3[%get3A_907, %get3A_908, %get3A_909] : memref<8x96x96xf32, #tpu.memory_space<vmem>>, vector<1x96x96xf32>
      %get3A_911 = vector.shape_cast %get3A_910 : vector<1x96x96xf32> to vector<96x96xf32>
      %dot_general3A_912 = arith.constant dense<0.000000e+00> : vector<1024x96xf32>
      %dot_general3A_913 = tpu.matmul %get3A_906, %get3A_911, %dot_general3A_912 {dimension_numbers = #tpu.dot_dimension_numbers<[1], [0], [0], [1], [0, 0, 1, 1], [], []>, transpose_lhs_hint = false} : vector<1024x96xf32>, vector<96x96xf32>, vector<1024x96xf32> -> vector<1024x96xf32>
      %swap3A_914 = arith.constant 4 : index
      %swap3A_915 = arith.constant 0 : index
      %swap3A_916 = arith.constant 0 : index
      %swap3A_917 = vector.load %arg6[%swap3A_914, %swap3A_915, %swap3A_916] : memref<8x1024x96xf32, #tpu.memory_space<vmem>>, vector<1x1024x96xf32>
      %swap3A_918 = vector.shape_cast %swap3A_917 : vector<1x1024x96xf32> to vector<1024x96xf32>
      %swap3A_919 = vector.shape_cast %dot_general3A_913 : vector<1024x96xf32> to vector<1x1024x96xf32>
      tpu.vector_store %arg6[%swap3A_914, %swap3A_915, %swap3A_916], %swap3A_919 {strides = array<i32>} : memref<8x1024x96xf32, #tpu.memory_space<vmem>>, vector<1x1024x96xf32>,
      %get3A_920 = arith.constant 4 : index
      %get3A_921 = arith.constant 0 : index
      %get3A_922 = arith.constant 0 : index
      %get3A_923 = vector.load %arg2[%get3A_920, %get3A_921, %get3A_922] : memref<8x1024x96xf32, #tpu.memory_space<vmem>>, vector<1x1024x96xf32>
      %get3A_924 = vector.shape_cast %get3A_923 : vector<1x1024x96xf32> to vector<1024x96xf32>
      %get3A_925 = arith.constant 4 : index
      %get3A_926 = arith.constant 0 : index
      %get3A_927 = arith.constant 0 : index
      %get3A_928 = vector.load %arg4[%get3A_925, %get3A_926, %get3A_927] : memref<8x96x96xf32, #tpu.memory_space<vmem>>, vector<1x96x96xf32>
      %get3A_929 = vector.shape_cast %get3A_928 : vector<1x96x96xf32> to vector<96x96xf32>
      %dot_general3A_930 = arith.constant dense<0.000000e+00> : vector<1024x96xf32>
      %dot_general3A_931 = tpu.matmul %get3A_924, %get3A_929, %dot_general3A_930 {dimension_numbers = #tpu.dot_dimension_numbers<[1], [0], [0], [1], [0, 0, 1, 1], [], []>, transpose_lhs_hint = false} : vector<1024x96xf32>, vector<96x96xf32>, vector<1024x96xf32> -> vector<1024x96xf32>
      %swap3A_932 = arith.constant 4 : index
      %swap3A_933 = arith.constant 0 : index
      %swap3A_934 = arith.constant 0 : index
      %swap3A_935 = vector.load %arg7[%swap3A_932, %swap3A_933, %swap3A_934] : memref<8x1024x96xf32, #tpu.memory_space<vmem>>, vector<1x1024x96xf32>
      %swap3A_936 = vector.shape_cast %swap3A_935 : vector<1x1024x96xf32> to vector<1024x96xf32>
      %swap3A_937 = vector.shape_cast %dot_general3A_931 : vector<1024x96xf32> to vector<1x1024x96xf32>
      tpu.vector_store %arg7[%swap3A_932, %swap3A_933, %swap3A_934], %swap3A_937 {strides = array<i32>} : memref<8x1024x96xf32, #tpu.memory_space<vmem>>, vector<1x1024x96xf32>,
      %get3A_938 = arith.constant 5 : index
      %get3A_939 = arith.constant 0 : index
      %get3A_940 = arith.constant 0 : index
      %get3A_941 = vector.load %arg2[%get3A_938, %get3A_939, %get3A_940] : memref<8x1024x96xf32, #tpu.memory_space<vmem>>, vector<1x1024x96xf32>
      %get3A_942 = vector.shape_cast %get3A_941 : vector<1x1024x96xf32> to vector<1024x96xf32>
      %get3A_943 = arith.constant 5 : index
      %get3A_944 = arith.constant 0 : index
      %get3A_945 = arith.constant 0 : index
      %get3A_946 = vector.load %arg3[%get3A_943, %get3A_944, %get3A_945] : memref<8x96x96xf32, #tpu.memory_space<vmem>>, vector<1x96x96xf32>
      %get3A_947 = vector.shape_cast %get3A_946 : vector<1x96x96xf32> to vector<96x96xf32>
      %dot_general3A_948 = arith.constant dense<0.000000e+00> : vector<1024x96xf32>
      %dot_general3A_949 = tpu.matmul %get3A_942, %get3A_947, %dot_general3A_948 {dimension_numbers = #tpu.dot_dimension_numbers<[1], [0], [0], [1], [0, 0, 1, 1], [], []>, transpose_lhs_hint = false} : vector<1024x96xf32>, vector<96x96xf32>, vector<1024x96xf32> -> vector<1024x96xf32>
      %swap3A_950 = arith.constant 5 : index
      %swap3A_951 = arith.constant 0 : index
      %swap3A_952 = arith.constant 0 : index
      %swap3A_953 = vector.load %arg6[%swap3A_950, %swap3A_951, %swap3A_952] : memref<8x1024x96xf32, #tpu.memory_space<vmem>>, vector<1x1024x96xf32>
      %swap3A_954 = vector.shape_cast %swap3A_953 : vector<1x1024x96xf32> to vector<1024x96xf32>
      %swap3A_955 = vector.shape_cast %dot_general3A_949 : vector<1024x96xf32> to vector<1x1024x96xf32>
      tpu.vector_store %arg6[%swap3A_950, %swap3A_951, %swap3A_952], %swap3A_955 {strides = array<i32>} : memref<8x1024x96xf32, #tpu.memory_space<vmem>>, vector<1x1024x96xf32>,
      %get3A_956 = arith.constant 5 : index
      %get3A_957 = arith.constant 0 : index
      %get3A_958 = arith.constant 0 : index
      %get3A_959 = vector.load %arg2[%get3A_956, %get3A_957, %get3A_958] : memref<8x1024x96xf32, #tpu.memory_space<vmem>>, vector<1x1024x96xf32>
      %get3A_960 = vector.shape_cast %get3A_959 : vector<1x1024x96xf32> to vector<1024x96xf32>
      %get3A_961 = arith.constant 5 : index
      %get3A_962 = arith.constant 0 : index
      %get3A_963 = arith.constant 0 : index
      %get3A_964 = vector.load %arg4[%get3A_961, %get3A_962, %get3A_963] : memref<8x96x96xf32, #tpu.memory_space<vmem>>, vector<1x96x96xf32>
      %get3A_965 = vector.shape_cast %get3A_964 : vector<1x96x96xf32> to vector<96x96xf32>
      %dot_general3A_966 = arith.constant dense<0.000000e+00> : vector<1024x96xf32>
      %dot_general3A_967 = tpu.matmul %get3A_960, %get3A_965, %dot_general3A_966 {dimension_numbers = #tpu.dot_dimension_numbers<[1], [0], [0], [1], [0, 0, 1, 1], [], []>, transpose_lhs_hint = false} : vector<1024x96xf32>, vector<96x96xf32>, vector<1024x96xf32> -> vector<1024x96xf32>
      %swap3A_968 = arith.constant 5 : index
      %swap3A_969 = arith.constant 0 : index
      %swap3A_970 = arith.constant 0 : index
      %swap3A_971 = vector.load %arg7[%swap3A_968, %swap3A_969, %swap3A_970] : memref<8x1024x96xf32, #tpu.memory_space<vmem>>, vector<1x1024x96xf32>
      %swap3A_972 = vector.shape_cast %swap3A_971 : vector<1x1024x96xf32> to vector<1024x96xf32>
      %swap3A_973 = vector.shape_cast %dot_general3A_967 : vector<1024x96xf32> to vector<1x1024x96xf32>
      tpu.vector_store %arg7[%swap3A_968, %swap3A_969, %swap3A_970], %swap3A_973 {strides = array<i32>} : memref<8x1024x96xf32, #tpu.memory_space<vmem>>, vector<1x1024x96xf32>,
      %get3A_974 = arith.constant 6 : index
      %get3A_975 = arith.constant 0 : index
      %get3A_976 = arith.constant 0 : index
      %get3A_977 = vector.load %arg2[%get3A_974, %get3A_975, %get3A_976] : memref<8x1024x96xf32, #tpu.memory_space<vmem>>, vector<1x1024x96xf32>
      %get3A_978 = vector.shape_cast %get3A_977 : vector<1x1024x96xf32> to vector<1024x96xf32>
      %get3A_979 = arith.constant 6 : index
      %get3A_980 = arith.constant 0 : index
      %get3A_981 = arith.constant 0 : index
      %get3A_982 = vector.load %arg3[%get3A_979, %get3A_980, %get3A_981] : memref<8x96x96xf32, #tpu.memory_space<vmem>>, vector<1x96x96xf32>
      %get3A_983 = vector.shape_cast %get3A_982 : vector<1x96x96xf32> to vector<96x96xf32>
      %dot_general3A_984 = arith.constant dense<0.000000e+00> : vector<1024x96xf32>
      %dot_general3A_985 = tpu.matmul %get3A_978, %get3A_983, %dot_general3A_984 {dimension_numbers = #tpu.dot_dimension_numbers<[1], [0], [0], [1], [0, 0, 1, 1], [], []>, transpose_lhs_hint = false} : vector<1024x96xf32>, vector<96x96xf32>, vector<1024x96xf32> -> vector<1024x96xf32>
      %swap3A_986 = arith.constant 6 : index
      %swap3A_987 = arith.constant 0 : index
      %swap3A_988 = arith.constant 0 : index
      %swap3A_989 = vector.load %arg6[%swap3A_986, %swap3A_987, %swap3A_988] : memref<8x1024x96xf32, #tpu.memory_space<vmem>>, vector<1x1024x96xf32>
      %swap3A_990 = vector.shape_cast %swap3A_989 : vector<1x1024x96xf32> to vector<1024x96xf32>
      %swap3A_991 = vector.shape_cast %dot_general3A_985 : vector<1024x96xf32> to vector<1x1024x96xf32>
      tpu.vector_store %arg6[%swap3A_986, %swap3A_987, %swap3A_988], %swap3A_991 {strides = array<i32>} : memref<8x1024x96xf32, #tpu.memory_space<vmem>>, vector<1x1024x96xf32>,
      %get3A_992 = arith.constant 6 : index
      %get3A_993 = arith.constant 0 : index
      %get3A_994 = arith.constant 0 : index
      %get3A_995 = vector.load %arg2[%get3A_992, %get3A_993, %get3A_994] : memref<8x1024x96xf32, #tpu.memory_space<vmem>>, vector<1x1024x96xf32>
      %get3A_996 = vector.shape_cast %get3A_995 : vector<1x1024x96xf32> to vector<1024x96xf32>
      %get3A_997 = arith.constant 6 : index
      %get3A_998 = arith.constant 0 : index
      %get3A_999 = arith.constant 0 : index
      %get3A_1000 = vector.load %arg4[%get3A_997, %get3A_998, %get3A_999] : memref<8x96x96xf32, #tpu.memory_space<vmem>>, vector<1x96x96xf32>
      %get3A_1001 = vector.shape_cast %get3A_1000 : vector<1x96x96xf32> to vector<96x96xf32>
      %dot_general3A_1002 = arith.constant dense<0.000000e+00> : vector<1024x96xf32>
      %dot_general3A_1003 = tpu.matmul %get3A_996, %get3A_1001, %dot_general3A_1002 {dimension_numbers = #tpu.dot_dimension_numbers<[1], [0], [0], [1], [0, 0, 1, 1], [], []>, transpose_lhs_hint = false} : vector<1024x96xf32>, vector<96x96xf32>, vector<1024x96xf32> -> vector<1024x96xf32>
      %swap3A_1004 = arith.constant 6 : index
      %swap3A_1005 = arith.constant 0 : index
      %swap3A_1006 = arith.constant 0 : index
      %swap3A_1007 = vector.load %arg7[%swap3A_1004, %swap3A_1005, %swap3A_1006] : memref<8x1024x96xf32, #tpu.memory_space<vmem>>, vector<1x1024x96xf32>
      %swap3A_1008 = vector.shape_cast %swap3A_1007 : vector<1x1024x96xf32> to vector<1024x96xf32>
      %swap3A_1009 = vector.shape_cast %dot_general3A_1003 : vector<1024x96xf32> to vector<1x1024x96xf32>
      tpu.vector_store %arg7[%swap3A_1004, %swap3A_1005, %swap3A_1006], %swap3A_1009 {strides = array<i32>} : memref<8x1024x96xf32, #tpu.memory_space<vmem>>, vector<1x1024x96xf32>,
      %get3A_1010 = arith.constant 7 : index
      %get3A_1011 = arith.constant 0 : index
      %get3A_1012 = arith.constant 0 : index
      %get3A_1013 = vector.load %arg2[%get3A_1010, %get3A_1011, %get3A_1012] : memref<8x1024x96xf32, #tpu.memory_space<vmem>>, vector<1x1024x96xf32>
      %get3A_1014 = vector.shape_cast %get3A_1013 : vector<1x1024x96xf32> to vector<1024x96xf32>
      %get3A_1015 = arith.constant 7 : index
      %get3A_1016 = arith.constant 0 : index
      %get3A_1017 = arith.constant 0 : index
      %get3A_1018 = vector.load %arg3[%get3A_1015, %get3A_1016, %get3A_1017] : memref<8x96x96xf32, #tpu.memory_space<vmem>>, vector<1x96x96xf32>
      %get3A_1019 = vector.shape_cast %get3A_1018 : vector<1x96x96xf32> to vector<96x96xf32>
      %dot_general3A_1020 = arith.constant dense<0.000000e+00> : vector<1024x96xf32>
      %dot_general3A_1021 = tpu.matmul %get3A_1014, %get3A_1019, %dot_general3A_1020 {dimension_numbers = #tpu.dot_dimension_numbers<[1], [0], [0], [1], [0, 0, 1, 1], [], []>, transpose_lhs_hint = false} : vector<1024x96xf32>, vector<96x96xf32>, vector<1024x96xf32> -> vector<1024x96xf32>
      %swap3A_1022 = arith.constant 7 : index
      %swap3A_1023 = arith.constant 0 : index
      %swap3A_1024 = arith.constant 0 : index
      %swap3A_1025 = vector.load %arg6[%swap3A_1022, %swap3A_1023, %swap3A_1024] : memref<8x1024x96xf32, #tpu.memory_space<vmem>>, vector<1x1024x96xf32>
      %swap3A_1026 = vector.shape_cast %swap3A_1025 : vector<1x1024x96xf32> to vector<1024x96xf32>
      %swap3A_1027 = vector.shape_cast %dot_general3A_1021 : vector<1024x96xf32> to vector<1x1024x96xf32>
      tpu.vector_store %arg6[%swap3A_1022, %swap3A_1023, %swap3A_1024], %swap3A_1027 {strides = array<i32>} : memref<8x1024x96xf32, #tpu.memory_space<vmem>>, vector<1x1024x96xf32>,
      %get3A_1028 = arith.constant 7 : index
      %get3A_1029 = arith.constant 0 : index
      %get3A_1030 = arith.constant 0 : index
      %get3A_1031 = vector.load %arg2[%get3A_1028, %get3A_1029, %get3A_1030] : memref<8x1024x96xf32, #tpu.memory_space<vmem>>, vector<1x1024x96xf32>
      %get3A_1032 = vector.shape_cast %get3A_1031 : vector<1x1024x96xf32> to vector<1024x96xf32>
      %get3A_1033 = arith.constant 7 : index
      %get3A_1034 = arith.constant 0 : index
      %get3A_1035 = arith.constant 0 : index
      %get3A_1036 = vector.load %arg4[%get3A_1033, %get3A_1034, %get3A_1035] : memref<8x96x96xf32, #tpu.memory_space<vmem>>, vector<1x96x96xf32>
      %get3A_1037 = vector.shape_cast %get3A_1036 : vector<1x96x96xf32> to vector<96x96xf32>
      %dot_general3A_1038 = arith.constant dense<0.000000e+00> : vector<1024x96xf32>
      %dot_general3A_1039 = tpu.matmul %get3A_1032, %get3A_1037, %dot_general3A_1038 {dimension_numbers = #tpu.dot_dimension_numbers<[1], [0], [0], [1], [0, 0, 1, 1], [], []>, transpose_lhs_hint = false} : vector<1024x96xf32>, vector<96x96xf32>, vector<1024x96xf32> -> vector<1024x96xf32>
      %swap3A_1040 = arith.constant 7 : index
      %swap3A_1041 = arith.constant 0 : index
      %swap3A_1042 = arith.constant 0 : index
      %swap3A_1043 = vector.load %arg7[%swap3A_1040, %swap3A_1041, %swap3A_1042] : memref<8x1024x96xf32, #tpu.memory_space<vmem>>, vector<1x1024x96xf32>
      %swap3A_1044 = vector.shape_cast %swap3A_1043 : vector<1x1024x96xf32> to vector<1024x96xf32>
      %swap3A_1045 = vector.shape_cast %dot_general3A_1039 : vector<1024x96xf32> to vector<1x1024x96xf32>
      tpu.vector_store %arg7[%swap3A_1040, %swap3A_1041, %swap3A_1042], %swap3A_1045 {strides = array<i32>} : memref<8x1024x96xf32, #tpu.memory_space<vmem>>, vector<1x1024x96xf32>,
    } else {
    }
    %get3A = arith.constant 0 : index
    %get3A_3 = arith.constant 0 : index
    %get3A_4 = arith.constant 0 : index
    %get3A_5 = vector.load %arg1[%get3A, %get3A_3, %get3A_4] : memref<1x1024x768xf32, #tpu.memory_space<vmem>>, vector<1x1024x768xf32>
    %get3A_6 = vector.shape_cast %get3A_5 : vector<1x1024x768xf32> to vector<1024x768xf32>
    %slice3A = vector.extract_strided_slice %get3A_6 {offsets = [0, 0], sizes = [1024, 96], strides = [1, 1]} : vector<1024x768xf32> to vector<1024x96xf32>
    %mul3A = arith.constant 0.102062076 : f32
    %mul3A_7 = vector.broadcast %mul3A : f32 to vector<1024x96xf32>
    %mul3A_8 = arith.mulf %slice3A, %mul3A_7 : vector<1024x96xf32>
    %get3A_9 = arith.constant 0 : index
    %get3A_10 = arith.constant 0 : index
    %get3A_11 = arith.constant 0 : index
    %get3A_12 = vector.load %arg6[%get3A_9, %get3A_10, %get3A_11] : memref<8x1024x96xf32, #tpu.memory_space<vmem>>, vector<1x1024x96xf32>
    %get3A_13 = vector.shape_cast %get3A_12 : vector<1x1024x96xf32> to vector<1024x96xf32>
    %slice3A_14 = vector.extract_strided_slice %get3A_13 {offsets = [0, 0], sizes = [128, 96], strides = [1, 1]} : vector<1024x96xf32> to vector<128x96xf32>
    %dot_general3A = arith.constant dense<0.000000e+00> : vector<128x1024xf32>
    %dot_general3A_15 = tpu.matmul %slice3A_14, %mul3A_8, %dot_general3A {dimension_numbers = #tpu.dot_dimension_numbers<[1], [1], [0], [0], [0, 0, 1, 0], [], []>, transpose_lhs_hint = false} : vector<128x96xf32>, vector<1024x96xf32>, vector<128x1024xf32> -> vector<128x1024xf32>
    %broadcast_in_dim3A = arith.constant 0.000000e+00 : f32
    %broadcast_in_dim3A_16 = vector.broadcast %broadcast_in_dim3A : f32 to vector<128x1024xf32>
    %slice3A_17 = vector.extract_strided_slice %get3A_13 {offsets = [128, 0], sizes = [128, 96], strides = [1, 1]} : vector<1024x96xf32> to vector<128x96xf32>
    %dot_general3A_18 = arith.constant dense<0.000000e+00> : vector<128x1024xf32>
    %dot_general3A_19 = tpu.matmul %slice3A_17, %mul3A_8, %dot_general3A_18 {dimension_numbers = #tpu.dot_dimension_numbers<[1], [1], [0], [0], [0, 0, 1, 0], [], []>, transpose_lhs_hint = false} : vector<128x96xf32>, vector<1024x96xf32>, vector<128x1024xf32> -> vector<128x1024xf32>
    %gt3A = arith.cmpf ogt, %dot_general3A_19, %dot_general3A_15 : vector<128x1024xf32>
    %max3A = arith.maximumf %dot_general3A_15, %dot_general3A_19 : vector<128x1024xf32>
    %jit3A = arith.constant 1.000000e+00 : f32
    %broadcast_in_dim3A_20 = vector.broadcast %jit3A : f32 to vector<128x1024xf32>
    %select_n3A = arith.select %gt3A, %broadcast_in_dim3A_20, %broadcast_in_dim3A_16 : vector<128x1024xi1>, vector<128x1024xf32>
    %slice3A_21 = vector.extract_strided_slice %get3A_13 {offsets = [256, 0], sizes = [128, 96], strides = [1, 1]} : vector<1024x96xf32> to vector<128x96xf32>
    %dot_general3A_22 = arith.constant dense<0.000000e+00> : vector<128x1024xf32>
    %dot_general3A_23 = tpu.matmul %slice3A_21, %mul3A_8, %dot_general3A_22 {dimension_numbers = #tpu.dot_dimension_numbers<[1], [1], [0], [0], [0, 0, 1, 0], [], []>, transpose_lhs_hint = false} : vector<128x96xf32>, vector<1024x96xf32>, vector<128x1024xf32> -> vector<128x1024xf32>
    %gt3A_24 = arith.cmpf ogt, %dot_general3A_23, %max3A : vector<128x1024xf32>
    %max3A_25 = arith.maximumf %max3A, %dot_general3A_23 : vector<128x1024xf32>
    %jit3A_26 = arith.constant 2.000000e+00 : f32
    %broadcast_in_dim3A_27 = vector.broadcast %jit3A_26 : f32 to vector<128x1024xf32>
    %select_n3A_28 = arith.select %gt3A_24, %broadcast_in_dim3A_27, %select_n3A : vector<128x1024xi1>, vector<128x1024xf32>
    %slice3A_29 = vector.extract_strided_slice %get3A_13 {offsets = [384, 0], sizes = [128, 96], strides = [1, 1]} : vector<1024x96xf32> to vector<128x96xf32>
    %dot_general3A_30 = arith.constant dense<0.000000e+00> : vector<128x1024xf32>
    %dot_general3A_31 = tpu.matmul %slice3A_29, %mul3A_8, %dot_general3A_30 {dimension_numbers = #tpu.dot_dimension_numbers<[1], [1], [0], [0], [0, 0, 1, 0], [], []>, transpose_lhs_hint = false} : vector<128x96xf32>, vector<1024x96xf32>, vector<128x1024xf32> -> vector<128x1024xf32>
    %gt3A_32 = arith.cmpf ogt, %dot_general3A_31, %max3A_25 : vector<128x1024xf32>
    %max3A_33 = arith.maximumf %max3A_25, %dot_general3A_31 : vector<128x1024xf32>
    %jit3A_34 = arith.constant 3.000000e+00 : f32
    %broadcast_in_dim3A_35 = vector.broadcast %jit3A_34 : f32 to vector<128x1024xf32>
    %select_n3A_36 = arith.select %gt3A_32, %broadcast_in_dim3A_35, %select_n3A_28 : vector<128x1024xi1>, vector<128x1024xf32>
    %slice3A_37 = vector.extract_strided_slice %get3A_13 {offsets = [512, 0], sizes = [128, 96], strides = [1, 1]} : vector<1024x96xf32> to vector<128x96xf32>
    %dot_general3A_38 = arith.constant dense<0.000000e+00> : vector<128x1024xf32>
    %dot_general3A_39 = tpu.matmul %slice3A_37, %mul3A_8, %dot_general3A_38 {dimension_numbers = #tpu.dot_dimension_numbers<[1], [1], [0], [0], [0, 0, 1, 0], [], []>, transpose_lhs_hint = false} : vector<128x96xf32>, vector<1024x96xf32>, vector<128x1024xf32> -> vector<128x1024xf32>
    %gt3A_40 = arith.cmpf ogt, %dot_general3A_39, %max3A_33 : vector<128x1024xf32>
    %max3A_41 = arith.maximumf %max3A_33, %dot_general3A_39 : vector<128x1024xf32>
    %jit3A_42 = arith.constant 4.000000e+00 : f32
    %broadcast_in_dim3A_43 = vector.broadcast %jit3A_42 : f32 to vector<128x1024xf32>
    %select_n3A_44 = arith.select %gt3A_40, %broadcast_in_dim3A_43, %select_n3A_36 : vector<128x1024xi1>, vector<128x1024xf32>
    %slice3A_45 = vector.extract_strided_slice %get3A_13 {offsets = [640, 0], sizes = [128, 96], strides = [1, 1]} : vector<1024x96xf32> to vector<128x96xf32>
    %dot_general3A_46 = arith.constant dense<0.000000e+00> : vector<128x1024xf32>
    %dot_general3A_47 = tpu.matmul %slice3A_45, %mul3A_8, %dot_general3A_46 {dimension_numbers = #tpu.dot_dimension_numbers<[1], [1], [0], [0], [0, 0, 1, 0], [], []>, transpose_lhs_hint = false} : vector<128x96xf32>, vector<1024x96xf32>, vector<128x1024xf32> -> vector<128x1024xf32>
    %gt3A_48 = arith.cmpf ogt, %dot_general3A_47, %max3A_41 : vector<128x1024xf32>
    %max3A_49 = arith.maximumf %max3A_41, %dot_general3A_47 : vector<128x1024xf32>
    %jit3A_50 = arith.constant 5.000000e+00 : f32
    %broadcast_in_dim3A_51 = vector.broadcast %jit3A_50 : f32 to vector<128x1024xf32>
    %select_n3A_52 = arith.select %gt3A_48, %broadcast_in_dim3A_51, %select_n3A_44 : vector<128x1024xi1>, vector<128x1024xf32>
    %slice3A_53 = vector.extract_strided_slice %get3A_13 {offsets = [768, 0], sizes = [128, 96], strides = [1, 1]} : vector<1024x96xf32> to vector<128x96xf32>
    %dot_general3A_54 = arith.constant dense<0.000000e+00> : vector<128x1024xf32>
    %dot_general3A_55 = tpu.matmul %slice3A_53, %mul3A_8, %dot_general3A_54 {dimension_numbers = #tpu.dot_dimension_numbers<[1], [1], [0], [0], [0, 0, 1, 0], [], []>, transpose_lhs_hint = false} : vector<128x96xf32>, vector<1024x96xf32>, vector<128x1024xf32> -> vector<128x1024xf32>
    %gt3A_56 = arith.cmpf ogt, %dot_general3A_55, %max3A_49 : vector<128x1024xf32>
    %max3A_57 = arith.maximumf %max3A_49, %dot_general3A_55 : vector<128x1024xf32>
    %jit3A_58 = arith.constant 6.000000e+00 : f32
    %broadcast_in_dim3A_59 = vector.broadcast %jit3A_58 : f32 to vector<128x1024xf32>
    %select_n3A_60 = arith.select %gt3A_56, %broadcast_in_dim3A_59, %select_n3A_52 : vector<128x1024xi1>, vector<128x1024xf32>
    %slice3A_61 = vector.extract_strided_slice %get3A_13 {offsets = [896, 0], sizes = [128, 96], strides = [1, 1]} : vector<1024x96xf32> to vector<128x96xf32>
    %dot_general3A_62 = arith.constant dense<0.000000e+00> : vector<128x1024xf32>
    %dot_general3A_63 = tpu.matmul %slice3A_61, %mul3A_8, %dot_general3A_62 {dimension_numbers = #tpu.dot_dimension_numbers<[1], [1], [0], [0], [0, 0, 1, 0], [], []>, transpose_lhs_hint = false} : vector<128x96xf32>, vector<1024x96xf32>, vector<128x1024xf32> -> vector<128x1024xf32>
    %gt3A_64 = arith.cmpf ogt, %dot_general3A_63, %max3A_57 : vector<128x1024xf32>
    %max3A_65 = arith.maximumf %max3A_57, %dot_general3A_63 : vector<128x1024xf32>
    %jit3A_66 = arith.constant 7.000000e+00 : f32
    %broadcast_in_dim3A_67 = vector.broadcast %jit3A_66 : f32 to vector<128x1024xf32>
    %select_n3A_68 = arith.select %gt3A_64, %broadcast_in_dim3A_67, %select_n3A_60 : vector<128x1024xi1>, vector<128x1024xf32>
    %reduce_max3A = arith.constant dense<0xFF800000> : vector<1024xf32>
    %reduce_max3A_69 = vector.multi_reduction <maximumf>, %max3A_65, %reduce_max3A [0] : vector<128x1024xf32> to vector<1024xf32>
    %broadcast_in_dim3A_70 = vector.shape_cast %reduce_max3A_69 : vector<1024xf32> to vector<1x1024xf32>
    %mul3A_71 = arith.constant 1.280000e+02 : f32
    %mul3A_72 = vector.broadcast %mul3A_71 : f32 to vector<128x1024xf32>
    %mul3A_73 = arith.mulf %select_n3A_68, %mul3A_72 : vector<128x1024xf32>
    %add3A = arith.addf %mul3A_73, %convert_element_type3A : vector<128x1024xf32>
    %eq3A_74 = vector.broadcast %broadcast_in_dim3A_70 : vector<1x1024xf32> to vector<128x1024xf32>
    %eq3A_75 = arith.cmpf oeq, %max3A_65, %eq3A_74 : vector<128x1024xf32>
    %jit3A_76 = arith.constant 1.024000e+03 : f32
    %broadcast_in_dim3A_77 = vector.broadcast %jit3A_76 : f32 to vector<128x1024xf32>
    %select_n3A_78 = arith.select %eq3A_75, %add3A, %broadcast_in_dim3A_77 : vector<128x1024xi1>, vector<128x1024xf32>
    %reduce_min3A = arith.constant dense<0x7F800000> : vector<1024xf32>
    %reduce_min3A_79 = vector.multi_reduction <minimumf>, %select_n3A_78, %reduce_min3A [0] : vector<128x1024xf32> to vector<1024xf32>
    %convert_element_type3A_80 = arith.fptosi %reduce_min3A_79 : vector<1024xf32> to vector<1024xi32>
    %swap3A = arith.constant 0 : index
    %swap3A_81 = arith.constant 0 : index
    %swap3A_82 = arith.constant 0 : index
    %swap3A_83 = vector.load %arg5[%swap3A, %swap3A_81, %swap3A_82] : memref<1x8x1024xi32, #tpu.memory_space<vmem>>, vector<1x1x1024xi32>
    %swap3A_84 = vector.shape_cast %swap3A_83 : vector<1x1x1024xi32> to vector<1024xi32>
    %swap3A_85 = vector.shape_cast %convert_element_type3A_80 : vector<1024xi32> to vector<1x1x1024xi32>
    tpu.vector_store %arg5[%swap3A, %swap3A_81, %swap3A_82], %swap3A_85 {strides = array<i32>} : memref<1x8x1024xi32, #tpu.memory_space<vmem>>, vector<1x1x1024xi32>,
    %get3A_86 = arith.constant 0 : index
    %get3A_87 = arith.constant 0 : index
    %get3A_88 = arith.constant 0 : index
    %get3A_89 = vector.load %arg1[%get3A_86, %get3A_87, %get3A_88] : memref<1x1024x768xf32, #tpu.memory_space<vmem>>, vector<1x1024x768xf32>
    %get3A_90 = vector.shape_cast %get3A_89 : vector<1x1024x768xf32> to vector<1024x768xf32>
    %slice3A_91 = vector.extract_strided_slice %get3A_90 {offsets = [0, 96], sizes = [1024, 96], strides = [1, 1]} : vector<1024x768xf32> to vector<1024x96xf32>
    %mul3A_92 = arith.constant 0.102062076 : f32
    %mul3A_93 = vector.broadcast %mul3A_92 : f32 to vector<1024x96xf32>
    %mul3A_94 = arith.mulf %slice3A_91, %mul3A_93 : vector<1024x96xf32>
    %get3A_95 = arith.constant 1 : index
    %get3A_96 = arith.constant 0 : index
    %get3A_97 = arith.constant 0 : index
    %get3A_98 = vector.load %arg6[%get3A_95, %get3A_96, %get3A_97] : memref<8x1024x96xf32, #tpu.memory_space<vmem>>, vector<1x1024x96xf32>
    %get3A_99 = vector.shape_cast %get3A_98 : vector<1x1024x96xf32> to vector<1024x96xf32>
    %slice3A_100 = vector.extract_strided_slice %get3A_99 {offsets = [0, 0], sizes = [128, 96], strides = [1, 1]} : vector<1024x96xf32> to vector<128x96xf32>
    %dot_general3A_101 = arith.constant dense<0.000000e+00> : vector<128x1024xf32>
    %dot_general3A_102 = tpu.matmul %slice3A_100, %mul3A_94, %dot_general3A_101 {dimension_numbers = #tpu.dot_dimension_numbers<[1], [1], [0], [0], [0, 0, 1, 0], [], []>, transpose_lhs_hint = false} : vector<128x96xf32>, vector<1024x96xf32>, vector<128x1024xf32> -> vector<128x1024xf32>
    %broadcast_in_dim3A_103 = arith.constant 0.000000e+00 : f32
    %broadcast_in_dim3A_104 = vector.broadcast %broadcast_in_dim3A_103 : f32 to vector<128x1024xf32>
    %slice3A_105 = vector.extract_strided_slice %get3A_99 {offsets = [128, 0], sizes = [128, 96], strides = [1, 1]} : vector<1024x96xf32> to vector<128x96xf32>
    %dot_general3A_106 = arith.constant dense<0.000000e+00> : vector<128x1024xf32>
    %dot_general3A_107 = tpu.matmul %slice3A_105, %mul3A_94, %dot_general3A_106 {dimension_numbers = #tpu.dot_dimension_numbers<[1], [1], [0], [0], [0, 0, 1, 0], [], []>, transpose_lhs_hint = false} : vector<128x96xf32>, vector<1024x96xf32>, vector<128x1024xf32> -> vector<128x1024xf32>
    %gt3A_108 = arith.cmpf ogt, %dot_general3A_107, %dot_general3A_102 : vector<128x1024xf32>
    %max3A_109 = arith.maximumf %dot_general3A_102, %dot_general3A_107 : vector<128x1024xf32>
    %jit3A_110 = arith.constant 1.000000e+00 : f32
    %broadcast_in_dim3A_111 = vector.broadcast %jit3A_110 : f32 to vector<128x1024xf32>
    %select_n3A_112 = arith.select %gt3A_108, %broadcast_in_dim3A_111, %broadcast_in_dim3A_104 : vector<128x1024xi1>, vector<128x1024xf32>
    %slice3A_113 = vector.extract_strided_slice %get3A_99 {offsets = [256, 0], sizes = [128, 96], strides = [1, 1]} : vector<1024x96xf32> to vector<128x96xf32>
    %dot_general3A_114 = arith.constant dense<0.000000e+00> : vector<128x1024xf32>
    %dot_general3A_115 = tpu.matmul %slice3A_113, %mul3A_94, %dot_general3A_114 {dimension_numbers = #tpu.dot_dimension_numbers<[1], [1], [0], [0], [0, 0, 1, 0], [], []>, transpose_lhs_hint = false} : vector<128x96xf32>, vector<1024x96xf32>, vector<128x1024xf32> -> vector<128x1024xf32>
    %gt3A_116 = arith.cmpf ogt, %dot_general3A_115, %max3A_109 : vector<128x1024xf32>
    %max3A_117 = arith.maximumf %max3A_109, %dot_general3A_115 : vector<128x1024xf32>
    %jit3A_118 = arith.constant 2.000000e+00 : f32
    %broadcast_in_dim3A_119 = vector.broadcast %jit3A_118 : f32 to vector<128x1024xf32>
    %select_n3A_120 = arith.select %gt3A_116, %broadcast_in_dim3A_119, %select_n3A_112 : vector<128x1024xi1>, vector<128x1024xf32>
    %slice3A_121 = vector.extract_strided_slice %get3A_99 {offsets = [384, 0], sizes = [128, 96], strides = [1, 1]} : vector<1024x96xf32> to vector<128x96xf32>
    %dot_general3A_122 = arith.constant dense<0.000000e+00> : vector<128x1024xf32>
    %dot_general3A_123 = tpu.matmul %slice3A_121, %mul3A_94, %dot_general3A_122 {dimension_numbers = #tpu.dot_dimension_numbers<[1], [1], [0], [0], [0, 0, 1, 0], [], []>, transpose_lhs_hint = false} : vector<128x96xf32>, vector<1024x96xf32>, vector<128x1024xf32> -> vector<128x1024xf32>
    %gt3A_124 = arith.cmpf ogt, %dot_general3A_123, %max3A_117 : vector<128x1024xf32>
    %max3A_125 = arith.maximumf %max3A_117, %dot_general3A_123 : vector<128x1024xf32>
    %jit3A_126 = arith.constant 3.000000e+00 : f32
    %broadcast_in_dim3A_127 = vector.broadcast %jit3A_126 : f32 to vector<128x1024xf32>
    %select_n3A_128 = arith.select %gt3A_124, %broadcast_in_dim3A_127, %select_n3A_120 : vector<128x1024xi1>, vector<128x1024xf32>
    %slice3A_129 = vector.extract_strided_slice %get3A_99 {offsets = [512, 0], sizes = [128, 96], strides = [1, 1]} : vector<1024x96xf32> to vector<128x96xf32>
    %dot_general3A_130 = arith.constant dense<0.000000e+00> : vector<128x1024xf32>
    %dot_general3A_131 = tpu.matmul %slice3A_129, %mul3A_94, %dot_general3A_130 {dimension_numbers = #tpu.dot_dimension_numbers<[1], [1], [0], [0], [0, 0, 1, 0], [], []>, transpose_lhs_hint = false} : vector<128x96xf32>, vector<1024x96xf32>, vector<128x1024xf32> -> vector<128x1024xf32>
    %gt3A_132 = arith.cmpf ogt, %dot_general3A_131, %max3A_125 : vector<128x1024xf32>
    %max3A_133 = arith.maximumf %max3A_125, %dot_general3A_131 : vector<128x1024xf32>
    %jit3A_134 = arith.constant 4.000000e+00 : f32
    %broadcast_in_dim3A_135 = vector.broadcast %jit3A_134 : f32 to vector<128x1024xf32>
    %select_n3A_136 = arith.select %gt3A_132, %broadcast_in_dim3A_135, %select_n3A_128 : vector<128x1024xi1>, vector<128x1024xf32>
    %slice3A_137 = vector.extract_strided_slice %get3A_99 {offsets = [640, 0], sizes = [128, 96], strides = [1, 1]} : vector<1024x96xf32> to vector<128x96xf32>
    %dot_general3A_138 = arith.constant dense<0.000000e+00> : vector<128x1024xf32>
    %dot_general3A_139 = tpu.matmul %slice3A_137, %mul3A_94, %dot_general3A_138 {dimension_numbers = #tpu.dot_dimension_numbers<[1], [1], [0], [0], [0, 0, 1, 0], [], []>, transpose_lhs_hint = false} : vector<128x96xf32>, vector<1024x96xf32>, vector<128x1024xf32> -> vector<128x1024xf32>
    %gt3A_140 = arith.cmpf ogt, %dot_general3A_139, %max3A_133 : vector<128x1024xf32>
    %max3A_141 = arith.maximumf %max3A_133, %dot_general3A_139 : vector<128x1024xf32>
    %jit3A_142 = arith.constant 5.000000e+00 : f32
    %broadcast_in_dim3A_143 = vector.broadcast %jit3A_142 : f32 to vector<128x1024xf32>
    %select_n3A_144 = arith.select %gt3A_140, %broadcast_in_dim3A_143, %select_n3A_136 : vector<128x1024xi1>, vector<128x1024xf32>
    %slice3A_145 = vector.extract_strided_slice %get3A_99 {offsets = [768, 0], sizes = [128, 96], strides = [1, 1]} : vector<1024x96xf32> to vector<128x96xf32>
    %dot_general3A_146 = arith.constant dense<0.000000e+00> : vector<128x1024xf32>
    %dot_general3A_147 = tpu.matmul %slice3A_145, %mul3A_94, %dot_general3A_146 {dimension_numbers = #tpu.dot_dimension_numbers<[1], [1], [0], [0], [0, 0, 1, 0], [], []>, transpose_lhs_hint = false} : vector<128x96xf32>, vector<1024x96xf32>, vector<128x1024xf32> -> vector<128x1024xf32>
    %gt3A_148 = arith.cmpf ogt, %dot_general3A_147, %max3A_141 : vector<128x1024xf32>
    %max3A_149 = arith.maximumf %max3A_141, %dot_general3A_147 : vector<128x1024xf32>
    %jit3A_150 = arith.constant 6.000000e+00 : f32
    %broadcast_in_dim3A_151 = vector.broadcast %jit3A_150 : f32 to vector<128x1024xf32>
    %select_n3A_152 = arith.select %gt3A_148, %broadcast_in_dim3A_151, %select_n3A_144 : vector<128x1024xi1>, vector<128x1024xf32>
    %slice3A_153 = vector.extract_strided_slice %get3A_99 {offsets = [896, 0], sizes = [128, 96], strides = [1, 1]} : vector<1024x96xf32> to vector<128x96xf32>
    %dot_general3A_154 = arith.constant dense<0.000000e+00> : vector<128x1024xf32>
    %dot_general3A_155 = tpu.matmul %slice3A_153, %mul3A_94, %dot_general3A_154 {dimension_numbers = #tpu.dot_dimension_numbers<[1], [1], [0], [0], [0, 0, 1, 0], [], []>, transpose_lhs_hint = false} : vector<128x96xf32>, vector<1024x96xf32>, vector<128x1024xf32> -> vector<128x1024xf32>
    %gt3A_156 = arith.cmpf ogt, %dot_general3A_155, %max3A_149 : vector<128x1024xf32>
    %max3A_157 = arith.maximumf %max3A_149, %dot_general3A_155 : vector<128x1024xf32>
    %jit3A_158 = arith.constant 7.000000e+00 : f32
    %broadcast_in_dim3A_159 = vector.broadcast %jit3A_158 : f32 to vector<128x1024xf32>
    %select_n3A_160 = arith.select %gt3A_156, %broadcast_in_dim3A_159, %select_n3A_152 : vector<128x1024xi1>, vector<128x1024xf32>
    %reduce_max3A_161 = arith.constant dense<0xFF800000> : vector<1024xf32>
    %reduce_max3A_162 = vector.multi_reduction <maximumf>, %max3A_157, %reduce_max3A_161 [0] : vector<128x1024xf32> to vector<1024xf32>
    %broadcast_in_dim3A_163 = vector.shape_cast %reduce_max3A_162 : vector<1024xf32> to vector<1x1024xf32>
    %mul3A_164 = arith.constant 1.280000e+02 : f32
    %mul3A_165 = vector.broadcast %mul3A_164 : f32 to vector<128x1024xf32>
    %mul3A_166 = arith.mulf %select_n3A_160, %mul3A_165 : vector<128x1024xf32>
    %add3A_167 = arith.addf %mul3A_166, %convert_element_type3A : vector<128x1024xf32>
    %eq3A_168 = vector.broadcast %broadcast_in_dim3A_163 : vector<1x1024xf32> to vector<128x1024xf32>
    %eq3A_169 = arith.cmpf oeq, %max3A_157, %eq3A_168 : vector<128x1024xf32>
    %jit3A_170 = arith.constant 1.024000e+03 : f32
    %broadcast_in_dim3A_171 = vector.broadcast %jit3A_170 : f32 to vector<128x1024xf32>
    %select_n3A_172 = arith.select %eq3A_169, %add3A_167, %broadcast_in_dim3A_171 : vector<128x1024xi1>, vector<128x1024xf32>
    %reduce_min3A_173 = arith.constant dense<0x7F800000> : vector<1024xf32>
    %reduce_min3A_174 = vector.multi_reduction <minimumf>, %select_n3A_172, %reduce_min3A_173 [0] : vector<128x1024xf32> to vector<1024xf32>
    %convert_element_type3A_175 = arith.fptosi %reduce_min3A_174 : vector<1024xf32> to vector<1024xi32>
    %swap3A_176 = arith.constant 0 : index
    %swap3A_177 = arith.constant 1 : index
    %swap3A_178 = arith.constant 0 : index
    %swap3A_179 = vector.load %arg5[%swap3A_176, %swap3A_177, %swap3A_178] : memref<1x8x1024xi32, #tpu.memory_space<vmem>>, vector<1x1x1024xi32>
    %swap3A_180 = vector.shape_cast %swap3A_179 : vector<1x1x1024xi32> to vector<1024xi32>
    %swap3A_181 = vector.shape_cast %convert_element_type3A_175 : vector<1024xi32> to vector<1x1x1024xi32>
    tpu.vector_store %arg5[%swap3A_176, %swap3A_177, %swap3A_178], %swap3A_181 {strides = array<i32>} : memref<1x8x1024xi32, #tpu.memory_space<vmem>>, vector<1x1x1024xi32>,
    %get3A_182 = arith.constant 0 : index
    %get3A_183 = arith.constant 0 : index
    %get3A_184 = arith.constant 0 : index
    %get3A_185 = vector.load %arg1[%get3A_182, %get3A_183, %get3A_184] : memref<1x1024x768xf32, #tpu.memory_space<vmem>>, vector<1x1024x768xf32>
    %get3A_186 = vector.shape_cast %get3A_185 : vector<1x1024x768xf32> to vector<1024x768xf32>
    %slice3A_187 = vector.extract_strided_slice %get3A_186 {offsets = [0, 192], sizes = [1024, 96], strides = [1, 1]} : vector<1024x768xf32> to vector<1024x96xf32>
    %mul3A_188 = arith.constant 0.102062076 : f32
    %mul3A_189 = vector.broadcast %mul3A_188 : f32 to vector<1024x96xf32>
    %mul3A_190 = arith.mulf %slice3A_187, %mul3A_189 : vector<1024x96xf32>
    %get3A_191 = arith.constant 2 : index
    %get3A_192 = arith.constant 0 : index
    %get3A_193 = arith.constant 0 : index
    %get3A_194 = vector.load %arg6[%get3A_191, %get3A_192, %get3A_193] : memref<8x1024x96xf32, #tpu.memory_space<vmem>>, vector<1x1024x96xf32>
    %get3A_195 = vector.shape_cast %get3A_194 : vector<1x1024x96xf32> to vector<1024x96xf32>
    %slice3A_196 = vector.extract_strided_slice %get3A_195 {offsets = [0, 0], sizes = [128, 96], strides = [1, 1]} : vector<1024x96xf32> to vector<128x96xf32>
    %dot_general3A_197 = arith.constant dense<0.000000e+00> : vector<128x1024xf32>
    %dot_general3A_198 = tpu.matmul %slice3A_196, %mul3A_190, %dot_general3A_197 {dimension_numbers = #tpu.dot_dimension_numbers<[1], [1], [0], [0], [0, 0, 1, 0], [], []>, transpose_lhs_hint = false} : vector<128x96xf32>, vector<1024x96xf32>, vector<128x1024xf32> -> vector<128x1024xf32>
    %broadcast_in_dim3A_199 = arith.constant 0.000000e+00 : f32
    %broadcast_in_dim3A_200 = vector.broadcast %broadcast_in_dim3A_199 : f32 to vector<128x1024xf32>
    %slice3A_201 = vector.extract_strided_slice %get3A_195 {offsets = [128, 0], sizes = [128, 96], strides = [1, 1]} : vector<1024x96xf32> to vector<128x96xf32>
    %dot_general3A_202 = arith.constant dense<0.000000e+00> : vector<128x1024xf32>
    %dot_general3A_203 = tpu.matmul %slice3A_201, %mul3A_190, %dot_general3A_202 {dimension_numbers = #tpu.dot_dimension_numbers<[1], [1], [0], [0], [0, 0, 1, 0], [], []>, transpose_lhs_hint = false} : vector<128x96xf32>, vector<1024x96xf32>, vector<128x1024xf32> -> vector<128x1024xf32>
    %gt3A_204 = arith.cmpf ogt, %dot_general3A_203, %dot_general3A_198 : vector<128x1024xf32>
    %max3A_205 = arith.maximumf %dot_general3A_198, %dot_general3A_203 : vector<128x1024xf32>
    %jit3A_206 = arith.constant 1.000000e+00 : f32
    %broadcast_in_dim3A_207 = vector.broadcast %jit3A_206 : f32 to vector<128x1024xf32>
    %select_n3A_208 = arith.select %gt3A_204, %broadcast_in_dim3A_207, %broadcast_in_dim3A_200 : vector<128x1024xi1>, vector<128x1024xf32>
    %slice3A_209 = vector.extract_strided_slice %get3A_195 {offsets = [256, 0], sizes = [128, 96], strides = [1, 1]} : vector<1024x96xf32> to vector<128x96xf32>
    %dot_general3A_210 = arith.constant dense<0.000000e+00> : vector<128x1024xf32>
    %dot_general3A_211 = tpu.matmul %slice3A_209, %mul3A_190, %dot_general3A_210 {dimension_numbers = #tpu.dot_dimension_numbers<[1], [1], [0], [0], [0, 0, 1, 0], [], []>, transpose_lhs_hint = false} : vector<128x96xf32>, vector<1024x96xf32>, vector<128x1024xf32> -> vector<128x1024xf32>
    %gt3A_212 = arith.cmpf ogt, %dot_general3A_211, %max3A_205 : vector<128x1024xf32>
    %max3A_213 = arith.maximumf %max3A_205, %dot_general3A_211 : vector<128x1024xf32>
    %jit3A_214 = arith.constant 2.000000e+00 : f32
    %broadcast_in_dim3A_215 = vector.broadcast %jit3A_214 : f32 to vector<128x1024xf32>
    %select_n3A_216 = arith.select %gt3A_212, %broadcast_in_dim3A_215, %select_n3A_208 : vector<128x1024xi1>, vector<128x1024xf32>
    %slice3A_217 = vector.extract_strided_slice %get3A_195 {offsets = [384, 0], sizes = [128, 96], strides = [1, 1]} : vector<1024x96xf32> to vector<128x96xf32>
    %dot_general3A_218 = arith.constant dense<0.000000e+00> : vector<128x1024xf32>
    %dot_general3A_219 = tpu.matmul %slice3A_217, %mul3A_190, %dot_general3A_218 {dimension_numbers = #tpu.dot_dimension_numbers<[1], [1], [0], [0], [0, 0, 1, 0], [], []>, transpose_lhs_hint = false} : vector<128x96xf32>, vector<1024x96xf32>, vector<128x1024xf32> -> vector<128x1024xf32>
    %gt3A_220 = arith.cmpf ogt, %dot_general3A_219, %max3A_213 : vector<128x1024xf32>
    %max3A_221 = arith.maximumf %max3A_213, %dot_general3A_219 : vector<128x1024xf32>
    %jit3A_222 = arith.constant 3.000000e+00 : f32
    %broadcast_in_dim3A_223 = vector.broadcast %jit3A_222 : f32 to vector<128x1024xf32>
    %select_n3A_224 = arith.select %gt3A_220, %broadcast_in_dim3A_223, %select_n3A_216 : vector<128x1024xi1>, vector<128x1024xf32>
    %slice3A_225 = vector.extract_strided_slice %get3A_195 {offsets = [512, 0], sizes = [128, 96], strides = [1, 1]} : vector<1024x96xf32> to vector<128x96xf32>
    %dot_general3A_226 = arith.constant dense<0.000000e+00> : vector<128x1024xf32>
    %dot_general3A_227 = tpu.matmul %slice3A_225, %mul3A_190, %dot_general3A_226 {dimension_numbers = #tpu.dot_dimension_numbers<[1], [1], [0], [0], [0, 0, 1, 0], [], []>, transpose_lhs_hint = false} : vector<128x96xf32>, vector<1024x96xf32>, vector<128x1024xf32> -> vector<128x1024xf32>
    %gt3A_228 = arith.cmpf ogt, %dot_general3A_227, %max3A_221 : vector<128x1024xf32>
    %max3A_229 = arith.maximumf %max3A_221, %dot_general3A_227 : vector<128x1024xf32>
    %jit3A_230 = arith.constant 4.000000e+00 : f32
    %broadcast_in_dim3A_231 = vector.broadcast %jit3A_230 : f32 to vector<128x1024xf32>
    %select_n3A_232 = arith.select %gt3A_228, %broadcast_in_dim3A_231, %select_n3A_224 : vector<128x1024xi1>, vector<128x1024xf32>
    %slice3A_233 = vector.extract_strided_slice %get3A_195 {offsets = [640, 0], sizes = [128, 96], strides = [1, 1]} : vector<1024x96xf32> to vector<128x96xf32>
    %dot_general3A_234 = arith.constant dense<0.000000e+00> : vector<128x1024xf32>
    %dot_general3A_235 = tpu.matmul %slice3A_233, %mul3A_190, %dot_general3A_234 {dimension_numbers = #tpu.dot_dimension_numbers<[1], [1], [0], [0], [0, 0, 1, 0], [], []>, transpose_lhs_hint = false} : vector<128x96xf32>, vector<1024x96xf32>, vector<128x1024xf32> -> vector<128x1024xf32>
    %gt3A_236 = arith.cmpf ogt, %dot_general3A_235, %max3A_229 : vector<128x1024xf32>
    %max3A_237 = arith.maximumf %max3A_229, %dot_general3A_235 : vector<128x1024xf32>
    %jit3A_238 = arith.constant 5.000000e+00 : f32
    %broadcast_in_dim3A_239 = vector.broadcast %jit3A_238 : f32 to vector<128x1024xf32>
    %select_n3A_240 = arith.select %gt3A_236, %broadcast_in_dim3A_239, %select_n3A_232 : vector<128x1024xi1>, vector<128x1024xf32>
    %slice3A_241 = vector.extract_strided_slice %get3A_195 {offsets = [768, 0], sizes = [128, 96], strides = [1, 1]} : vector<1024x96xf32> to vector<128x96xf32>
    %dot_general3A_242 = arith.constant dense<0.000000e+00> : vector<128x1024xf32>
    %dot_general3A_243 = tpu.matmul %slice3A_241, %mul3A_190, %dot_general3A_242 {dimension_numbers = #tpu.dot_dimension_numbers<[1], [1], [0], [0], [0, 0, 1, 0], [], []>, transpose_lhs_hint = false} : vector<128x96xf32>, vector<1024x96xf32>, vector<128x1024xf32> -> vector<128x1024xf32>
    %gt3A_244 = arith.cmpf ogt, %dot_general3A_243, %max3A_237 : vector<128x1024xf32>
    %max3A_245 = arith.maximumf %max3A_237, %dot_general3A_243 : vector<128x1024xf32>
    %jit3A_246 = arith.constant 6.000000e+00 : f32
    %broadcast_in_dim3A_247 = vector.broadcast %jit3A_246 : f32 to vector<128x1024xf32>
    %select_n3A_248 = arith.select %gt3A_244, %broadcast_in_dim3A_247, %select_n3A_240 : vector<128x1024xi1>, vector<128x1024xf32>
    %slice3A_249 = vector.extract_strided_slice %get3A_195 {offsets = [896, 0], sizes = [128, 96], strides = [1, 1]} : vector<1024x96xf32> to vector<128x96xf32>
    %dot_general3A_250 = arith.constant dense<0.000000e+00> : vector<128x1024xf32>
    %dot_general3A_251 = tpu.matmul %slice3A_249, %mul3A_190, %dot_general3A_250 {dimension_numbers = #tpu.dot_dimension_numbers<[1], [1], [0], [0], [0, 0, 1, 0], [], []>, transpose_lhs_hint = false} : vector<128x96xf32>, vector<1024x96xf32>, vector<128x1024xf32> -> vector<128x1024xf32>
    %gt3A_252 = arith.cmpf ogt, %dot_general3A_251, %max3A_245 : vector<128x1024xf32>
    %max3A_253 = arith.maximumf %max3A_245, %dot_general3A_251 : vector<128x1024xf32>
    %jit3A_254 = arith.constant 7.000000e+00 : f32
    %broadcast_in_dim3A_255 = vector.broadcast %jit3A_254 : f32 to vector<128x1024xf32>
    %select_n3A_256 = arith.select %gt3A_252, %broadcast_in_dim3A_255, %select_n3A_248 : vector<128x1024xi1>, vector<128x1024xf32>
    %reduce_max3A_257 = arith.constant dense<0xFF800000> : vector<1024xf32>
    %reduce_max3A_258 = vector.multi_reduction <maximumf>, %max3A_253, %reduce_max3A_257 [0] : vector<128x1024xf32> to vector<1024xf32>
    %broadcast_in_dim3A_259 = vector.shape_cast %reduce_max3A_258 : vector<1024xf32> to vector<1x1024xf32>
    %mul3A_260 = arith.constant 1.280000e+02 : f32
    %mul3A_261 = vector.broadcast %mul3A_260 : f32 to vector<128x1024xf32>
    %mul3A_262 = arith.mulf %select_n3A_256, %mul3A_261 : vector<128x1024xf32>
    %add3A_263 = arith.addf %mul3A_262, %convert_element_type3A : vector<128x1024xf32>
    %eq3A_264 = vector.broadcast %broadcast_in_dim3A_259 : vector<1x1024xf32> to vector<128x1024xf32>
    %eq3A_265 = arith.cmpf oeq, %max3A_253, %eq3A_264 : vector<128x1024xf32>
    %jit3A_266 = arith.constant 1.024000e+03 : f32
    %broadcast_in_dim3A_267 = vector.broadcast %jit3A_266 : f32 to vector<128x1024xf32>
    %select_n3A_268 = arith.select %eq3A_265, %add3A_263, %broadcast_in_dim3A_267 : vector<128x1024xi1>, vector<128x1024xf32>
    %reduce_min3A_269 = arith.constant dense<0x7F800000> : vector<1024xf32>
    %reduce_min3A_270 = vector.multi_reduction <minimumf>, %select_n3A_268, %reduce_min3A_269 [0] : vector<128x1024xf32> to vector<1024xf32>
    %convert_element_type3A_271 = arith.fptosi %reduce_min3A_270 : vector<1024xf32> to vector<1024xi32>
    %swap3A_272 = arith.constant 0 : index
    %swap3A_273 = arith.constant 2 : index
    %swap3A_274 = arith.constant 0 : index
    %swap3A_275 = vector.load %arg5[%swap3A_272, %swap3A_273, %swap3A_274] : memref<1x8x1024xi32, #tpu.memory_space<vmem>>, vector<1x1x1024xi32>
    %swap3A_276 = vector.shape_cast %swap3A_275 : vector<1x1x1024xi32> to vector<1024xi32>
    %swap3A_277 = vector.shape_cast %convert_element_type3A_271 : vector<1024xi32> to vector<1x1x1024xi32>
    tpu.vector_store %arg5[%swap3A_272, %swap3A_273, %swap3A_274], %swap3A_277 {strides = array<i32>} : memref<1x8x1024xi32, #tpu.memory_space<vmem>>, vector<1x1x1024xi32>,
    %get3A_278 = arith.constant 0 : index
    %get3A_279 = arith.constant 0 : index
    %get3A_280 = arith.constant 0 : index
    %get3A_281 = vector.load %arg1[%get3A_278, %get3A_279, %get3A_280] : memref<1x1024x768xf32, #tpu.memory_space<vmem>>, vector<1x1024x768xf32>
    %get3A_282 = vector.shape_cast %get3A_281 : vector<1x1024x768xf32> to vector<1024x768xf32>
    %slice3A_283 = vector.extract_strided_slice %get3A_282 {offsets = [0, 288], sizes = [1024, 96], strides = [1, 1]} : vector<1024x768xf32> to vector<1024x96xf32>
    %mul3A_284 = arith.constant 0.102062076 : f32
    %mul3A_285 = vector.broadcast %mul3A_284 : f32 to vector<1024x96xf32>
    %mul3A_286 = arith.mulf %slice3A_283, %mul3A_285 : vector<1024x96xf32>
    %get3A_287 = arith.constant 3 : index
    %get3A_288 = arith.constant 0 : index
    %get3A_289 = arith.constant 0 : index
    %get3A_290 = vector.load %arg6[%get3A_287, %get3A_288, %get3A_289] : memref<8x1024x96xf32, #tpu.memory_space<vmem>>, vector<1x1024x96xf32>
    %get3A_291 = vector.shape_cast %get3A_290 : vector<1x1024x96xf32> to vector<1024x96xf32>
    %slice3A_292 = vector.extract_strided_slice %get3A_291 {offsets = [0, 0], sizes = [128, 96], strides = [1, 1]} : vector<1024x96xf32> to vector<128x96xf32>
    %dot_general3A_293 = arith.constant dense<0.000000e+00> : vector<128x1024xf32>
    %dot_general3A_294 = tpu.matmul %slice3A_292, %mul3A_286, %dot_general3A_293 {dimension_numbers = #tpu.dot_dimension_numbers<[1], [1], [0], [0], [0, 0, 1, 0], [], []>, transpose_lhs_hint = false} : vector<128x96xf32>, vector<1024x96xf32>, vector<128x1024xf32> -> vector<128x1024xf32>
    %broadcast_in_dim3A_295 = arith.constant 0.000000e+00 : f32
    %broadcast_in_dim3A_296 = vector.broadcast %broadcast_in_dim3A_295 : f32 to vector<128x1024xf32>
    %slice3A_297 = vector.extract_strided_slice %get3A_291 {offsets = [128, 0], sizes = [128, 96], strides = [1, 1]} : vector<1024x96xf32> to vector<128x96xf32>
    %dot_general3A_298 = arith.constant dense<0.000000e+00> : vector<128x1024xf32>
    %dot_general3A_299 = tpu.matmul %slice3A_297, %mul3A_286, %dot_general3A_298 {dimension_numbers = #tpu.dot_dimension_numbers<[1], [1], [0], [0], [0, 0, 1, 0], [], []>, transpose_lhs_hint = false} : vector<128x96xf32>, vector<1024x96xf32>, vector<128x1024xf32> -> vector<128x1024xf32>
    %gt3A_300 = arith.cmpf ogt, %dot_general3A_299, %dot_general3A_294 : vector<128x1024xf32>
    %max3A_301 = arith.maximumf %dot_general3A_294, %dot_general3A_299 : vector<128x1024xf32>
    %jit3A_302 = arith.constant 1.000000e+00 : f32
    %broadcast_in_dim3A_303 = vector.broadcast %jit3A_302 : f32 to vector<128x1024xf32>
    %select_n3A_304 = arith.select %gt3A_300, %broadcast_in_dim3A_303, %broadcast_in_dim3A_296 : vector<128x1024xi1>, vector<128x1024xf32>
    %slice3A_305 = vector.extract_strided_slice %get3A_291 {offsets = [256, 0], sizes = [128, 96], strides = [1, 1]} : vector<1024x96xf32> to vector<128x96xf32>
    %dot_general3A_306 = arith.constant dense<0.000000e+00> : vector<128x1024xf32>
    %dot_general3A_307 = tpu.matmul %slice3A_305, %mul3A_286, %dot_general3A_306 {dimension_numbers = #tpu.dot_dimension_numbers<[1], [1], [0], [0], [0, 0, 1, 0], [], []>, transpose_lhs_hint = false} : vector<128x96xf32>, vector<1024x96xf32>, vector<128x1024xf32> -> vector<128x1024xf32>
    %gt3A_308 = arith.cmpf ogt, %dot_general3A_307, %max3A_301 : vector<128x1024xf32>
    %max3A_309 = arith.maximumf %max3A_301, %dot_general3A_307 : vector<128x1024xf32>
    %jit3A_310 = arith.constant 2.000000e+00 : f32
    %broadcast_in_dim3A_311 = vector.broadcast %jit3A_310 : f32 to vector<128x1024xf32>
    %select_n3A_312 = arith.select %gt3A_308, %broadcast_in_dim3A_311, %select_n3A_304 : vector<128x1024xi1>, vector<128x1024xf32>
    %slice3A_313 = vector.extract_strided_slice %get3A_291 {offsets = [384, 0], sizes = [128, 96], strides = [1, 1]} : vector<1024x96xf32> to vector<128x96xf32>
    %dot_general3A_314 = arith.constant dense<0.000000e+00> : vector<128x1024xf32>
    %dot_general3A_315 = tpu.matmul %slice3A_313, %mul3A_286, %dot_general3A_314 {dimension_numbers = #tpu.dot_dimension_numbers<[1], [1], [0], [0], [0, 0, 1, 0], [], []>, transpose_lhs_hint = false} : vector<128x96xf32>, vector<1024x96xf32>, vector<128x1024xf32> -> vector<128x1024xf32>
    %gt3A_316 = arith.cmpf ogt, %dot_general3A_315, %max3A_309 : vector<128x1024xf32>
    %max3A_317 = arith.maximumf %max3A_309, %dot_general3A_315 : vector<128x1024xf32>
    %jit3A_318 = arith.constant 3.000000e+00 : f32
    %broadcast_in_dim3A_319 = vector.broadcast %jit3A_318 : f32 to vector<128x1024xf32>
    %select_n3A_320 = arith.select %gt3A_316, %broadcast_in_dim3A_319, %select_n3A_312 : vector<128x1024xi1>, vector<128x1024xf32>
    %slice3A_321 = vector.extract_strided_slice %get3A_291 {offsets = [512, 0], sizes = [128, 96], strides = [1, 1]} : vector<1024x96xf32> to vector<128x96xf32>
    %dot_general3A_322 = arith.constant dense<0.000000e+00> : vector<128x1024xf32>
    %dot_general3A_323 = tpu.matmul %slice3A_321, %mul3A_286, %dot_general3A_322 {dimension_numbers = #tpu.dot_dimension_numbers<[1], [1], [0], [0], [0, 0, 1, 0], [], []>, transpose_lhs_hint = false} : vector<128x96xf32>, vector<1024x96xf32>, vector<128x1024xf32> -> vector<128x1024xf32>
    %gt3A_324 = arith.cmpf ogt, %dot_general3A_323, %max3A_317 : vector<128x1024xf32>
    %max3A_325 = arith.maximumf %max3A_317, %dot_general3A_323 : vector<128x1024xf32>
    %jit3A_326 = arith.constant 4.000000e+00 : f32
    %broadcast_in_dim3A_327 = vector.broadcast %jit3A_326 : f32 to vector<128x1024xf32>
    %select_n3A_328 = arith.select %gt3A_324, %broadcast_in_dim3A_327, %select_n3A_320 : vector<128x1024xi1>, vector<128x1024xf32>
    %slice3A_329 = vector.extract_strided_slice %get3A_291 {offsets = [640, 0], sizes = [128, 96], strides = [1, 1]} : vector<1024x96xf32> to vector<128x96xf32>
    %dot_general3A_330 = arith.constant dense<0.000000e+00> : vector<128x1024xf32>
    %dot_general3A_331 = tpu.matmul %slice3A_329, %mul3A_286, %dot_general3A_330 {dimension_numbers = #tpu.dot_dimension_numbers<[1], [1], [0], [0], [0, 0, 1, 0], [], []>, transpose_lhs_hint = false} : vector<128x96xf32>, vector<1024x96xf32>, vector<128x1024xf32> -> vector<128x1024xf32>
    %gt3A_332 = arith.cmpf ogt, %dot_general3A_331, %max3A_325 : vector<128x1024xf32>
    %max3A_333 = arith.maximumf %max3A_325, %dot_general3A_331 : vector<128x1024xf32>
    %jit3A_334 = arith.constant 5.000000e+00 : f32
    %broadcast_in_dim3A_335 = vector.broadcast %jit3A_334 : f32 to vector<128x1024xf32>
    %select_n3A_336 = arith.select %gt3A_332, %broadcast_in_dim3A_335, %select_n3A_328 : vector<128x1024xi1>, vector<128x1024xf32>
    %slice3A_337 = vector.extract_strided_slice %get3A_291 {offsets = [768, 0], sizes = [128, 96], strides = [1, 1]} : vector<1024x96xf32> to vector<128x96xf32>
    %dot_general3A_338 = arith.constant dense<0.000000e+00> : vector<128x1024xf32>
    %dot_general3A_339 = tpu.matmul %slice3A_337, %mul3A_286, %dot_general3A_338 {dimension_numbers = #tpu.dot_dimension_numbers<[1], [1], [0], [0], [0, 0, 1, 0], [], []>, transpose_lhs_hint = false} : vector<128x96xf32>, vector<1024x96xf32>, vector<128x1024xf32> -> vector<128x1024xf32>
    %gt3A_340 = arith.cmpf ogt, %dot_general3A_339, %max3A_333 : vector<128x1024xf32>
    %max3A_341 = arith.maximumf %max3A_333, %dot_general3A_339 : vector<128x1024xf32>
    %jit3A_342 = arith.constant 6.000000e+00 : f32
    %broadcast_in_dim3A_343 = vector.broadcast %jit3A_342 : f32 to vector<128x1024xf32>
    %select_n3A_344 = arith.select %gt3A_340, %broadcast_in_dim3A_343, %select_n3A_336 : vector<128x1024xi1>, vector<128x1024xf32>
    %slice3A_345 = vector.extract_strided_slice %get3A_291 {offsets = [896, 0], sizes = [128, 96], strides = [1, 1]} : vector<1024x96xf32> to vector<128x96xf32>
    %dot_general3A_346 = arith.constant dense<0.000000e+00> : vector<128x1024xf32>
    %dot_general3A_347 = tpu.matmul %slice3A_345, %mul3A_286, %dot_general3A_346 {dimension_numbers = #tpu.dot_dimension_numbers<[1], [1], [0], [0], [0, 0, 1, 0], [], []>, transpose_lhs_hint = false} : vector<128x96xf32>, vector<1024x96xf32>, vector<128x1024xf32> -> vector<128x1024xf32>
    %gt3A_348 = arith.cmpf ogt, %dot_general3A_347, %max3A_341 : vector<128x1024xf32>
    %max3A_349 = arith.maximumf %max3A_341, %dot_general3A_347 : vector<128x1024xf32>
    %jit3A_350 = arith.constant 7.000000e+00 : f32
    %broadcast_in_dim3A_351 = vector.broadcast %jit3A_350 : f32 to vector<128x1024xf32>
    %select_n3A_352 = arith.select %gt3A_348, %broadcast_in_dim3A_351, %select_n3A_344 : vector<128x1024xi1>, vector<128x1024xf32>
    %reduce_max3A_353 = arith.constant dense<0xFF800000> : vector<1024xf32>
    %reduce_max3A_354 = vector.multi_reduction <maximumf>, %max3A_349, %reduce_max3A_353 [0] : vector<128x1024xf32> to vector<1024xf32>
    %broadcast_in_dim3A_355 = vector.shape_cast %reduce_max3A_354 : vector<1024xf32> to vector<1x1024xf32>
    %mul3A_356 = arith.constant 1.280000e+02 : f32
    %mul3A_357 = vector.broadcast %mul3A_356 : f32 to vector<128x1024xf32>
    %mul3A_358 = arith.mulf %select_n3A_352, %mul3A_357 : vector<128x1024xf32>
    %add3A_359 = arith.addf %mul3A_358, %convert_element_type3A : vector<128x1024xf32>
    %eq3A_360 = vector.broadcast %broadcast_in_dim3A_355 : vector<1x1024xf32> to vector<128x1024xf32>
    %eq3A_361 = arith.cmpf oeq, %max3A_349, %eq3A_360 : vector<128x1024xf32>
    %jit3A_362 = arith.constant 1.024000e+03 : f32
    %broadcast_in_dim3A_363 = vector.broadcast %jit3A_362 : f32 to vector<128x1024xf32>
    %select_n3A_364 = arith.select %eq3A_361, %add3A_359, %broadcast_in_dim3A_363 : vector<128x1024xi1>, vector<128x1024xf32>
    %reduce_min3A_365 = arith.constant dense<0x7F800000> : vector<1024xf32>
    %reduce_min3A_366 = vector.multi_reduction <minimumf>, %select_n3A_364, %reduce_min3A_365 [0] : vector<128x1024xf32> to vector<1024xf32>
    %convert_element_type3A_367 = arith.fptosi %reduce_min3A_366 : vector<1024xf32> to vector<1024xi32>
    %swap3A_368 = arith.constant 0 : index
    %swap3A_369 = arith.constant 3 : index
    %swap3A_370 = arith.constant 0 : index
    %swap3A_371 = vector.load %arg5[%swap3A_368, %swap3A_369, %swap3A_370] : memref<1x8x1024xi32, #tpu.memory_space<vmem>>, vector<1x1x1024xi32>
    %swap3A_372 = vector.shape_cast %swap3A_371 : vector<1x1x1024xi32> to vector<1024xi32>
    %swap3A_373 = vector.shape_cast %convert_element_type3A_367 : vector<1024xi32> to vector<1x1x1024xi32>
    tpu.vector_store %arg5[%swap3A_368, %swap3A_369, %swap3A_370], %swap3A_373 {strides = array<i32>} : memref<1x8x1024xi32, #tpu.memory_space<vmem>>, vector<1x1x1024xi32>,
    %get3A_374 = arith.constant 0 : index
    %get3A_375 = arith.constant 0 : index
    %get3A_376 = arith.constant 0 : index
    %get3A_377 = vector.load %arg1[%get3A_374, %get3A_375, %get3A_376] : memref<1x1024x768xf32, #tpu.memory_space<vmem>>, vector<1x1024x768xf32>
    %get3A_378 = vector.shape_cast %get3A_377 : vector<1x1024x768xf32> to vector<1024x768xf32>
    %slice3A_379 = vector.extract_strided_slice %get3A_378 {offsets = [0, 384], sizes = [1024, 96], strides = [1, 1]} : vector<1024x768xf32> to vector<1024x96xf32>
    %mul3A_380 = arith.constant 0.102062076 : f32
    %mul3A_381 = vector.broadcast %mul3A_380 : f32 to vector<1024x96xf32>
    %mul3A_382 = arith.mulf %slice3A_379, %mul3A_381 : vector<1024x96xf32>
    %get3A_383 = arith.constant 4 : index
    %get3A_384 = arith.constant 0 : index
    %get3A_385 = arith.constant 0 : index
    %get3A_386 = vector.load %arg6[%get3A_383, %get3A_384, %get3A_385] : memref<8x1024x96xf32, #tpu.memory_space<vmem>>, vector<1x1024x96xf32>
    %get3A_387 = vector.shape_cast %get3A_386 : vector<1x1024x96xf32> to vector<1024x96xf32>
    %slice3A_388 = vector.extract_strided_slice %get3A_387 {offsets = [0, 0], sizes = [128, 96], strides = [1, 1]} : vector<1024x96xf32> to vector<128x96xf32>
    %dot_general3A_389 = arith.constant dense<0.000000e+00> : vector<128x1024xf32>
    %dot_general3A_390 = tpu.matmul %slice3A_388, %mul3A_382, %dot_general3A_389 {dimension_numbers = #tpu.dot_dimension_numbers<[1], [1], [0], [0], [0, 0, 1, 0], [], []>, transpose_lhs_hint = false} : vector<128x96xf32>, vector<1024x96xf32>, vector<128x1024xf32> -> vector<128x1024xf32>
    %broadcast_in_dim3A_391 = arith.constant 0.000000e+00 : f32
    %broadcast_in_dim3A_392 = vector.broadcast %broadcast_in_dim3A_391 : f32 to vector<128x1024xf32>
    %slice3A_393 = vector.extract_strided_slice %get3A_387 {offsets = [128, 0], sizes = [128, 96], strides = [1, 1]} : vector<1024x96xf32> to vector<128x96xf32>
    %dot_general3A_394 = arith.constant dense<0.000000e+00> : vector<128x1024xf32>
    %dot_general3A_395 = tpu.matmul %slice3A_393, %mul3A_382, %dot_general3A_394 {dimension_numbers = #tpu.dot_dimension_numbers<[1], [1], [0], [0], [0, 0, 1, 0], [], []>, transpose_lhs_hint = false} : vector<128x96xf32>, vector<1024x96xf32>, vector<128x1024xf32> -> vector<128x1024xf32>
    %gt3A_396 = arith.cmpf ogt, %dot_general3A_395, %dot_general3A_390 : vector<128x1024xf32>
    %max3A_397 = arith.maximumf %dot_general3A_390, %dot_general3A_395 : vector<128x1024xf32>
    %jit3A_398 = arith.constant 1.000000e+00 : f32
    %broadcast_in_dim3A_399 = vector.broadcast %jit3A_398 : f32 to vector<128x1024xf32>
    %select_n3A_400 = arith.select %gt3A_396, %broadcast_in_dim3A_399, %broadcast_in_dim3A_392 : vector<128x1024xi1>, vector<128x1024xf32>
    %slice3A_401 = vector.extract_strided_slice %get3A_387 {offsets = [256, 0], sizes = [128, 96], strides = [1, 1]} : vector<1024x96xf32> to vector<128x96xf32>
    %dot_general3A_402 = arith.constant dense<0.000000e+00> : vector<128x1024xf32>
    %dot_general3A_403 = tpu.matmul %slice3A_401, %mul3A_382, %dot_general3A_402 {dimension_numbers = #tpu.dot_dimension_numbers<[1], [1], [0], [0], [0, 0, 1, 0], [], []>, transpose_lhs_hint = false} : vector<128x96xf32>, vector<1024x96xf32>, vector<128x1024xf32> -> vector<128x1024xf32>
    %gt3A_404 = arith.cmpf ogt, %dot_general3A_403, %max3A_397 : vector<128x1024xf32>
    %max3A_405 = arith.maximumf %max3A_397, %dot_general3A_403 : vector<128x1024xf32>
    %jit3A_406 = arith.constant 2.000000e+00 : f32
    %broadcast_in_dim3A_407 = vector.broadcast %jit3A_406 : f32 to vector<128x1024xf32>
    %select_n3A_408 = arith.select %gt3A_404, %broadcast_in_dim3A_407, %select_n3A_400 : vector<128x1024xi1>, vector<128x1024xf32>
    %slice3A_409 = vector.extract_strided_slice %get3A_387 {offsets = [384, 0], sizes = [128, 96], strides = [1, 1]} : vector<1024x96xf32> to vector<128x96xf32>
    %dot_general3A_410 = arith.constant dense<0.000000e+00> : vector<128x1024xf32>
    %dot_general3A_411 = tpu.matmul %slice3A_409, %mul3A_382, %dot_general3A_410 {dimension_numbers = #tpu.dot_dimension_numbers<[1], [1], [0], [0], [0, 0, 1, 0], [], []>, transpose_lhs_hint = false} : vector<128x96xf32>, vector<1024x96xf32>, vector<128x1024xf32> -> vector<128x1024xf32>
    %gt3A_412 = arith.cmpf ogt, %dot_general3A_411, %max3A_405 : vector<128x1024xf32>
    %max3A_413 = arith.maximumf %max3A_405, %dot_general3A_411 : vector<128x1024xf32>
    %jit3A_414 = arith.constant 3.000000e+00 : f32
    %broadcast_in_dim3A_415 = vector.broadcast %jit3A_414 : f32 to vector<128x1024xf32>
    %select_n3A_416 = arith.select %gt3A_412, %broadcast_in_dim3A_415, %select_n3A_408 : vector<128x1024xi1>, vector<128x1024xf32>
    %slice3A_417 = vector.extract_strided_slice %get3A_387 {offsets = [512, 0], sizes = [128, 96], strides = [1, 1]} : vector<1024x96xf32> to vector<128x96xf32>
    %dot_general3A_418 = arith.constant dense<0.000000e+00> : vector<128x1024xf32>
    %dot_general3A_419 = tpu.matmul %slice3A_417, %mul3A_382, %dot_general3A_418 {dimension_numbers = #tpu.dot_dimension_numbers<[1], [1], [0], [0], [0, 0, 1, 0], [], []>, transpose_lhs_hint = false} : vector<128x96xf32>, vector<1024x96xf32>, vector<128x1024xf32> -> vector<128x1024xf32>
    %gt3A_420 = arith.cmpf ogt, %dot_general3A_419, %max3A_413 : vector<128x1024xf32>
    %max3A_421 = arith.maximumf %max3A_413, %dot_general3A_419 : vector<128x1024xf32>
    %jit3A_422 = arith.constant 4.000000e+00 : f32
    %broadcast_in_dim3A_423 = vector.broadcast %jit3A_422 : f32 to vector<128x1024xf32>
    %select_n3A_424 = arith.select %gt3A_420, %broadcast_in_dim3A_423, %select_n3A_416 : vector<128x1024xi1>, vector<128x1024xf32>
    %slice3A_425 = vector.extract_strided_slice %get3A_387 {offsets = [640, 0], sizes = [128, 96], strides = [1, 1]} : vector<1024x96xf32> to vector<128x96xf32>
    %dot_general3A_426 = arith.constant dense<0.000000e+00> : vector<128x1024xf32>
    %dot_general3A_427 = tpu.matmul %slice3A_425, %mul3A_382, %dot_general3A_426 {dimension_numbers = #tpu.dot_dimension_numbers<[1], [1], [0], [0], [0, 0, 1, 0], [], []>, transpose_lhs_hint = false} : vector<128x96xf32>, vector<1024x96xf32>, vector<128x1024xf32> -> vector<128x1024xf32>
    %gt3A_428 = arith.cmpf ogt, %dot_general3A_427, %max3A_421 : vector<128x1024xf32>
    %max3A_429 = arith.maximumf %max3A_421, %dot_general3A_427 : vector<128x1024xf32>
    %jit3A_430 = arith.constant 5.000000e+00 : f32
    %broadcast_in_dim3A_431 = vector.broadcast %jit3A_430 : f32 to vector<128x1024xf32>
    %select_n3A_432 = arith.select %gt3A_428, %broadcast_in_dim3A_431, %select_n3A_424 : vector<128x1024xi1>, vector<128x1024xf32>
    %slice3A_433 = vector.extract_strided_slice %get3A_387 {offsets = [768, 0], sizes = [128, 96], strides = [1, 1]} : vector<1024x96xf32> to vector<128x96xf32>
    %dot_general3A_434 = arith.constant dense<0.000000e+00> : vector<128x1024xf32>
    %dot_general3A_435 = tpu.matmul %slice3A_433, %mul3A_382, %dot_general3A_434 {dimension_numbers = #tpu.dot_dimension_numbers<[1], [1], [0], [0], [0, 0, 1, 0], [], []>, transpose_lhs_hint = false} : vector<128x96xf32>, vector<1024x96xf32>, vector<128x1024xf32> -> vector<128x1024xf32>
    %gt3A_436 = arith.cmpf ogt, %dot_general3A_435, %max3A_429 : vector<128x1024xf32>
    %max3A_437 = arith.maximumf %max3A_429, %dot_general3A_435 : vector<128x1024xf32>
    %jit3A_438 = arith.constant 6.000000e+00 : f32
    %broadcast_in_dim3A_439 = vector.broadcast %jit3A_438 : f32 to vector<128x1024xf32>
    %select_n3A_440 = arith.select %gt3A_436, %broadcast_in_dim3A_439, %select_n3A_432 : vector<128x1024xi1>, vector<128x1024xf32>
    %slice3A_441 = vector.extract_strided_slice %get3A_387 {offsets = [896, 0], sizes = [128, 96], strides = [1, 1]} : vector<1024x96xf32> to vector<128x96xf32>
    %dot_general3A_442 = arith.constant dense<0.000000e+00> : vector<128x1024xf32>
    %dot_general3A_443 = tpu.matmul %slice3A_441, %mul3A_382, %dot_general3A_442 {dimension_numbers = #tpu.dot_dimension_numbers<[1], [1], [0], [0], [0, 0, 1, 0], [], []>, transpose_lhs_hint = false} : vector<128x96xf32>, vector<1024x96xf32>, vector<128x1024xf32> -> vector<128x1024xf32>
    %gt3A_444 = arith.cmpf ogt, %dot_general3A_443, %max3A_437 : vector<128x1024xf32>
    %max3A_445 = arith.maximumf %max3A_437, %dot_general3A_443 : vector<128x1024xf32>
    %jit3A_446 = arith.constant 7.000000e+00 : f32
    %broadcast_in_dim3A_447 = vector.broadcast %jit3A_446 : f32 to vector<128x1024xf32>
    %select_n3A_448 = arith.select %gt3A_444, %broadcast_in_dim3A_447, %select_n3A_440 : vector<128x1024xi1>, vector<128x1024xf32>
    %reduce_max3A_449 = arith.constant dense<0xFF800000> : vector<1024xf32>
    %reduce_max3A_450 = vector.multi_reduction <maximumf>, %max3A_445, %reduce_max3A_449 [0] : vector<128x1024xf32> to vector<1024xf32>
    %broadcast_in_dim3A_451 = vector.shape_cast %reduce_max3A_450 : vector<1024xf32> to vector<1x1024xf32>
    %mul3A_452 = arith.constant 1.280000e+02 : f32
    %mul3A_453 = vector.broadcast %mul3A_452 : f32 to vector<128x1024xf32>
    %mul3A_454 = arith.mulf %select_n3A_448, %mul3A_453 : vector<128x1024xf32>
    %add3A_455 = arith.addf %mul3A_454, %convert_element_type3A : vector<128x1024xf32>
    %eq3A_456 = vector.broadcast %broadcast_in_dim3A_451 : vector<1x1024xf32> to vector<128x1024xf32>
    %eq3A_457 = arith.cmpf oeq, %max3A_445, %eq3A_456 : vector<128x1024xf32>
    %jit3A_458 = arith.constant 1.024000e+03 : f32
    %broadcast_in_dim3A_459 = vector.broadcast %jit3A_458 : f32 to vector<128x1024xf32>
    %select_n3A_460 = arith.select %eq3A_457, %add3A_455, %broadcast_in_dim3A_459 : vector<128x1024xi1>, vector<128x1024xf32>
    %reduce_min3A_461 = arith.constant dense<0x7F800000> : vector<1024xf32>
    %reduce_min3A_462 = vector.multi_reduction <minimumf>, %select_n3A_460, %reduce_min3A_461 [0] : vector<128x1024xf32> to vector<1024xf32>
    %convert_element_type3A_463 = arith.fptosi %reduce_min3A_462 : vector<1024xf32> to vector<1024xi32>
    %swap3A_464 = arith.constant 0 : index
    %swap3A_465 = arith.constant 4 : index
    %swap3A_466 = arith.constant 0 : index
    %swap3A_467 = vector.load %arg5[%swap3A_464, %swap3A_465, %swap3A_466] : memref<1x8x1024xi32, #tpu.memory_space<vmem>>, vector<1x1x1024xi32>
    %swap3A_468 = vector.shape_cast %swap3A_467 : vector<1x1x1024xi32> to vector<1024xi32>
    %swap3A_469 = vector.shape_cast %convert_element_type3A_463 : vector<1024xi32> to vector<1x1x1024xi32>
    tpu.vector_store %arg5[%swap3A_464, %swap3A_465, %swap3A_466], %swap3A_469 {strides = array<i32>} : memref<1x8x1024xi32, #tpu.memory_space<vmem>>, vector<1x1x1024xi32>,
    %get3A_470 = arith.constant 0 : index
    %get3A_471 = arith.constant 0 : index
    %get3A_472 = arith.constant 0 : index
    %get3A_473 = vector.load %arg1[%get3A_470, %get3A_471, %get3A_472] : memref<1x1024x768xf32, #tpu.memory_space<vmem>>, vector<1x1024x768xf32>
    %get3A_474 = vector.shape_cast %get3A_473 : vector<1x1024x768xf32> to vector<1024x768xf32>
    %slice3A_475 = vector.extract_strided_slice %get3A_474 {offsets = [0, 480], sizes = [1024, 96], strides = [1, 1]} : vector<1024x768xf32> to vector<1024x96xf32>
    %mul3A_476 = arith.constant 0.102062076 : f32
    %mul3A_477 = vector.broadcast %mul3A_476 : f32 to vector<1024x96xf32>
    %mul3A_478 = arith.mulf %slice3A_475, %mul3A_477 : vector<1024x96xf32>
    %get3A_479 = arith.constant 5 : index
    %get3A_480 = arith.constant 0 : index
    %get3A_481 = arith.constant 0 : index
    %get3A_482 = vector.load %arg6[%get3A_479, %get3A_480, %get3A_481] : memref<8x1024x96xf32, #tpu.memory_space<vmem>>, vector<1x1024x96xf32>
    %get3A_483 = vector.shape_cast %get3A_482 : vector<1x1024x96xf32> to vector<1024x96xf32>
    %slice3A_484 = vector.extract_strided_slice %get3A_483 {offsets = [0, 0], sizes = [128, 96], strides = [1, 1]} : vector<1024x96xf32> to vector<128x96xf32>
    %dot_general3A_485 = arith.constant dense<0.000000e+00> : vector<128x1024xf32>
    %dot_general3A_486 = tpu.matmul %slice3A_484, %mul3A_478, %dot_general3A_485 {dimension_numbers = #tpu.dot_dimension_numbers<[1], [1], [0], [0], [0, 0, 1, 0], [], []>, transpose_lhs_hint = false} : vector<128x96xf32>, vector<1024x96xf32>, vector<128x1024xf32> -> vector<128x1024xf32>
    %broadcast_in_dim3A_487 = arith.constant 0.000000e+00 : f32
    %broadcast_in_dim3A_488 = vector.broadcast %broadcast_in_dim3A_487 : f32 to vector<128x1024xf32>
    %slice3A_489 = vector.extract_strided_slice %get3A_483 {offsets = [128, 0], sizes = [128, 96], strides = [1, 1]} : vector<1024x96xf32> to vector<128x96xf32>
    %dot_general3A_490 = arith.constant dense<0.000000e+00> : vector<128x1024xf32>
    %dot_general3A_491 = tpu.matmul %slice3A_489, %mul3A_478, %dot_general3A_490 {dimension_numbers = #tpu.dot_dimension_numbers<[1], [1], [0], [0], [0, 0, 1, 0], [], []>, transpose_lhs_hint = false} : vector<128x96xf32>, vector<1024x96xf32>, vector<128x1024xf32> -> vector<128x1024xf32>
    %gt3A_492 = arith.cmpf ogt, %dot_general3A_491, %dot_general3A_486 : vector<128x1024xf32>
    %max3A_493 = arith.maximumf %dot_general3A_486, %dot_general3A_491 : vector<128x1024xf32>
    %jit3A_494 = arith.constant 1.000000e+00 : f32
    %broadcast_in_dim3A_495 = vector.broadcast %jit3A_494 : f32 to vector<128x1024xf32>
    %select_n3A_496 = arith.select %gt3A_492, %broadcast_in_dim3A_495, %broadcast_in_dim3A_488 : vector<128x1024xi1>, vector<128x1024xf32>
    %slice3A_497 = vector.extract_strided_slice %get3A_483 {offsets = [256, 0], sizes = [128, 96], strides = [1, 1]} : vector<1024x96xf32> to vector<128x96xf32>
    %dot_general3A_498 = arith.constant dense<0.000000e+00> : vector<128x1024xf32>
    %dot_general3A_499 = tpu.matmul %slice3A_497, %mul3A_478, %dot_general3A_498 {dimension_numbers = #tpu.dot_dimension_numbers<[1], [1], [0], [0], [0, 0, 1, 0], [], []>, transpose_lhs_hint = false} : vector<128x96xf32>, vector<1024x96xf32>, vector<128x1024xf32> -> vector<128x1024xf32>
    %gt3A_500 = arith.cmpf ogt, %dot_general3A_499, %max3A_493 : vector<128x1024xf32>
    %max3A_501 = arith.maximumf %max3A_493, %dot_general3A_499 : vector<128x1024xf32>
    %jit3A_502 = arith.constant 2.000000e+00 : f32
    %broadcast_in_dim3A_503 = vector.broadcast %jit3A_502 : f32 to vector<128x1024xf32>
    %select_n3A_504 = arith.select %gt3A_500, %broadcast_in_dim3A_503, %select_n3A_496 : vector<128x1024xi1>, vector<128x1024xf32>
    %slice3A_505 = vector.extract_strided_slice %get3A_483 {offsets = [384, 0], sizes = [128, 96], strides = [1, 1]} : vector<1024x96xf32> to vector<128x96xf32>
    %dot_general3A_506 = arith.constant dense<0.000000e+00> : vector<128x1024xf32>
    %dot_general3A_507 = tpu.matmul %slice3A_505, %mul3A_478, %dot_general3A_506 {dimension_numbers = #tpu.dot_dimension_numbers<[1], [1], [0], [0], [0, 0, 1, 0], [], []>, transpose_lhs_hint = false} : vector<128x96xf32>, vector<1024x96xf32>, vector<128x1024xf32> -> vector<128x1024xf32>
    %gt3A_508 = arith.cmpf ogt, %dot_general3A_507, %max3A_501 : vector<128x1024xf32>
    %max3A_509 = arith.maximumf %max3A_501, %dot_general3A_507 : vector<128x1024xf32>
    %jit3A_510 = arith.constant 3.000000e+00 : f32
    %broadcast_in_dim3A_511 = vector.broadcast %jit3A_510 : f32 to vector<128x1024xf32>
    %select_n3A_512 = arith.select %gt3A_508, %broadcast_in_dim3A_511, %select_n3A_504 : vector<128x1024xi1>, vector<128x1024xf32>
    %slice3A_513 = vector.extract_strided_slice %get3A_483 {offsets = [512, 0], sizes = [128, 96], strides = [1, 1]} : vector<1024x96xf32> to vector<128x96xf32>
    %dot_general3A_514 = arith.constant dense<0.000000e+00> : vector<128x1024xf32>
    %dot_general3A_515 = tpu.matmul %slice3A_513, %mul3A_478, %dot_general3A_514 {dimension_numbers = #tpu.dot_dimension_numbers<[1], [1], [0], [0], [0, 0, 1, 0], [], []>, transpose_lhs_hint = false} : vector<128x96xf32>, vector<1024x96xf32>, vector<128x1024xf32> -> vector<128x1024xf32>
    %gt3A_516 = arith.cmpf ogt, %dot_general3A_515, %max3A_509 : vector<128x1024xf32>
    %max3A_517 = arith.maximumf %max3A_509, %dot_general3A_515 : vector<128x1024xf32>
    %jit3A_518 = arith.constant 4.000000e+00 : f32
    %broadcast_in_dim3A_519 = vector.broadcast %jit3A_518 : f32 to vector<128x1024xf32>
    %select_n3A_520 = arith.select %gt3A_516, %broadcast_in_dim3A_519, %select_n3A_512 : vector<128x1024xi1>, vector<128x1024xf32>
    %slice3A_521 = vector.extract_strided_slice %get3A_483 {offsets = [640, 0], sizes = [128, 96], strides = [1, 1]} : vector<1024x96xf32> to vector<128x96xf32>
    %dot_general3A_522 = arith.constant dense<0.000000e+00> : vector<128x1024xf32>
    %dot_general3A_523 = tpu.matmul %slice3A_521, %mul3A_478, %dot_general3A_522 {dimension_numbers = #tpu.dot_dimension_numbers<[1], [1], [0], [0], [0, 0, 1, 0], [], []>, transpose_lhs_hint = false} : vector<128x96xf32>, vector<1024x96xf32>, vector<128x1024xf32> -> vector<128x1024xf32>
    %gt3A_524 = arith.cmpf ogt, %dot_general3A_523, %max3A_517 : vector<128x1024xf32>
    %max3A_525 = arith.maximumf %max3A_517, %dot_general3A_523 : vector<128x1024xf32>
    %jit3A_526 = arith.constant 5.000000e+00 : f32
    %broadcast_in_dim3A_527 = vector.broadcast %jit3A_526 : f32 to vector<128x1024xf32>
    %select_n3A_528 = arith.select %gt3A_524, %broadcast_in_dim3A_527, %select_n3A_520 : vector<128x1024xi1>, vector<128x1024xf32>
    %slice3A_529 = vector.extract_strided_slice %get3A_483 {offsets = [768, 0], sizes = [128, 96], strides = [1, 1]} : vector<1024x96xf32> to vector<128x96xf32>
    %dot_general3A_530 = arith.constant dense<0.000000e+00> : vector<128x1024xf32>
    %dot_general3A_531 = tpu.matmul %slice3A_529, %mul3A_478, %dot_general3A_530 {dimension_numbers = #tpu.dot_dimension_numbers<[1], [1], [0], [0], [0, 0, 1, 0], [], []>, transpose_lhs_hint = false} : vector<128x96xf32>, vector<1024x96xf32>, vector<128x1024xf32> -> vector<128x1024xf32>
    %gt3A_532 = arith.cmpf ogt, %dot_general3A_531, %max3A_525 : vector<128x1024xf32>
    %max3A_533 = arith.maximumf %max3A_525, %dot_general3A_531 : vector<128x1024xf32>
    %jit3A_534 = arith.constant 6.000000e+00 : f32
    %broadcast_in_dim3A_535 = vector.broadcast %jit3A_534 : f32 to vector<128x1024xf32>
    %select_n3A_536 = arith.select %gt3A_532, %broadcast_in_dim3A_535, %select_n3A_528 : vector<128x1024xi1>, vector<128x1024xf32>
    %slice3A_537 = vector.extract_strided_slice %get3A_483 {offsets = [896, 0], sizes = [128, 96], strides = [1, 1]} : vector<1024x96xf32> to vector<128x96xf32>
    %dot_general3A_538 = arith.constant dense<0.000000e+00> : vector<128x1024xf32>
    %dot_general3A_539 = tpu.matmul %slice3A_537, %mul3A_478, %dot_general3A_538 {dimension_numbers = #tpu.dot_dimension_numbers<[1], [1], [0], [0], [0, 0, 1, 0], [], []>, transpose_lhs_hint = false} : vector<128x96xf32>, vector<1024x96xf32>, vector<128x1024xf32> -> vector<128x1024xf32>
    %gt3A_540 = arith.cmpf ogt, %dot_general3A_539, %max3A_533 : vector<128x1024xf32>
    %max3A_541 = arith.maximumf %max3A_533, %dot_general3A_539 : vector<128x1024xf32>
    %jit3A_542 = arith.constant 7.000000e+00 : f32
    %broadcast_in_dim3A_543 = vector.broadcast %jit3A_542 : f32 to vector<128x1024xf32>
    %select_n3A_544 = arith.select %gt3A_540, %broadcast_in_dim3A_543, %select_n3A_536 : vector<128x1024xi1>, vector<128x1024xf32>
    %reduce_max3A_545 = arith.constant dense<0xFF800000> : vector<1024xf32>
    %reduce_max3A_546 = vector.multi_reduction <maximumf>, %max3A_541, %reduce_max3A_545 [0] : vector<128x1024xf32> to vector<1024xf32>
    %broadcast_in_dim3A_547 = vector.shape_cast %reduce_max3A_546 : vector<1024xf32> to vector<1x1024xf32>
    %mul3A_548 = arith.constant 1.280000e+02 : f32
    %mul3A_549 = vector.broadcast %mul3A_548 : f32 to vector<128x1024xf32>
    %mul3A_550 = arith.mulf %select_n3A_544, %mul3A_549 : vector<128x1024xf32>
    %add3A_551 = arith.addf %mul3A_550, %convert_element_type3A : vector<128x1024xf32>
    %eq3A_552 = vector.broadcast %broadcast_in_dim3A_547 : vector<1x1024xf32> to vector<128x1024xf32>
    %eq3A_553 = arith.cmpf oeq, %max3A_541, %eq3A_552 : vector<128x1024xf32>
    %jit3A_554 = arith.constant 1.024000e+03 : f32
    %broadcast_in_dim3A_555 = vector.broadcast %jit3A_554 : f32 to vector<128x1024xf32>
    %select_n3A_556 = arith.select %eq3A_553, %add3A_551, %broadcast_in_dim3A_555 : vector<128x1024xi1>, vector<128x1024xf32>
    %reduce_min3A_557 = arith.constant dense<0x7F800000> : vector<1024xf32>
    %reduce_min3A_558 = vector.multi_reduction <minimumf>, %select_n3A_556, %reduce_min3A_557 [0] : vector<128x1024xf32> to vector<1024xf32>
    %convert_element_type3A_559 = arith.fptosi %reduce_min3A_558 : vector<1024xf32> to vector<1024xi32>
    %swap3A_560 = arith.constant 0 : index
    %swap3A_561 = arith.constant 5 : index
    %swap3A_562 = arith.constant 0 : index
    %swap3A_563 = vector.load %arg5[%swap3A_560, %swap3A_561, %swap3A_562] : memref<1x8x1024xi32, #tpu.memory_space<vmem>>, vector<1x1x1024xi32>
    %swap3A_564 = vector.shape_cast %swap3A_563 : vector<1x1x1024xi32> to vector<1024xi32>
    %swap3A_565 = vector.shape_cast %convert_element_type3A_559 : vector<1024xi32> to vector<1x1x1024xi32>
    tpu.vector_store %arg5[%swap3A_560, %swap3A_561, %swap3A_562], %swap3A_565 {strides = array<i32>} : memref<1x8x1024xi32, #tpu.memory_space<vmem>>, vector<1x1x1024xi32>,
    %get3A_566 = arith.constant 0 : index
    %get3A_567 = arith.constant 0 : index
    %get3A_568 = arith.constant 0 : index
    %get3A_569 = vector.load %arg1[%get3A_566, %get3A_567, %get3A_568] : memref<1x1024x768xf32, #tpu.memory_space<vmem>>, vector<1x1024x768xf32>
    %get3A_570 = vector.shape_cast %get3A_569 : vector<1x1024x768xf32> to vector<1024x768xf32>
    %slice3A_571 = vector.extract_strided_slice %get3A_570 {offsets = [0, 576], sizes = [1024, 96], strides = [1, 1]} : vector<1024x768xf32> to vector<1024x96xf32>
    %mul3A_572 = arith.constant 0.102062076 : f32
    %mul3A_573 = vector.broadcast %mul3A_572 : f32 to vector<1024x96xf32>
    %mul3A_574 = arith.mulf %slice3A_571, %mul3A_573 : vector<1024x96xf32>
    %get3A_575 = arith.constant 6 : index
    %get3A_576 = arith.constant 0 : index
    %get3A_577 = arith.constant 0 : index
    %get3A_578 = vector.load %arg6[%get3A_575, %get3A_576, %get3A_577] : memref<8x1024x96xf32, #tpu.memory_space<vmem>>, vector<1x1024x96xf32>
    %get3A_579 = vector.shape_cast %get3A_578 : vector<1x1024x96xf32> to vector<1024x96xf32>
    %slice3A_580 = vector.extract_strided_slice %get3A_579 {offsets = [0, 0], sizes = [128, 96], strides = [1, 1]} : vector<1024x96xf32> to vector<128x96xf32>
    %dot_general3A_581 = arith.constant dense<0.000000e+00> : vector<128x1024xf32>
    %dot_general3A_582 = tpu.matmul %slice3A_580, %mul3A_574, %dot_general3A_581 {dimension_numbers = #tpu.dot_dimension_numbers<[1], [1], [0], [0], [0, 0, 1, 0], [], []>, transpose_lhs_hint = false} : vector<128x96xf32>, vector<1024x96xf32>, vector<128x1024xf32> -> vector<128x1024xf32>
    %broadcast_in_dim3A_583 = arith.constant 0.000000e+00 : f32
    %broadcast_in_dim3A_584 = vector.broadcast %broadcast_in_dim3A_583 : f32 to vector<128x1024xf32>
    %slice3A_585 = vector.extract_strided_slice %get3A_579 {offsets = [128, 0], sizes = [128, 96], strides = [1, 1]} : vector<1024x96xf32> to vector<128x96xf32>
    %dot_general3A_586 = arith.constant dense<0.000000e+00> : vector<128x1024xf32>
    %dot_general3A_587 = tpu.matmul %slice3A_585, %mul3A_574, %dot_general3A_586 {dimension_numbers = #tpu.dot_dimension_numbers<[1], [1], [0], [0], [0, 0, 1, 0], [], []>, transpose_lhs_hint = false} : vector<128x96xf32>, vector<1024x96xf32>, vector<128x1024xf32> -> vector<128x1024xf32>
    %gt3A_588 = arith.cmpf ogt, %dot_general3A_587, %dot_general3A_582 : vector<128x1024xf32>
    %max3A_589 = arith.maximumf %dot_general3A_582, %dot_general3A_587 : vector<128x1024xf32>
    %jit3A_590 = arith.constant 1.000000e+00 : f32
    %broadcast_in_dim3A_591 = vector.broadcast %jit3A_590 : f32 to vector<128x1024xf32>
    %select_n3A_592 = arith.select %gt3A_588, %broadcast_in_dim3A_591, %broadcast_in_dim3A_584 : vector<128x1024xi1>, vector<128x1024xf32>
    %slice3A_593 = vector.extract_strided_slice %get3A_579 {offsets = [256, 0], sizes = [128, 96], strides = [1, 1]} : vector<1024x96xf32> to vector<128x96xf32>
    %dot_general3A_594 = arith.constant dense<0.000000e+00> : vector<128x1024xf32>
    %dot_general3A_595 = tpu.matmul %slice3A_593, %mul3A_574, %dot_general3A_594 {dimension_numbers = #tpu.dot_dimension_numbers<[1], [1], [0], [0], [0, 0, 1, 0], [], []>, transpose_lhs_hint = false} : vector<128x96xf32>, vector<1024x96xf32>, vector<128x1024xf32> -> vector<128x1024xf32>
    %gt3A_596 = arith.cmpf ogt, %dot_general3A_595, %max3A_589 : vector<128x1024xf32>
    %max3A_597 = arith.maximumf %max3A_589, %dot_general3A_595 : vector<128x1024xf32>
    %jit3A_598 = arith.constant 2.000000e+00 : f32
    %broadcast_in_dim3A_599 = vector.broadcast %jit3A_598 : f32 to vector<128x1024xf32>
    %select_n3A_600 = arith.select %gt3A_596, %broadcast_in_dim3A_599, %select_n3A_592 : vector<128x1024xi1>, vector<128x1024xf32>
    %slice3A_601 = vector.extract_strided_slice %get3A_579 {offsets = [384, 0], sizes = [128, 96], strides = [1, 1]} : vector<1024x96xf32> to vector<128x96xf32>
    %dot_general3A_602 = arith.constant dense<0.000000e+00> : vector<128x1024xf32>
    %dot_general3A_603 = tpu.matmul %slice3A_601, %mul3A_574, %dot_general3A_602 {dimension_numbers = #tpu.dot_dimension_numbers<[1], [1], [0], [0], [0, 0, 1, 0], [], []>, transpose_lhs_hint = false} : vector<128x96xf32>, vector<1024x96xf32>, vector<128x1024xf32> -> vector<128x1024xf32>
    %gt3A_604 = arith.cmpf ogt, %dot_general3A_603, %max3A_597 : vector<128x1024xf32>
    %max3A_605 = arith.maximumf %max3A_597, %dot_general3A_603 : vector<128x1024xf32>
    %jit3A_606 = arith.constant 3.000000e+00 : f32
    %broadcast_in_dim3A_607 = vector.broadcast %jit3A_606 : f32 to vector<128x1024xf32>
    %select_n3A_608 = arith.select %gt3A_604, %broadcast_in_dim3A_607, %select_n3A_600 : vector<128x1024xi1>, vector<128x1024xf32>
    %slice3A_609 = vector.extract_strided_slice %get3A_579 {offsets = [512, 0], sizes = [128, 96], strides = [1, 1]} : vector<1024x96xf32> to vector<128x96xf32>
    %dot_general3A_610 = arith.constant dense<0.000000e+00> : vector<128x1024xf32>
    %dot_general3A_611 = tpu.matmul %slice3A_609, %mul3A_574, %dot_general3A_610 {dimension_numbers = #tpu.dot_dimension_numbers<[1], [1], [0], [0], [0, 0, 1, 0], [], []>, transpose_lhs_hint = false} : vector<128x96xf32>, vector<1024x96xf32>, vector<128x1024xf32> -> vector<128x1024xf32>
    %gt3A_612 = arith.cmpf ogt, %dot_general3A_611, %max3A_605 : vector<128x1024xf32>
    %max3A_613 = arith.maximumf %max3A_605, %dot_general3A_611 : vector<128x1024xf32>
    %jit3A_614 = arith.constant 4.000000e+00 : f32
    %broadcast_in_dim3A_615 = vector.broadcast %jit3A_614 : f32 to vector<128x1024xf32>
    %select_n3A_616 = arith.select %gt3A_612, %broadcast_in_dim3A_615, %select_n3A_608 : vector<128x1024xi1>, vector<128x1024xf32>
    %slice3A_617 = vector.extract_strided_slice %get3A_579 {offsets = [640, 0], sizes = [128, 96], strides = [1, 1]} : vector<1024x96xf32> to vector<128x96xf32>
    %dot_general3A_618 = arith.constant dense<0.000000e+00> : vector<128x1024xf32>
    %dot_general3A_619 = tpu.matmul %slice3A_617, %mul3A_574, %dot_general3A_618 {dimension_numbers = #tpu.dot_dimension_numbers<[1], [1], [0], [0], [0, 0, 1, 0], [], []>, transpose_lhs_hint = false} : vector<128x96xf32>, vector<1024x96xf32>, vector<128x1024xf32> -> vector<128x1024xf32>
    %gt3A_620 = arith.cmpf ogt, %dot_general3A_619, %max3A_613 : vector<128x1024xf32>
    %max3A_621 = arith.maximumf %max3A_613, %dot_general3A_619 : vector<128x1024xf32>
    %jit3A_622 = arith.constant 5.000000e+00 : f32
    %broadcast_in_dim3A_623 = vector.broadcast %jit3A_622 : f32 to vector<128x1024xf32>
    %select_n3A_624 = arith.select %gt3A_620, %broadcast_in_dim3A_623, %select_n3A_616 : vector<128x1024xi1>, vector<128x1024xf32>
    %slice3A_625 = vector.extract_strided_slice %get3A_579 {offsets = [768, 0], sizes = [128, 96], strides = [1, 1]} : vector<1024x96xf32> to vector<128x96xf32>
    %dot_general3A_626 = arith.constant dense<0.000000e+00> : vector<128x1024xf32>
    %dot_general3A_627 = tpu.matmul %slice3A_625, %mul3A_574, %dot_general3A_626 {dimension_numbers = #tpu.dot_dimension_numbers<[1], [1], [0], [0], [0, 0, 1, 0], [], []>, transpose_lhs_hint = false} : vector<128x96xf32>, vector<1024x96xf32>, vector<128x1024xf32> -> vector<128x1024xf32>
    %gt3A_628 = arith.cmpf ogt, %dot_general3A_627, %max3A_621 : vector<128x1024xf32>
    %max3A_629 = arith.maximumf %max3A_621, %dot_general3A_627 : vector<128x1024xf32>
    %jit3A_630 = arith.constant 6.000000e+00 : f32
    %broadcast_in_dim3A_631 = vector.broadcast %jit3A_630 : f32 to vector<128x1024xf32>
    %select_n3A_632 = arith.select %gt3A_628, %broadcast_in_dim3A_631, %select_n3A_624 : vector<128x1024xi1>, vector<128x1024xf32>
    %slice3A_633 = vector.extract_strided_slice %get3A_579 {offsets = [896, 0], sizes = [128, 96], strides = [1, 1]} : vector<1024x96xf32> to vector<128x96xf32>
    %dot_general3A_634 = arith.constant dense<0.000000e+00> : vector<128x1024xf32>
    %dot_general3A_635 = tpu.matmul %slice3A_633, %mul3A_574, %dot_general3A_634 {dimension_numbers = #tpu.dot_dimension_numbers<[1], [1], [0], [0], [0, 0, 1, 0], [], []>, transpose_lhs_hint = false} : vector<128x96xf32>, vector<1024x96xf32>, vector<128x1024xf32> -> vector<128x1024xf32>
    %gt3A_636 = arith.cmpf ogt, %dot_general3A_635, %max3A_629 : vector<128x1024xf32>
    %max3A_637 = arith.maximumf %max3A_629, %dot_general3A_635 : vector<128x1024xf32>
    %jit3A_638 = arith.constant 7.000000e+00 : f32
    %broadcast_in_dim3A_639 = vector.broadcast %jit3A_638 : f32 to vector<128x1024xf32>
    %select_n3A_640 = arith.select %gt3A_636, %broadcast_in_dim3A_639, %select_n3A_632 : vector<128x1024xi1>, vector<128x1024xf32>
    %reduce_max3A_641 = arith.constant dense<0xFF800000> : vector<1024xf32>
    %reduce_max3A_642 = vector.multi_reduction <maximumf>, %max3A_637, %reduce_max3A_641 [0] : vector<128x1024xf32> to vector<1024xf32>
    %broadcast_in_dim3A_643 = vector.shape_cast %reduce_max3A_642 : vector<1024xf32> to vector<1x1024xf32>
    %mul3A_644 = arith.constant 1.280000e+02 : f32
    %mul3A_645 = vector.broadcast %mul3A_644 : f32 to vector<128x1024xf32>
    %mul3A_646 = arith.mulf %select_n3A_640, %mul3A_645 : vector<128x1024xf32>
    %add3A_647 = arith.addf %mul3A_646, %convert_element_type3A : vector<128x1024xf32>
    %eq3A_648 = vector.broadcast %broadcast_in_dim3A_643 : vector<1x1024xf32> to vector<128x1024xf32>
    %eq3A_649 = arith.cmpf oeq, %max3A_637, %eq3A_648 : vector<128x1024xf32>
    %jit3A_650 = arith.constant 1.024000e+03 : f32
    %broadcast_in_dim3A_651 = vector.broadcast %jit3A_650 : f32 to vector<128x1024xf32>
    %select_n3A_652 = arith.select %eq3A_649, %add3A_647, %broadcast_in_dim3A_651 : vector<128x1024xi1>, vector<128x1024xf32>
    %reduce_min3A_653 = arith.constant dense<0x7F800000> : vector<1024xf32>
    %reduce_min3A_654 = vector.multi_reduction <minimumf>, %select_n3A_652, %reduce_min3A_653 [0] : vector<128x1024xf32> to vector<1024xf32>
    %convert_element_type3A_655 = arith.fptosi %reduce_min3A_654 : vector<1024xf32> to vector<1024xi32>
    %swap3A_656 = arith.constant 0 : index
    %swap3A_657 = arith.constant 6 : index
    %swap3A_658 = arith.constant 0 : index
    %swap3A_659 = vector.load %arg5[%swap3A_656, %swap3A_657, %swap3A_658] : memref<1x8x1024xi32, #tpu.memory_space<vmem>>, vector<1x1x1024xi32>
    %swap3A_660 = vector.shape_cast %swap3A_659 : vector<1x1x1024xi32> to vector<1024xi32>
    %swap3A_661 = vector.shape_cast %convert_element_type3A_655 : vector<1024xi32> to vector<1x1x1024xi32>
    tpu.vector_store %arg5[%swap3A_656, %swap3A_657, %swap3A_658], %swap3A_661 {strides = array<i32>} : memref<1x8x1024xi32, #tpu.memory_space<vmem>>, vector<1x1x1024xi32>,
    %get3A_662 = arith.constant 0 : index
    %get3A_663 = arith.constant 0 : index
    %get3A_664 = arith.constant 0 : index
    %get3A_665 = vector.load %arg1[%get3A_662, %get3A_663, %get3A_664] : memref<1x1024x768xf32, #tpu.memory_space<vmem>>, vector<1x1024x768xf32>
    %get3A_666 = vector.shape_cast %get3A_665 : vector<1x1024x768xf32> to vector<1024x768xf32>
    %slice3A_667 = vector.extract_strided_slice %get3A_666 {offsets = [0, 672], sizes = [1024, 96], strides = [1, 1]} : vector<1024x768xf32> to vector<1024x96xf32>
    %mul3A_668 = arith.constant 0.102062076 : f32
    %mul3A_669 = vector.broadcast %mul3A_668 : f32 to vector<1024x96xf32>
    %mul3A_670 = arith.mulf %slice3A_667, %mul3A_669 : vector<1024x96xf32>
    %get3A_671 = arith.constant 7 : index
    %get3A_672 = arith.constant 0 : index
    %get3A_673 = arith.constant 0 : index
    %get3A_674 = vector.load %arg6[%get3A_671, %get3A_672, %get3A_673] : memref<8x1024x96xf32, #tpu.memory_space<vmem>>, vector<1x1024x96xf32>
    %get3A_675 = vector.shape_cast %get3A_674 : vector<1x1024x96xf32> to vector<1024x96xf32>
    %slice3A_676 = vector.extract_strided_slice %get3A_675 {offsets = [0, 0], sizes = [128, 96], strides = [1, 1]} : vector<1024x96xf32> to vector<128x96xf32>
    %dot_general3A_677 = arith.constant dense<0.000000e+00> : vector<128x1024xf32>
    %dot_general3A_678 = tpu.matmul %slice3A_676, %mul3A_670, %dot_general3A_677 {dimension_numbers = #tpu.dot_dimension_numbers<[1], [1], [0], [0], [0, 0, 1, 0], [], []>, transpose_lhs_hint = false} : vector<128x96xf32>, vector<1024x96xf32>, vector<128x1024xf32> -> vector<128x1024xf32>
    %broadcast_in_dim3A_679 = arith.constant 0.000000e+00 : f32
    %broadcast_in_dim3A_680 = vector.broadcast %broadcast_in_dim3A_679 : f32 to vector<128x1024xf32>
    %slice3A_681 = vector.extract_strided_slice %get3A_675 {offsets = [128, 0], sizes = [128, 96], strides = [1, 1]} : vector<1024x96xf32> to vector<128x96xf32>
    %dot_general3A_682 = arith.constant dense<0.000000e+00> : vector<128x1024xf32>
    %dot_general3A_683 = tpu.matmul %slice3A_681, %mul3A_670, %dot_general3A_682 {dimension_numbers = #tpu.dot_dimension_numbers<[1], [1], [0], [0], [0, 0, 1, 0], [], []>, transpose_lhs_hint = false} : vector<128x96xf32>, vector<1024x96xf32>, vector<128x1024xf32> -> vector<128x1024xf32>
    %gt3A_684 = arith.cmpf ogt, %dot_general3A_683, %dot_general3A_678 : vector<128x1024xf32>
    %max3A_685 = arith.maximumf %dot_general3A_678, %dot_general3A_683 : vector<128x1024xf32>
    %jit3A_686 = arith.constant 1.000000e+00 : f32
    %broadcast_in_dim3A_687 = vector.broadcast %jit3A_686 : f32 to vector<128x1024xf32>
    %select_n3A_688 = arith.select %gt3A_684, %broadcast_in_dim3A_687, %broadcast_in_dim3A_680 : vector<128x1024xi1>, vector<128x1024xf32>
    %slice3A_689 = vector.extract_strided_slice %get3A_675 {offsets = [256, 0], sizes = [128, 96], strides = [1, 1]} : vector<1024x96xf32> to vector<128x96xf32>
    %dot_general3A_690 = arith.constant dense<0.000000e+00> : vector<128x1024xf32>
    %dot_general3A_691 = tpu.matmul %slice3A_689, %mul3A_670, %dot_general3A_690 {dimension_numbers = #tpu.dot_dimension_numbers<[1], [1], [0], [0], [0, 0, 1, 0], [], []>, transpose_lhs_hint = false} : vector<128x96xf32>, vector<1024x96xf32>, vector<128x1024xf32> -> vector<128x1024xf32>
    %gt3A_692 = arith.cmpf ogt, %dot_general3A_691, %max3A_685 : vector<128x1024xf32>
    %max3A_693 = arith.maximumf %max3A_685, %dot_general3A_691 : vector<128x1024xf32>
    %jit3A_694 = arith.constant 2.000000e+00 : f32
    %broadcast_in_dim3A_695 = vector.broadcast %jit3A_694 : f32 to vector<128x1024xf32>
    %select_n3A_696 = arith.select %gt3A_692, %broadcast_in_dim3A_695, %select_n3A_688 : vector<128x1024xi1>, vector<128x1024xf32>
    %slice3A_697 = vector.extract_strided_slice %get3A_675 {offsets = [384, 0], sizes = [128, 96], strides = [1, 1]} : vector<1024x96xf32> to vector<128x96xf32>
    %dot_general3A_698 = arith.constant dense<0.000000e+00> : vector<128x1024xf32>
    %dot_general3A_699 = tpu.matmul %slice3A_697, %mul3A_670, %dot_general3A_698 {dimension_numbers = #tpu.dot_dimension_numbers<[1], [1], [0], [0], [0, 0, 1, 0], [], []>, transpose_lhs_hint = false} : vector<128x96xf32>, vector<1024x96xf32>, vector<128x1024xf32> -> vector<128x1024xf32>
    %gt3A_700 = arith.cmpf ogt, %dot_general3A_699, %max3A_693 : vector<128x1024xf32>
    %max3A_701 = arith.maximumf %max3A_693, %dot_general3A_699 : vector<128x1024xf32>
    %jit3A_702 = arith.constant 3.000000e+00 : f32
    %broadcast_in_dim3A_703 = vector.broadcast %jit3A_702 : f32 to vector<128x1024xf32>
    %select_n3A_704 = arith.select %gt3A_700, %broadcast_in_dim3A_703, %select_n3A_696 : vector<128x1024xi1>, vector<128x1024xf32>
    %slice3A_705 = vector.extract_strided_slice %get3A_675 {offsets = [512, 0], sizes = [128, 96], strides = [1, 1]} : vector<1024x96xf32> to vector<128x96xf32>
    %dot_general3A_706 = arith.constant dense<0.000000e+00> : vector<128x1024xf32>
    %dot_general3A_707 = tpu.matmul %slice3A_705, %mul3A_670, %dot_general3A_706 {dimension_numbers = #tpu.dot_dimension_numbers<[1], [1], [0], [0], [0, 0, 1, 0], [], []>, transpose_lhs_hint = false} : vector<128x96xf32>, vector<1024x96xf32>, vector<128x1024xf32> -> vector<128x1024xf32>
    %gt3A_708 = arith.cmpf ogt, %dot_general3A_707, %max3A_701 : vector<128x1024xf32>
    %max3A_709 = arith.maximumf %max3A_701, %dot_general3A_707 : vector<128x1024xf32>
    %jit3A_710 = arith.constant 4.000000e+00 : f32
    %broadcast_in_dim3A_711 = vector.broadcast %jit3A_710 : f32 to vector<128x1024xf32>
    %select_n3A_712 = arith.select %gt3A_708, %broadcast_in_dim3A_711, %select_n3A_704 : vector<128x1024xi1>, vector<128x1024xf32>
    %slice3A_713 = vector.extract_strided_slice %get3A_675 {offsets = [640, 0], sizes = [128, 96], strides = [1, 1]} : vector<1024x96xf32> to vector<128x96xf32>
    %dot_general3A_714 = arith.constant dense<0.000000e+00> : vector<128x1024xf32>
    %dot_general3A_715 = tpu.matmul %slice3A_713, %mul3A_670, %dot_general3A_714 {dimension_numbers = #tpu.dot_dimension_numbers<[1], [1], [0], [0], [0, 0, 1, 0], [], []>, transpose_lhs_hint = false} : vector<128x96xf32>, vector<1024x96xf32>, vector<128x1024xf32> -> vector<128x1024xf32>
    %gt3A_716 = arith.cmpf ogt, %dot_general3A_715, %max3A_709 : vector<128x1024xf32>
    %max3A_717 = arith.maximumf %max3A_709, %dot_general3A_715 : vector<128x1024xf32>
    %jit3A_718 = arith.constant 5.000000e+00 : f32
    %broadcast_in_dim3A_719 = vector.broadcast %jit3A_718 : f32 to vector<128x1024xf32>
    %select_n3A_720 = arith.select %gt3A_716, %broadcast_in_dim3A_719, %select_n3A_712 : vector<128x1024xi1>, vector<128x1024xf32>
    %slice3A_721 = vector.extract_strided_slice %get3A_675 {offsets = [768, 0], sizes = [128, 96], strides = [1, 1]} : vector<1024x96xf32> to vector<128x96xf32>
    %dot_general3A_722 = arith.constant dense<0.000000e+00> : vector<128x1024xf32>
    %dot_general3A_723 = tpu.matmul %slice3A_721, %mul3A_670, %dot_general3A_722 {dimension_numbers = #tpu.dot_dimension_numbers<[1], [1], [0], [0], [0, 0, 1, 0], [], []>, transpose_lhs_hint = false} : vector<128x96xf32>, vector<1024x96xf32>, vector<128x1024xf32> -> vector<128x1024xf32>
    %gt3A_724 = arith.cmpf ogt, %dot_general3A_723, %max3A_717 : vector<128x1024xf32>
    %max3A_725 = arith.maximumf %max3A_717, %dot_general3A_723 : vector<128x1024xf32>
    %jit3A_726 = arith.constant 6.000000e+00 : f32
    %broadcast_in_dim3A_727 = vector.broadcast %jit3A_726 : f32 to vector<128x1024xf32>
    %select_n3A_728 = arith.select %gt3A_724, %broadcast_in_dim3A_727, %select_n3A_720 : vector<128x1024xi1>, vector<128x1024xf32>
    %slice3A_729 = vector.extract_strided_slice %get3A_675 {offsets = [896, 0], sizes = [128, 96], strides = [1, 1]} : vector<1024x96xf32> to vector<128x96xf32>
    %dot_general3A_730 = arith.constant dense<0.000000e+00> : vector<128x1024xf32>
    %dot_general3A_731 = tpu.matmul %slice3A_729, %mul3A_670, %dot_general3A_730 {dimension_numbers = #tpu.dot_dimension_numbers<[1], [1], [0], [0], [0, 0, 1, 0], [], []>, transpose_lhs_hint = false} : vector<128x96xf32>, vector<1024x96xf32>, vector<128x1024xf32> -> vector<128x1024xf32>
    %gt3A_732 = arith.cmpf ogt, %dot_general3A_731, %max3A_725 : vector<128x1024xf32>
    %max3A_733 = arith.maximumf %max3A_725, %dot_general3A_731 : vector<128x1024xf32>
    %jit3A_734 = arith.constant 7.000000e+00 : f32
    %broadcast_in_dim3A_735 = vector.broadcast %jit3A_734 : f32 to vector<128x1024xf32>
    %select_n3A_736 = arith.select %gt3A_732, %broadcast_in_dim3A_735, %select_n3A_728 : vector<128x1024xi1>, vector<128x1024xf32>
    %reduce_max3A_737 = arith.constant dense<0xFF800000> : vector<1024xf32>
    %reduce_max3A_738 = vector.multi_reduction <maximumf>, %max3A_733, %reduce_max3A_737 [0] : vector<128x1024xf32> to vector<1024xf32>
    %broadcast_in_dim3A_739 = vector.shape_cast %reduce_max3A_738 : vector<1024xf32> to vector<1x1024xf32>
    %mul3A_740 = arith.constant 1.280000e+02 : f32
    %mul3A_741 = vector.broadcast %mul3A_740 : f32 to vector<128x1024xf32>
    %mul3A_742 = arith.mulf %select_n3A_736, %mul3A_741 : vector<128x1024xf32>
    %add3A_743 = arith.addf %mul3A_742, %convert_element_type3A : vector<128x1024xf32>
    %eq3A_744 = vector.broadcast %broadcast_in_dim3A_739 : vector<1x1024xf32> to vector<128x1024xf32>
    %eq3A_745 = arith.cmpf oeq, %max3A_733, %eq3A_744 : vector<128x1024xf32>
    %jit3A_746 = arith.constant 1.024000e+03 : f32
    %broadcast_in_dim3A_747 = vector.broadcast %jit3A_746 : f32 to vector<128x1024xf32>
    %select_n3A_748 = arith.select %eq3A_745, %add3A_743, %broadcast_in_dim3A_747 : vector<128x1024xi1>, vector<128x1024xf32>
    %reduce_min3A_749 = arith.constant dense<0x7F800000> : vector<1024xf32>
    %reduce_min3A_750 = vector.multi_reduction <minimumf>, %select_n3A_748, %reduce_min3A_749 [0] : vector<128x1024xf32> to vector<1024xf32>
    %convert_element_type3A_751 = arith.fptosi %reduce_min3A_750 : vector<1024xf32> to vector<1024xi32>
    %swap3A_752 = arith.constant 0 : index
    %swap3A_753 = arith.constant 7 : index
    %swap3A_754 = arith.constant 0 : index
    %swap3A_755 = vector.load %arg5[%swap3A_752, %swap3A_753, %swap3A_754] : memref<1x8x1024xi32, #tpu.memory_space<vmem>>, vector<1x1x1024xi32>
    %swap3A_756 = vector.shape_cast %swap3A_755 : vector<1x1x1024xi32> to vector<1024xi32>
    %swap3A_757 = vector.shape_cast %convert_element_type3A_751 : vector<1024xi32> to vector<1x1x1024xi32>
    tpu.vector_store %arg5[%swap3A_752, %swap3A_753, %swap3A_754], %swap3A_757 {strides = array<i32>} : memref<1x8x1024xi32, #tpu.memory_space<vmem>>, vector<1x1x1024xi32>,
    return
  }
  func.func @transform_0(%arg0: i32) -> (i32, i32, i32) {
    %c0_i32 = arith.constant 0 : i32
    %c0_i32_0 = arith.constant 0 : i32
    %c0_i32_1 = arith.constant 0 : i32
    return %arg0, %c0_i32, %c0_i32_0 : i32, i32, i32
  }
  func.func @transform_1(%arg0: i32) -> (i32, i32, i32) {
    %c0_i32 = arith.constant 0 : i32
    %c0_i32_0 = arith.constant 0 : i32
    %c0_i32_1 = arith.constant 0 : i32
    %c0_i32_2 = arith.constant 0 : i32
    return %c0_i32, %c0_i32_0, %c0_i32_1 : i32, i32, i32
  }
  func.func @transform_2(%arg0: i32) -> (i32, i32, i32) {
    %c0_i32 = arith.constant 0 : i32
    %c0_i32_0 = arith.constant 0 : i32
    %c0_i32_1 = arith.constant 0 : i32
    %c0_i32_2 = arith.constant 0 : i32
    return %c0_i32, %c0_i32_0, %c0_i32_1 : i32, i32, i32
  }
  func.func @transform_3(%arg0: i32) -> (i32, i32, i32) {
    %c0_i32 = arith.constant 0 : i32
    %c0_i32_0 = arith.constant 0 : i32
    %c0_i32_1 = arith.constant 0 : i32
    %c0_i32_2 = arith.constant 0 : i32
    return %c0_i32, %c0_i32_0, %c0_i32_1 : i32, i32, i32
  }
  func.func @transform_4(%arg0: i32) -> (i32, i32, i32) {
    %c0_i32 = arith.constant 0 : i32
    %c0_i32_0 = arith.constant 0 : i32
    %c0_i32_1 = arith.constant 0 : i32
    return %arg0, %c0_i32, %c0_i32_0 : i32, i32, i32
  }
  func.func @transform_5(%arg0: i32) -> (i32, i32, i32) {
    %c0_i32 = arith.constant 0 : i32
    %c0_i32_0 = arith.constant 0 : i32
    %c0_i32_1 = arith.constant 0 : i32
    %c0_i32_2 = arith.constant 0 : i32
    return %c0_i32, %c0_i32_0, %c0_i32_1 : i32, i32, i32
  }
  func.func @transform_6(%arg0: i32) -> (i32, i32, i32) {
    %c0_i32 = arith.constant 0 : i32
    %c0_i32_0 = arith.constant 0 : i32
    %c0_i32_1 = arith.constant 0 : i32
    %c0_i32_2 = arith.constant 0 : i32
    return %c0_i32, %c0_i32_0, %c0_i32_1 : i32, i32, i32
  }
}

</mosaic_0001>

<sc_bundles>
// kernel: kernel.4.cloned.1.call-start
scs
__scs_entry_jumppad:
0x0: {  	(pc) =	sbr.rel $0x88, $3  }
0x1: {  	(tag) =	ssettag $0x0;
	lr =	simm.s32 $0x1  }
0x2: {  	[smem:$0x3F9D] =	sst lr;
	_ =	strace $0xD0000000  }
0x3: {  	_ = 	snop  }
0x4: {  	_ = 	snop  }
0x5: {  	_ = 	snop  }
0x6: {  	_ = 	snop  }
0x7: {  	_ = 	snop  }
__scs_overlays_trampoline_lowered:
0x8: {  	[smem:$0x3FAC] =	sst s0  }
0x9: {  	[smem:$0x3FAD] =	sst s1  }
0xa: {  	[smem:$0x3FAE] =	sst s2  }
0xb: {  	[smem:$0x3FAF] =	sst s3  }
0xc: {  	[smem:$0x3FB0] =	sst s4  }
0xd: {  	[smem:$0x3FB1] =	sst s5  }
0xe: {  	[smem:$0x3FB2] =	sst s6  }
0xf: {  	[smem:$0x3FB3] =	sst s7  }
0x10: {  	[smem:$0x3FB4] =	sst s8  }
0x11: {  	[smem:$0x3FB5] =	sst s9;
	s0 =	simm.s32 @!p0 $0x0  }
0x12: {  	s1 =	sld [smem:$0x3F9B];
	s0 =	simm.s32 @p0 $0x1  }
0x13: {  	[smem:$0x3FB6] =	sst s0;
	s0 =	simm.s32 @!p1 $0x0  }
0x14: {  	s2 =	sld [smem:$0x3F9A];
	s0 =	simm.s32 @p1 $0x1  }
0x15: {  	[smem:$0x3FB7] =	sst s0;
	s0 =	simm.s32 @!p2 $0x0  }
0x16: {  	s3 =	sld [smem:$0x3FDB];
	s0 =	simm.s32 @p2 $0x1  }
0x17: {  	s4 =	simm.s32 $0x1BF5;
	[smem:$0x3FB9] =	sst s0  }
0x18: {  	s0 =	sld [smem:$0x3F9C];
	_ =	swait.ge [sflag:s4], $0x0  }
0x19: {  	s7 =	sld [smem:$0x3F9D]  }
0x1a: {  	s8 =	sadd.s32 $0xFFFFE003, lr  }
0x1b: {  	s9 =	sadd.s32 $0xFFFFFEF7, lr;
	s5 =	simm.s32 $0xFFFFFFFF;
	p2 =	slt.u32 s8, $0xFFFFF086  }
0x1c: {  	p1 =	slt.u32 s9, $0xF7A;
	s5 =	simm.s32 @!p2 $0x0  }
0x1d: {  	s5 =	simm.s32 @p1 $0x1;
	p0 =	seq.s32 s7, s2  }
0x1e: {  	s7 =	smul.u32 @!p0 $0xF7A, s2;
	p2 =	seq.s32 @!p0 s5, $0x0  }
0x1f: {  	s9 =	smul.u32 $0xF7A, s1;
	s8 =	simm.s32 @!p0 $0x1BF5;
	p2 =	por !p2, p0  }
0x20: {  	[sflag:s8] =	ssyncset.s32 @!p0 $0xFFFFF086;
	s6 =	sadd.s32 @!p0 s3, s7;
	s7 =	simm.s32 @!p0 $0x108  }
0x21: {  	s3 =	sadd.s32 s3, s9;
	s6 =	sadd.s32 @!p0 $0x88, s6;
	s7 =	simm.s32 @p2 $0x1082  }
0x22: {  	[simem:s7], [sflag:s8] =	dma.local @!p0 [hbm:s6], $0xF7A  }
0x23: {  	s9 =	sor.u32 $0xD0000000, s2;
	s6 =	simm.s32 $0x108;
	_ =	swait.ge @!p0 [sflag:s8], $0x0  }
0x24: {  	s3 =	sadd.s32 $0x88, s3;
	s6 =	simm.s32 @!p1 $0x1082;
	[sflag:s4] =	ssyncset.s32 $0xFFFFF086  }
0x25: {  	[simem:s6], [sflag:s4] =	dma.local [hbm:s3], $0xF7A  }
0x26: {  	[smem:$0x3F9D] =	sst s1;
	(tag) =	ssettag s2;
	_ =	strace s9  }
0x27: {  	s1 =	sld [smem:$0x3FAD]  }
0x28: {  	s2 =	sld [smem:$0x3FAE]  }
0x29: {  	s4 =	sld [smem:$0x3FB0]  }
0x2a: {  	p0 =	seq.s32 s5, $0x0;
	s5 =	sld [smem:$0x3FB1]  }
0x2b: {  	s6 =	sld [smem:$0x3FB2]  }
0x2c: {  	s7 =	sld [smem:$0x3FB3]  }
0x2d: {  	s3 =	simm.s32 $0x108;
	s8 =	sld [smem:$0x3FB4]  }
0x2e: {  	s3 =	simm.s32 @!p0 $0x1082;
	s9 =	sld [smem:$0x3FB5]  }
0x2f: {  	lr =	sadd.s32 s0, s3;
	s0 =	sld [smem:$0x3FAC]  }
0x30: {  	s3 =	sld [smem:$0x3FAF]  }
0x31: {  	[smem:$0x3FB8] =	sst s10  }
0x32: {  	s10 =	sld [smem:$0x3FB6];
	_ =	sdelay $0x3  }
0x33: {  	p0 =	seq.s32 s10, $0x1;
	s10 =	sld [smem:$0x3FB8];
	_ =	sdelay $0x3  }
0x34: {  	[smem:$0x3FB8] =	sst s10  }
0x35: {  	s10 =	sld [smem:$0x3FB7];
	_ =	sdelay $0x3  }
0x36: {  	p1 =	seq.s32 s10, $0x1;
	s10 =	sld [smem:$0x3FB8];
	_ =	sdelay $0x3  }
0x37: {  	[smem:$0x3FB8] =	sst s10  }
0x38: {  	s10 =	sld [smem:$0x3FB9]  }
0x39: {  	_ = 	snop;
	(pc) =	sbr.ind lr, $3  }
0x3a: {  	_ = 	snop  }
0x3b: {  	_ = 	snop  }
0x3c: {  	p2 =	seq.s32 s10, $0x1;
	s10 =	sld [smem:$0x3FB8]  }
0x3d: {  	_ =	shalt  }
0x3e: {  	_ =	shalt  }
0x3f: {  	_ =	shalt  }
0x40: {  	_ =	shalt  }
0x41: {  	_ =	shalt  }
0x42: {  	_ =	shalt  }
0x43: {  	_ =	shalt  }
0x44: {  	_ =	shalt  }
0x45: {  	_ =	shalt  }
0x46: {  	_ =	shalt  }
0x47: {  	_ =	shalt  }
0x48: {  	_ =	shalt  }
0x49: {  	_ =	shalt  }
0x4a: {  	_ =	shalt  }
0x4b: {  	_ =	shalt  }
0x4c: {  	_ =	shalt  }
0x4d: {  	_ =	shalt  }
0x4e: {  	_ =	shalt  }
0x4f: {  	_ =	shalt  }
0x50: {  	_ =	shalt  }
0x51: {  	_ =	shalt  }
0x52: {  	_ =	shalt  }
0x53: {  	_ =	shalt  }
0x54: {  	_ =	shalt  }
0x55: {  	_ =	shalt  }
0x56: {  	_ =	shalt  }
0x57: {  	_ =	shalt  }
0x58: {  	_ =	shalt  }
0x59: {  	_ =	shalt  }
0x5a: {  	_ =	shalt  }
0x5b: {  	_ =	shalt  }
0x5c: {  	_ =	shalt  }
0x5d: {  	_ =	shalt  }
0x5e: {  	_ =	shalt  }
0x5f: {  	_ =	shalt  }
0x60: {  	_ =	shalt  }
0x61: {  	_ =	shalt  }
0x62: {  	_ =	shalt  }
0x63: {  	_ =	shalt  }
0x64: {  	_ =	shalt  }
0x65: {  	_ =	shalt  }
0x66: {  	_ =	shalt  }
0x67: {  	_ =	shalt  }
0x68: {  	_ =	shalt  }
0x69: {  	_ =	shalt  }
0x6a: {  	_ =	shalt  }
0x6b: {  	_ =	shalt  }
0x6c: {  	_ =	shalt  }
0x6d: {  	_ =	shalt  }
0x6e: {  	_ =	shalt  }
0x6f: {  	_ =	shalt  }
0x70: {  	_ =	shalt  }
0x71: {  	_ =	shalt  }
0x72: {  	_ =	shalt  }
0x73: {  	_ =	shalt  }
0x74: {  	_ =	shalt  }
0x75: {  	_ =	shalt  }
0x76: {  	_ =	shalt  }
0x77: {  	_ =	shalt  }
0x78: {  	_ =	shalt  }
0x79: {  	_ =	shalt  }
0x7a: {  	_ =	shalt  }
0x7b: {  	_ =	shalt  }
0x7c: {  	_ =	shalt  }
0x7d: {  	_ =	shalt  }
0x7e: {  	_ =	shalt  }
0x7f: {  	_ =	shalt  }
0x80: {  	_ =	shalt  }
0x81: {  	_ =	shalt  }
0x82: {  	_ =	shalt  }
0x83: {  	_ =	shalt  }
0x84: {  	_ =	shalt  }
0x85: {  	_ =	shalt  }
0x86: {  	_ =	shalt  }
0x87: {  	_ =	shalt  }
.Lfunc_end0:
.L_simem_size_0:
called_computation_lowered:
.L_overlay_start_0:
0x88: {  	s2 =	sld [smem:$0x3FD9]  }
0x89: {  	s3 =	sld [smem:$0x3FFE];
	_ =	sdelay $0x1  }
0x8a: {  	s1 =	srdreg.scid  }
0x8b: {  	s0 =	sand.u32 $0x1, s1  }
0x8c: {  	s14 =	sshll.u32 s0, $0xA;
	s2 =	sadd.s32 s3, s2  }
0x8d: {  	s2 =	sadd.s32 s2, s14  }
0x8e: {  	[smem:$0x3FC4] =	sst s2  }
0x8f: {  	_ = 	snop  }
0x90: {  	s2 =	sld [smem:$0x3FD0];
	_ =	sdelay $0x2  }
0x91: {  	s15 =	simm.s32 $0xA;
	s4 =	simm.s32 $0x10  }
0x92: {  	[smem:s4], [sflag:s15] =	dma.local [hbm:s2], $0x1  }
0x93: {  	_ =	swait.eq [sflag:s15], $0x1  }
0x94: {  	[sflag:s15] =	ssyncset.done $0x0  }
0x95: {  	[sflag:s15] =	ssyncadd.s32 $0xFFFFFFFF  }
0x96: {  	s16 =	sld [smem:$0x10];
	(tm) =	ssettm $0x1  }
0x97: {  	s17 =	sld [smem:$0x3FFB];
	_ =	sdelay $0x3  }
0x98: {  	_ =	strace s17  }
0x99: {  	s3 =	sld [smem:$0x3FFC];
	_ =	sdelay $0x3  }
0x9a: {  	_ =	strace s3  }
0x9b: {  	s3 =	sld [smem:$0x3FFD];
	_ =	sdelay $0x3  }
0x9c: {  	_ =	strace s3  }
0x9d: {  	_ =	strace $0x8FFFFFFF  }
0x9e: {  	s18 =	sld [smem:$0x3FDB];
	_ =	sdelay $0x1  }
0x9f: {  	s19 =	simm.s32 $_scs_section_size  }
0xa0: {  	s5 =	simm.s32 $_size__tile_overlayer_lowered;
	s6 =	simm.s32 $_tile_overlayer_lowered  }
0xa1: {  	s22 =	simm.s32 $0x1BFF;
	s21 =	sshll.u32 s6, $0x1;
	s3 =	sadd.s32 s19, s18  }
0xa2: {  	s7 =	simm.s32 $0x0;
	s20 =	sshll.u32 s5, $0x1;
	s5 =	sadd.s32 s21, s3  }
0xa3: {  	[timem:s7], [sflag:s22] =	dma.local [hbm:s5], s20  }
0xa4: {  	_ =	swait.ge [sflag:s22], s20  }
0xa5: {  	s4 =	ssub.s32 $0x0, s20;
	[sflag:s22] =	ssyncset.done $0x0  }
0xa6: {  	[sflag:s22] =	ssyncadd.s32 s4;
	_ =	sdelay $0x1  }
0xa7: {  	s23 =	simm.s32 $0x1B8B  }
0xa8: {  	_ =	swait.ge [sflag:s23], $0x1  }
0xa9: {  	[sflag:s23] =	ssyncset.done $0x0  }
0xaa: {  	s25 =	simm.s32 $0x1B8E;
	s24 =	sld [smem:$0x3FFE];
	[sflag:s23] =	ssyncadd.s32 $0xFFFFFFFF  }
0xab: {  	s26 =	simm.s32 $execute0_lowered;
	[smem:$0x3FD2] =	sst s25  }
0xac: {  	s5 =	sshll.u32 s26, $0x1;
	_ =	strace $0x80000046;
	[dreg:$0x1] =	wrdreg $0xFFFFFFFF  }
0xad: {  	s28 =	simm.s32 $_size_execute0_lowered;
	s3 =	sadd.s32 s3, s5;
	[dreg:$0x0] =	wrdreg $0x0  }
0xae: {  	s5 =	sshll.u32 s28, $0x1;
	[dreg:$0x2] =	wrdreg s3  }
0xaf: {  	[dreg:$0x3] =	wrdreg s5  }
0xb0: {  	[dreg:$0x4] =	wrdreg $0xC0  }
0xb1: {  	_ =	task [dreg:s7], $0x5FFFF  }
0xb2: {  	[dreg:$0x1] =	wrdreg $0xFFFFFFFF  }
0xb3: {  	[dreg:$0x0] =	wrdreg $0x60  }
0xb4: {  	[dreg:$0x2] =	wrdreg s16  }
0xb5: {  	[dreg:$0x3] =	wrdreg s24  }
0xb6: {  	[dreg:$0x4] =	wrdreg $0x9  }
0xb7: {  	_ =	task.clear_ibuf [dreg:s7], $0x5FFFF;
	_ =	strace $0x90000046  }
0xb8: {  	s29 =	simm.s32 $0x9;
	_ =	strace $0x8000004F  }
0xb9: {  	_ =	swait.ge [sflag:s29], $0x1  }
0xba: {  	[sflag:s29] =	ssyncadd.s32 $0xFFFFFFFF  }
0xbb: {  	_ =	strace $0x9000004F  }
0xbc: {  	_ =	sfence  }
0xbd: {  	s30 =	sld [smem:$0x0];
	_ =	sdelay $0x2  }
0xbe: {  	s31 =	sshll.u32 s1, $0xD;
	s1 =	sshrl.u32 s1, $0x2  }
0xbf: {  	s3 =	sand.u32 $0x4000, s31;
	s1 =	sadd.s32 s1, s30  }
0xc0: {  	s0 =	sor.u32 s3, s0;
	s1 =	sshll.u32 s1, $0x11  }
0xc1: {  	s0 =	sor.u32 s1, s0  }
0xc2: {  	s0 =	sadd.s32 $0x8F2B, s0  }
0xc3: {  	[sflag:s0] =	ssyncadd.remote.s32 $0x1  }
0xc4: {  	_ =	sfence.sel $0xFFFF  }
0xc5: {  	[dreg:$0x0] =	wrdreg $0xFFFFFFFF;
	(pc) =	sbr.abs _section_cstart, $3  }
0xc6: {  	[dreg:$0x1] =	wrdreg $0xFFFFFFFF  }
0xc7: {  	_ =	task.clear_ibuf [dreg:s7], $0x2FFFF;
	_ =	strace $0x9FFFFFFF  }
0xc8: {  	(tm) =	ssettm $0x7FFFFFFF  }
0xc9: {  	_ =	shalt  }
tec
execute0_lowered:
.L_overlay_start_1:
0x0: {  	(tag) =	ssettag $0x1  }
0x1: {  	v0 =	vimm.s32 $0x31211101;
	v1 =	vimm.s32 $0x71615141  }
0x2: {  	v2 =	vimm.s32 $0x30201000;
	v3 =	vimm.s32 $0x70605040;
	vm0 =	vcmask $0x1F10  }
0x3: {  	v4 =	vimm.s32 $0x73635343;
	v5 =	vimm.s32 $0x72625242;
	v6 =	vimm.s32 $0x35251505  }
0x4: {  	v7 =	vimm.s32 $0x75655545;
	v8 =	vimm.s32 $0x34241404;
	v9 =	vimm.s32 $0x74645444  }
0x5: {  	v10 =	vimm.s32 $0x79695949;
	v11 =	vimm.s32 $0x7A6A5A4A;
	v12 =	vimm.s32 $0x3E2E1E0E  }
0x6: {  	v13 =	vimm.s32 $0x7E6E5E4E;
	v0 =	vunpack.c.0.s8.s32 v0;
	v1 =	vunpack.c.0.s8.s32 v1  }
0x7: {  	v2 =	vunpack.c.0.s8.s32 v2;
	v3 =	vunpack.c.0.s8.s32 v3;
	v5 =	vunpack.c.0.s8.s32 v5  }
0x8: {  	v6 =	vunpack.c.0.s8.s32 v6;
	v0 =	vsel vm0, v1, v0;
	v1 =	vimm.s32 $0x33231303  }
0x9: {  	v2 =	vsel vm0, v3, v2;
	v3 =	vunpack.c.0.s8.s32 v4;
	v4 =	vimm.s32 $0x32221202  }
0xa: {  	v7 =	vunpack.c.0.s8.s32 v7;
	v1 =	vunpack.c.0.s8.s32 v1;
	v4 =	vunpack.c.0.s8.s32 v4  }
0xb: {  	v8 =	vunpack.c.0.s8.s32 v8;
	v9 =	vunpack.c.0.s8.s32 v9;
	v10 =	vunpack.c.0.s8.s32 v10  }
0xc: {  	v0 =	vcombine.low v2, v0;
	v1 =	vsel vm0, v3, v1;
	v2 =	vsel vm0, v5, v4  }
0xd: {  	v3 =	vsel vm0, v7, v6;
	v4 =	vsel vm0, v9, v8;
	v5 =	vimm.s32 $0x37271707  }
0xe: {  	v6 =	vimm.s32 $0x77675747;
	v7 =	vimm.s32 $0x36261606;
	v8 =	vimm.s32 $0x76665646  }
0xf: {  	v9 =	vimm.s32 $0x39291909;
	v5 =	vunpack.c.0.s8.s32 v5;
	v6 =	vunpack.c.0.s8.s32 v6  }
0x10: {  	v7 =	vunpack.c.0.s8.s32 v7;
	v8 =	vunpack.c.0.s8.s32 v8;
	v9 =	vunpack.c.0.s8.s32 v9  }
0x11: {  	v12 =	vunpack.c.0.s8.s32 v12;
	v1 =	vcombine.low v2, v1;
	v2 =	vcombine.low v4, v3  }
0x12: {  	v3 =	vsel vm0, v6, v5;
	v4 =	vsel vm0, v8, v7;
	v5 =	vsel vm0, v10, v9  }
0x13: {  	s1 =	srdreg.scid;
	v6 =	vimm.s32 $0x38281808;
	v7 =	vimm.s32 $0x78685848;
	v8 =	vimm.s32 $0x3B2B1B0B  }
0x14: {  	s0 =	stileid.u32;
	s7 =	rddreg [dreg:$0x1];
	s5 =	sand.u32 $0x1, s1;
	v9 =	vimm.s32 $0x7B6B5B4B;
	v6 =	vunpack.c.0.s8.s32 v6;
	v7 =	vunpack.c.0.s8.s32 v7  }
0x15: {  	s3 =	simm.s32 $0x0;
	s2 =	sshll.u32 s0, $0x4;
	s1 =	sshll.u32 s5, $0x8;
	v10 =	vimm.s32 $0x3A2A1A0A;
	v8 =	vunpack.c.0.s8.s32 v8;
	v9 =	vunpack.c.0.s8.s32 v9  }
0x16: {  	s8 =	simm.s32 $0x1;
	s6 =	sand.u32 $0x30, s2;
	s1 =	sor.u32 s2, s1;
	v6 =	vsel vm0, v7, v6;
	v7 =	vunpack.c.0.s8.s32 v10;
	v10 =	vunpack.c.0.s8.s32 v11  }
0x17: {  	s4 =	rddreg [dreg:$0x2];
	p1 =	sne.s32 s6, $0x0;
	p0 =	seq.s32 s1, $0x0;
	v3 =	vcombine.low v4, v3;
	v11 =	vimm.s32 $0x7F6F5F4F;
	v4 =	vcombine.low v6, v5  }
0x18: {  	s11 =	simm.s32 $0x5;
	s12 =	simm.s32 $0x4;
	p0 =	por !p0, !p1;
	v5 =	vsel vm0, v9, v8;
	v8 =	vimm.s32 $0x7D6D5D4D;
	v6 =	vsel vm0, v10, v7  }
0x19: {  	s13 =	simm.s32 $0x0;
	[smem:$0x7FF] =	sst s3;
	p0 =	por !p0, !p0;
	v9 =	vimm.s32 $0x7C6C5C4C;
	v7 =	vimm.s32 $0x3D2D1D0D;
	v5 =	vcombine.low v6, v5  }
0x1a: {  	s30 =	ssub.s32 $0x2, s5;
	s9 =	sshrl.u32 s1, $0x6;
	s8 =	simm.s32 @!p0 $0x0;
	v6 =	vunpack.c.0.s8.s32 v7;
	v7 =	vunpack.c.0.s8.s32 v8;
	v8 =	vimm.s32 $0x3C2C1C0C  }
0x1b: {  	s5 =	sadd.s32 $0xC00, s7;
	s2 =	rddreg [dreg:$0x0];
	s8 =	ssub.s32 s9, s8;
	v10 =	vimm.s32 $0x3F2F1F0F;
	v9 =	vunpack.c.0.s8.s32 v9;
	v8 =	vunpack.c.0.s8.s32 v8  }
0x1c: {  	v13 =	vunpack.c.0.s8.s32 v13;
	_ =	strace $0x80000047;
	s6 =	sshll.u32 s6, $0x4;
	s8 =	sshll.u32 s8, $0xD;
	v11 =	vunpack.c.0.s8.s32 v11;
	v10 =	vunpack.c.0.s8.s32 v10  }
0x1d: {  	s31 =	sshrl.u32 s30, $0x1;
	s9 =	simm.s32 $0x400;
	s6 =	sor.u32 s6, s8;
	v7 =	vsel vm0, v7, v6;
	v6 =	vlaneseq.u32;
	v8 =	vsel vm0, v9, v8  }
0x1e: {  	s8 =	ssub.s32 s30, s31;
	s10 =	sshrl.u32 s6, $0x3;
	s6 =	sadd.s32 $0x2C00, s7;
	v9 =	vsel vm0, v11, v10;
	v10 =	vsel vm0, v13, v12;
	v6 =	vand.u32 $0x7, v6  }
0x1f: {  	s8 =	smax.u32 s8, $0x1;
	s7 =	sadd.s32 s5, s10;
	s10 =	simm.s32 $0x80;
	v6 =	vmul.u32 $0x400, v6;
	v7 =	vcombine.low v8, v7;
	v8 =	vcombine.low v10, v9  }
.LBB2_1:
0x20: {  	_ =	strace $0x80000048;
	s14 =	simm.s32 $0x10  }
0x21: {  	s20 =	simm.s32 $0x0;
	s15 =	simm.s32 $0x0;
	s16 =	simm.s32 $0x0  }
0x22: {  	[tilespmem:s10], [sflag:$0x1] =	stream.strided.gather [hbm4b:s7+s14], $0x80, s9, s14, $0x200038;
	[tilespmem:$0x6180] =	vst v63  }
0x23: {  	s17 =	simm.s32 $0x0;
	s18 =	simm.s32 $0x1;
	_ =	strace $0x90000048  }
.LBB2_2:
0x24: {  	s19 =	sadd.s32 $0x1, s20  }
0x25: {  	p0 =	seq.s32 s19, $0x10  }
0x26: {  	s21 =	sadd.s32 s1, s20;
	s19 =	simm.s32 @p0 $0x0  }
0x27: {  	s23 =	sshra.s32 s21, $0x1F;
	s22 =	sadd.s32 s1, s19  }
0x28: {  	s23 =	sshrl.u32 s23, $0x1A;
	s24 =	sshra.s32 s22, $0x1F  }
0x29: {  	s23 =	sadd.s32 s23, s21;
	s24 =	sshrl.u32 s24, $0x1A  }
0x2a: {  	s25 =	sshra.s32 s23, $0x6;
	s23 =	sand.u32 $0xFFFFFFC0, s23;
	s24 =	sadd.s32 s24, s22  }
0x2b: {  	p5 =	slt.s32 s21, $0x1;
	p1 =	sne.s32 s21, s23;
	s26 =	sand.u32 $0xFFFFFFC0, s24  }
0x2c: {  	p6 =	slt.s32 s22, $0x1;
	p0 =	por !p5, !p1;
	p2 =	sne.s32 s22, s26  }
0x2d: {  	s23 =	simm.s32 $0x1;
	p0 =	por !p0, !p0;
	p1 =	por !p6, !p2  }
0x2e: {  	s23 =	simm.s32 @!p0 $0x0;
	s26 =	simm.s32 $0x1;
	p0 =	por !p1, !p1  }
0x2f: {  	s24 =	sshra.s32 s24, $0x6;
	s22 =	sand.u32 $0x3F, s22;
	s26 =	simm.s32 @!p0 $0x0  }
0x30: {  	s23 =	ssub.s32 s25, s23;
	s25 =	sand.u32 $0x3F, s21;
	s24 =	ssub.s32 s24, s26  }
0x31: {  	p4 =	sne.s32 s14, $0x1;
	p3 =	sne.s32 s25, s22;
	p1 =	sne.s32 s23, s24  }
0x32: {  	p2 =	seq.s32 s20, $0x0;
	s26 =	sadd.s32 $0xFFFFFFFF, s20;
	p0 =	por p3, p1  }
0x33: {  	s26 =	simm.s32 @p2 $0xF;
	p1 =	por !p4, !p0  }
0x34: {  	s26 =	sadd.s32 s1, s26;
	p1 =	por !p1, !p1  }
0x35: {  	s24 =	sshll.u32 @p1 s24, $0xD;
	s22 =	sshll.u32 @p1 s22, $0x4;
	s28 =	sand.u32 @p1 $0x1, s18  }
0x36: {  	_ =	strace @p1 $0x80000049;
	s29 =	simm.s32 @p1 $0x10;
	s22 =	sor.u32 @p1 s22, s24  }
0x37: {  	s30 =	simm.s32 @p1 $0x400;
	s24 =	sshll.u32 @p1 s28, $0x7;
	s22 =	sshrl.u32 @p1 s22, $0x3  }
0x38: {  	s28 =	sadd.s32 @p1 $0x1, s28;
	s24 =	sadd.s32 @p1 $0x80, s24;
	s22 =	sadd.s32 @p1 s5, s22  }
0x39: {  	[tilespmem:s24], [sflag:s28] =	stream.strided.gather @p1 [hbm4b:s22+s29], $0x80, s30, s29, $0x200038;
	[tilespmem:$0x6180] =	vst v63  }
0x3a: {  	s28 =	sshra.s32 s26, $0x1F  }
0x3b: {  	s22 =	sshrl.u32 s28, $0x1A  }
0x3c: {  	s22 =	sadd.s32 s22, s26  }
0x3d: {  	s29 =	sand.u32 $0xFFFFFFC0, s22  }
0x3e: {  	p3 =	slt.s32 s26, $0x1;
	p4 =	sne.s32 s26, s29  }
0x3f: {  	p2 =	seq.s32 s14, $0x10;
	p3 =	por !p3, !p4  }
0x40: {  	s24 =	simm.s32 $0x1;
	s26 =	sand.u32 $0x3F, s26;
	p3 =	por !p3, !p3  }
0x41: {  	s22 =	sshra.s32 s22, $0x6;
	s24 =	simm.s32 @!p3 $0x0;
	p3 =	sne.s32 @!p2 s25, s26  }
0x42: {  	s22 =	ssub.s32 s22, s24;
	p3 =	por p2, p3  }
0x43: {  	p4 =	seq.s32 @!p3 s23, s22  }
0x44: {  	p3 =	por p3, !p4  }
0x45: {  	_ =	strace @p1 $0x90000049;
	s22 =	sand.u32 @p3 $0x1, s17  }
0x46: {  	_ =	strace @p3 $0x8000004A;
	s22 =	sadd.s32 @p3 $0x1, s22  }
0x47: {  	_ =	swait.ge @p3 [sflag:s22], $0x80  }
0x48: {  	[sflag:s22] =	ssyncset.done @p3 $0x0  }
0x49: {  	[sflag:s22] =	ssyncadd.s32 @p3 $0xFFFFFF80  }
0x4a: {  	s30 =	sshll.u32 s17, $0x7;
	_ =	strace @p3 $0x9000004A  }
0x4b: {  	s22 =	sand.u32 $0x80, s30;
	_ =	strace $0x8000004B  }
0x4c: {  	v9 =	vld.idx.msk [tilespmem:v0+s22+$0x80], $0xffff;
	_ =	sdelay $0x4  }
0x4d: {  	v9 =	vadd.s32 v6, v9  }
0x4e: {  	[tilespmem:$0x0] =	vst v9  }
0x4f: {  	v9 =	vld.idx.msk [tilespmem:v1+s22+$0x80], $0xffff;
	_ =	sdelay $0x4  }
0x50: {  	v9 =	vadd.s32 v6, v9  }
0x51: {  	[tilespmem:$0x10] =	vst v9  }
0x52: {  	v9 =	vld.idx.msk [tilespmem:v2+s22+$0x80], $0xffff;
	_ =	sdelay $0x4  }
0x53: {  	v9 =	vadd.s32 v6, v9  }
0x54: {  	[tilespmem:$0x20] =	vst v9  }
0x55: {  	v9 =	vld.idx.msk [tilespmem:v3+s22+$0x80], $0xffff;
	_ =	sdelay $0x4  }
0x56: {  	v9 =	vadd.s32 v6, v9  }
0x57: {  	[tilespmem:$0x30] =	vst v9  }
0x58: {  	v9 =	vld.idx.msk [tilespmem:v4+s22+$0x80], $0xffff;
	_ =	sdelay $0x4  }
0x59: {  	v9 =	vadd.s32 v6, v9  }
0x5a: {  	[tilespmem:$0x40] =	vst v9  }
0x5b: {  	v9 =	vld.idx.msk [tilespmem:v5+s22+$0x80], $0xffff;
	_ =	sdelay $0x4  }
0x5c: {  	v9 =	vadd.s32 v6, v9  }
0x5d: {  	[tilespmem:$0x50] =	vst v9  }
0x5e: {  	v9 =	vld.idx.msk [tilespmem:v7+s22+$0x80], $0xffff;
	_ =	sdelay $0x4  }
0x5f: {  	v9 =	vadd.s32 v6, v9  }
0x60: {  	[tilespmem:$0x60] =	vst v9  }
0x61: {  	v9 =	vld.idx.msk [tilespmem:v8+s22+$0x80], $0xffff;
	_ =	sdelay $0x1  }
0x62: {  	s22 =	sand.u32 $0x1, s16  }
0x63: {  	s31 =	smul.u32 $0xC000, s22;
	_ =	sdelay $0x1  }
0x64: {  	p5 =	seq.s32 s14, $0x1;
	p6 =	sne.s32 s20, s19;
	s23 =	sshrl.u32 s31, $0x2;
	v9 =	vadd.s32 v6, v9  }
0x65: {  	p4 =	por p5, p6;
	s23 =	sor.u32 $0x180, s23;
	[tilespmem:$0x70] =	vst v9  }
0x66: {  	[tilespmem:s23], [sflag:$0x5] =	stream.indirect.gather [hbm4b:s2+s10], $0x60, s3, s10, $0x2000b8;
	[tilespmem:$0x6180] =	vst v63  }
0x67: {  	s20 =	smul.u32 @p4 $0x3000, s21;
	_ =	swait.ge [sflag:s11], $0x3000  }
0x68: {  	[sflag:s11] =	ssyncset.done $0x0  }
0x69: {  	s20 =	sshrl.u32 @p4 s20, $0x3;
	[sflag:s11] =	ssyncadd.s32 $0xFFFFD000  }
0x6a: {  	s20 =	sadd.s32 @p4 s6, s20;
	_ =	strace $0x9000004B  }
0x6b: {  	s21 =	sadd.s32 @p4 $0x3, s22;
	s22 =	simm.s32 @p4 $0x0;
	_ =	strace @p4 $0x8000004C  }
0x6c: {  	[hbm4b:s20+s22] =	stream.linear.scatter @p4 [tilespmem:s23], [sflag:s21], $0x3000, $0x200038;
	[tilespmem:$0x6180] =	vst v63  }
0x6d: {  	s21 =	sand.u32 @!p2 $0x1, s15;
	_ =	strace @p4 $0x9000004C  }
0x6e: {  	s21 =	sadd.s32 @!p2 $0x3, s21;
	_ =	strace @!p2 $0x8000004D  }
0x6f: {  	p0 =	por p5, p0;
	s20 =	simm.s32 $0x1;
	_ =	swait.ge @!p2 [sflag:s21], $0x3000  }
0x70: {  	s20 =	simm.s32 @!p1 $0x0;
	p1 =	sne.s32 s14, $0x10;
	[sflag:s21] =	ssyncset.done @!p2 $0x0  }
0x71: {  	s14 =	sadd.s32 $0xFFFFFFFF, s14;
	[sflag:s21] =	ssyncadd.s32 @!p2 $0xFFFFD000;
	s21 =	simm.s32 $0x1  }
0x72: {  	s21 =	simm.s32 @!p0 $0x0;
	p0 =	sne.s32 s14, $0x0  }
.Ltmp0:
0x73: {  	_ = 	snop;
	(pc) =	sbr.rel @p0 .LBB2_2-.Ltmp0, $4  }
0x74: {  	s22 =	simm.s32 $0x1;
	s18 =	sadd.s32 s20, s18;
	s20 =	simm.s32 $0x1  }
0x75: {  	s22 =	simm.s32 @!p4 $0x0;
	s20 =	simm.s32 @!p1 $0x0  }
0x76: {  	s16 =	sadd.s32 s22, s16;
	s15 =	sadd.s32 s20, s15  }
0x77: {  	s20 =	smov.u32 s19;
	_ =	strace @!p2 $0x9000004D;
	s17 =	sadd.s32 s21, s17  }
0x78: {  	s13 =	sadd.s32 $0x1, s13  }
0x79: {  	p0 =	sne.s32 s13, s8  }
.Ltmp1:
0x7a: {  	_ =	strace $0x8000004E;
	(pc) =	sbr.rel @p0 .LBB2_1-.Ltmp1, $4  }
0x7b: {  	_ =	swait.ge [sflag:s12], $0x3000  }
0x7c: {  	[sflag:s12] =	ssyncset.done $0x0  }
0x7d: {  	[sflag:s12] =	ssyncadd.s32 $0xFFFFD000  }
0x7e: {  	_ =	strace $0x9000004E  }
0x7f: {  	_ =	sfence.sel $0x180000  }
0x80: {  	[bflag:$0x0] =	sbarrier.arrive $0xFFFF  }
0x81: {  	p0 =	sne.s32 s0, $0x0;
	_ =	strace $0x90000047  }
0x82: {  	s0 =	sadd.s32 @!p0 $0x100000, s4;
	[bflag:$0x2] =	sbarrier.arrive $0xFFFF  }
0x83: {  	[sflag:s0] =	ssyncadd.tile.s32 @!p0 $0x1;
	_ =	shalt  }
.Lfunc_end2:
_tile_overlayer_lowered:
.L_overlay_start_2:
0x84: {  	(tag) =	ssettag $0x2  }
0x85: {  	s0 =	rddreg [dreg:$0x0];
	s2 =	stileid.u32  }
0x86: {  	s1 =	rddreg [dreg:$0x1];
	p0 =	sne.s32 s2, $0x0  }
0x87: {  	s3 =	rddreg [dreg:$0x2];
	[bflag:$0x3] =	sbarrier.arrive $0xFFFF;
	s2 =	simm.s32 @!p0 $0x1C01  }
0x88: {  	[timem:s3], [sflag:s2] =	dma.local @!p0 [hbm:s0], s1  }
0x89: {  	s0 =	simm.s32 @!p0 $0x1  }
0x8a: {  	_ =	swait.ge @!p0 [sflag:s0], s1  }
0x8b: {  	s1 =	ssub.s32 @!p0 $0x0, s1;
	[sflag:s0] =	ssyncset.done @!p0 $0x0  }
0x8c: {  	[sflag:s0] =	ssyncadd.s32 @!p0 s1  }
0x8d: {  	[bflag:$0x3] =	sbarrier.arrive $0xFFFF  }
0x8e: {  	_ =	shalt  }

</sc_bundles>
